<compile_context>
chip_gen: v7x
topology: tpu7x:2x2x1
jax: 0.10.2.dev20260603
libtpu: 0.0.44.dev20260713+nightly
codegen_flags: <defaults>
</compile_context>

<pallas_src>
import jax
import jax.numpy as jnp
from jax import lax
from jax.experimental import pallas as pl
from jax.experimental.pallas import tpu as pltpu
from jax.experimental.pallas import tpu_sc as plsc

_N_USERS = 100000
_N_ITEMS = 1000000
_DIM = 32
_NW = 32
_CR = 1000


def _copy_table(src, dst, wid, buf, total_rows):
    nch = total_rows // _CR
    nfull = nch // _NW
    nextra = nch - nfull * _NW

    def chunk(ref, j):
        return ref.at[pl.ds(j * _CR, _CR), :]

    for t in range(nfull):
        pltpu.sync_copy(chunk(src, t * _NW + wid), buf)
        pltpu.sync_copy(buf, chunk(dst, t * _NW + wid))
    if nextra:
        @pl.when(wid < nextra)
        def _tail():
            j = nfull * _NW + wid
            pltpu.sync_copy(chunk(src, j), buf)
            pltpu.sync_copy(buf, chunk(dst, j))


def _copy_body(u_in, i_in, u_out, i_out, shared):
    sid = lax.axis_index("s")
    wid = sid * 2 + lax.axis_index("c")
    buf = shared.at[sid]
    _copy_table(i_in, i_out, wid, buf, _N_ITEMS)
    _copy_table(u_in, u_out, wid, buf, _N_USERS)


@jax.jit
def _sc_copy(user_weight, item_weight):
    mesh = plsc.VectorSubcoreMesh(core_axis_name="c", subcore_axis_name="s")
    run = pl.kernel(
        _copy_body,
        out_type=(
            jax.ShapeDtypeStruct((_N_USERS, _DIM), jnp.float32),
            jax.ShapeDtypeStruct((_N_ITEMS, _DIM), jnp.float32),
        ),
        mesh=mesh,
        scratch_types=[
            pltpu.VMEM_SHARED((16, _CR, _DIM), jnp.float32),
        ],
    )
    return run(user_weight, item_weight)


def kernel(adj, user_weight, item_weight):
    del adj
    return _sc_copy(user_weight, item_weight)

# --- scband reference (transcript-rebuilt; emitter-appended) ---
"""Pipeline reference for scband-mf-34935263985869 (READ-ONLY COPY).

The authoritative reference and input builder live on the scoring server;
editing this copy changes nothing except your own understanding.
"""

import jax, jax.numpy as jnp
import numpy as np

N_USERS = 100000
N_ITEMS = 1000000
EMBED_DIM = 32

def _xavier_uniform(key, shape):
    fan_in, fan_out = shape[0], shape[1]
    limit = (6.0 / (fan_in + fan_out)) ** 0.5
    return jax.random.uniform(key, shape, dtype=jnp.float32, minval=-limit, maxval=limit)

def setup_inputs(seed: int = 0) -> dict:
    key = jax.random.key(seed)
    k_adj, k_u, k_i = jax.random.split(key, 3)
    adj = jax.random.normal(k_adj, (1024, 2), dtype=jnp.float32)
    user_weight = _xavier_uniform(k_u, (N_USERS, EMBED_DIM))
    item_weight = _xavier_uniform(k_i, (N_ITEMS, EMBED_DIM))
    return {"adj": adj, "user_weight": user_weight, "item_weight": item_weight}

def reference(adj, user_weight, item_weight):
    # Faithful translation: MF.forward ignores adj and returns both full
    # embedding tables (user and item embeddings).
    u_g_embeddings = user_weight
    i_g_embeddings = item_weight
    return (u_g_embeddings, i_g_embeddings)

if __name__ == "__main__":
    import jax
    _d = setup_inputs()
    print(jax.jit(kernel)(*tuple(_d.values())))

</pallas_src>

<mosaic_0001>
#map = affine_map<(d0, d1) -> (0, 0)>
module attributes {stable_mosaic.version = 14 : i64} {
  func.func @_copy_body(%arg0: i32, %arg1: i32, %arg2: memref<100000x32xf32, #tpu.memory_space<hbm>>, %arg3: memref<1000000x32xf32, #tpu.memory_space<hbm>>, %arg4: memref<100000x32xf32, #tpu.memory_space<hbm>>, %arg5: memref<1000000x32xf32, #tpu.memory_space<hbm>>, %arg6: memref<16x1000x32xf32, #tpu.memory_space<vmem_shared>>) attributes {dimension_semantics = [#tpu.dimension_semantics<core_parallel>, #tpu.dimension_semantics<subcore_parallel>], iteration_bounds = array<i64: 2, 16>, scalar_prefetch = 0 : i64, scratch_operands = 1 : i64, tpu.core_type = #tpu.core_type<sc_vector_subcore>, window_params = [{transform_indices = #map}, {transform_indices = #map}, {transform_indices = #map}, {transform_indices = #map}]} {
    %mul3A = arith.constant 2 : i32
    %mul3A_0 = arith.muli %arg1, %mul3A : i32
    %add3A = arith.addi %mul3A_0, %arg0 : i32
    %add3A_1 = arith.constant 0 : i32
    %add3A_2 = arith.addi %add3A_1, %add3A : i32
    %mul3A_3 = arith.constant 1000 : i32
    %mul3A_4 = arith.muli %add3A_2, %mul3A_3 : i32
    "tpu.region"() ({
      %run_scoped3A = tpu.sem_alloc : memref<!tpu.dma_semaphore, #tpu.memory_space<semaphore_mem>>
      %dma_start3A = arith.constant 0 : i32
      %dma_start3A_280 = arith.constant 0 : i32
      %dma_start3A_281 = tpu.memref_slice %arg6[%arg1, %dma_start3A, %dma_start3A_280] : memref<16x1000x32xf32, #tpu.memory_space<vmem_shared>> -> memref<1x1000x32xf32, #tpu.memory_space<vmem_shared>>
      %dma_start3A_282 = tpu.memref_squeeze %dma_start3A_281 : memref<1x1000x32xf32, #tpu.memory_space<vmem_shared>> -> memref<1000x32xf32, #tpu.memory_space<vmem_shared>>
      %dma_start3A_283 = arith.constant 0 : i32
      %dma_start3A_284 = tpu.memref_slice %arg3[%mul3A_4, %dma_start3A_283] : memref<1000000x32xf32, #tpu.memory_space<hbm>> -> memref<1000x32xf32, #tpu.memory_space<hbm>>
      tpu.enqueue_dma source(%dma_start3A_284 : memref<1000x32xf32, #tpu.memory_space<hbm>>) target(%dma_start3A_282 : memref<1000x32xf32, #tpu.memory_space<vmem_shared>>) target_semaphore(%run_scoped3A : memref<!tpu.dma_semaphore, #tpu.memory_space<semaphore_mem>>)
      %dma_wait3A = arith.constant 0 : i32
      %dma_wait3A_285 = arith.constant 0 : i32
      %dma_wait3A_286 = tpu.memref_slice %arg6[%arg1, %dma_wait3A, %dma_wait3A_285] : memref<16x1000x32xf32, #tpu.memory_space<vmem_shared>> -> memref<1x1000x32xf32, #tpu.memory_space<vmem_shared>>
      %dma_wait3A_287 = tpu.memref_squeeze %dma_wait3A_286 : memref<1x1000x32xf32, #tpu.memory_space<vmem_shared>> -> memref<1000x32xf32, #tpu.memory_space<vmem_shared>>
      %dma_wait3A_288 = arith.constant 0 : i32
      %dma_wait3A_289 = tpu.memref_slice %arg3[%mul3A_4, %dma_wait3A_288] : memref<1000000x32xf32, #tpu.memory_space<hbm>> -> memref<1000x32xf32, #tpu.memory_space<hbm>>
      tpu.wait_dma2 semaphore(%run_scoped3A : memref<!tpu.dma_semaphore, #tpu.memory_space<semaphore_mem>>) src(%dma_wait3A_289 : memref<1000x32xf32, #tpu.memory_space<hbm>>) dst(%dma_wait3A_287 : memref<1000x32xf32, #tpu.memory_space<vmem_shared>>)
      tpu.yield
    }) : () -> ()
    %add3A_5 = arith.constant 0 : i32
    %add3A_6 = arith.addi %add3A_5, %add3A : i32
    %mul3A_7 = arith.constant 1000 : i32
    %mul3A_8 = arith.muli %add3A_6, %mul3A_7 : i32
    "tpu.region"() ({
      %run_scoped3A = tpu.sem_alloc : memref<!tpu.dma_semaphore, #tpu.memory_space<semaphore_mem>>
      %dma_start3A = arith.constant 0 : i32
      %dma_start3A_280 = tpu.memref_slice %arg5[%mul3A_8, %dma_start3A] : memref<1000000x32xf32, #tpu.memory_space<hbm>> -> memref<1000x32xf32, #tpu.memory_space<hbm>>
      %dma_start3A_281 = arith.constant 0 : i32
      %dma_start3A_282 = arith.constant 0 : i32
      %dma_start3A_283 = tpu.memref_slice %arg6[%arg1, %dma_start3A_281, %dma_start3A_282] : memref<16x1000x32xf32, #tpu.memory_space<vmem_shared>> -> memref<1x1000x32xf32, #tpu.memory_space<vmem_shared>>
      %dma_start3A_284 = tpu.memref_squeeze %dma_start3A_283 : memref<1x1000x32xf32, #tpu.memory_space<vmem_shared>> -> memref<1000x32xf32, #tpu.memory_space<vmem_shared>>
      tpu.enqueue_dma source(%dma_start3A_284 : memref<1000x32xf32, #tpu.memory_space<vmem_shared>>) target(%dma_start3A_280 : memref<1000x32xf32, #tpu.memory_space<hbm>>) target_semaphore(%run_scoped3A : memref<!tpu.dma_semaphore, #tpu.memory_space<semaphore_mem>>)
      %dma_wait3A = arith.constant 0 : i32
      %dma_wait3A_285 = tpu.memref_slice %arg5[%mul3A_8, %dma_wait3A] : memref<1000000x32xf32, #tpu.memory_space<hbm>> -> memref<1000x32xf32, #tpu.memory_space<hbm>>
      %dma_wait3A_286 = arith.constant 0 : i32
      %dma_wait3A_287 = arith.constant 0 : i32
      %dma_wait3A_288 = tpu.memref_slice %arg6[%arg1, %dma_wait3A_286, %dma_wait3A_287] : memref<16x1000x32xf32, #tpu.memory_space<vmem_shared>> -> memref<1x1000x32xf32, #tpu.memory_space<vmem_shared>>
      %dma_wait3A_289 = tpu.memref_squeeze %dma_wait3A_288 : memref<1x1000x32xf32, #tpu.memory_space<vmem_shared>> -> memref<1000x32xf32, #tpu.memory_space<vmem_shared>>
      tpu.wait_dma2 semaphore(%run_scoped3A : memref<!tpu.dma_semaphore, #tpu.memory_space<semaphore_mem>>) src(%dma_wait3A_289 : memref<1000x32xf32, #tpu.memory_space<vmem_shared>>) dst(%dma_wait3A_285 : memref<1000x32xf32, #tpu.memory_space<hbm>>)
      tpu.yield
    }) : () -> ()
    %add3A_9 = arith.constant 32 : i32
    %add3A_10 = arith.addi %add3A_9, %add3A : i32
    %mul3A_11 = arith.constant 1000 : i32
    %mul3A_12 = arith.muli %add3A_10, %mul3A_11 : i32
    "tpu.region"() ({
      %run_scoped3A = tpu.sem_alloc : memref<!tpu.dma_semaphore, #tpu.memory_space<semaphore_mem>>
      %dma_start3A = arith.constant 0 : i32
      %dma_start3A_280 = arith.constant 0 : i32
      %dma_start3A_281 = tpu.memref_slice %arg6[%arg1, %dma_start3A, %dma_start3A_280] : memref<16x1000x32xf32, #tpu.memory_space<vmem_shared>> -> memref<1x1000x32xf32, #tpu.memory_space<vmem_shared>>
      %dma_start3A_282 = tpu.memref_squeeze %dma_start3A_281 : memref<1x1000x32xf32, #tpu.memory_space<vmem_shared>> -> memref<1000x32xf32, #tpu.memory_space<vmem_shared>>
      %dma_start3A_283 = arith.constant 0 : i32
      %dma_start3A_284 = tpu.memref_slice %arg3[%mul3A_12, %dma_start3A_283] : memref<1000000x32xf32, #tpu.memory_space<hbm>> -> memref<1000x32xf32, #tpu.memory_space<hbm>>
      tpu.enqueue_dma source(%dma_start3A_284 : memref<1000x32xf32, #tpu.memory_space<hbm>>) target(%dma_start3A_282 : memref<1000x32xf32, #tpu.memory_space<vmem_shared>>) target_semaphore(%run_scoped3A : memref<!tpu.dma_semaphore, #tpu.memory_space<semaphore_mem>>)
      %dma_wait3A = arith.constant 0 : i32
      %dma_wait3A_285 = arith.constant 0 : i32
      %dma_wait3A_286 = tpu.memref_slice %arg6[%arg1, %dma_wait3A, %dma_wait3A_285] : memref<16x1000x32xf32, #tpu.memory_space<vmem_shared>> -> memref<1x1000x32xf32, #tpu.memory_space<vmem_shared>>
      %dma_wait3A_287 = tpu.memref_squeeze %dma_wait3A_286 : memref<1x1000x32xf32, #tpu.memory_space<vmem_shared>> -> memref<1000x32xf32, #tpu.memory_space<vmem_shared>>
      %dma_wait3A_288 = arith.constant 0 : i32
      %dma_wait3A_289 = tpu.memref_slice %arg3[%mul3A_12, %dma_wait3A_288] : memref<1000000x32xf32, #tpu.memory_space<hbm>> -> memref<1000x32xf32, #tpu.memory_space<hbm>>
      tpu.wait_dma2 semaphore(%run_scoped3A : memref<!tpu.dma_semaphore, #tpu.memory_space<semaphore_mem>>) src(%dma_wait3A_289 : memref<1000x32xf32, #tpu.memory_space<hbm>>) dst(%dma_wait3A_287 : memref<1000x32xf32, #tpu.memory_space<vmem_shared>>)
      tpu.yield
    }) : () -> ()
    %add3A_13 = arith.constant 32 : i32
    %add3A_14 = arith.addi %add3A_13, %add3A : i32
    %mul3A_15 = arith.constant 1000 : i32
    %mul3A_16 = arith.muli %add3A_14, %mul3A_15 : i32
    "tpu.region"() ({
      %run_scoped3A = tpu.sem_alloc : memref<!tpu.dma_semaphore, #tpu.memory_space<semaphore_mem>>
      %dma_start3A = arith.constant 0 : i32
      %dma_start3A_280 = tpu.memref_slice %arg5[%mul3A_16, %dma_start3A] : memref<1000000x32xf32, #tpu.memory_space<hbm>> -> memref<1000x32xf32, #tpu.memory_space<hbm>>
      %dma_start3A_281 = arith.constant 0 : i32
      %dma_start3A_282 = arith.constant 0 : i32
      %dma_start3A_283 = tpu.memref_slice %arg6[%arg1, %dma_start3A_281, %dma_start3A_282] : memref<16x1000x32xf32, #tpu.memory_space<vmem_shared>> -> memref<1x1000x32xf32, #tpu.memory_space<vmem_shared>>
      %dma_start3A_284 = tpu.memref_squeeze %dma_start3A_283 : memref<1x1000x32xf32, #tpu.memory_space<vmem_shared>> -> memref<1000x32xf32, #tpu.memory_space<vmem_shared>>
      tpu.enqueue_dma source(%dma_start3A_284 : memref<1000x32xf32, #tpu.memory_space<vmem_shared>>) target(%dma_start3A_280 : memref<1000x32xf32, #tpu.memory_space<hbm>>) target_semaphore(%run_scoped3A : memref<!tpu.dma_semaphore, #tpu.memory_space<semaphore_mem>>)
      %dma_wait3A = arith.constant 0 : i32
      %dma_wait3A_285 = tpu.memref_slice %arg5[%mul3A_16, %dma_wait3A] : memref<1000000x32xf32, #tpu.memory_space<hbm>> -> memref<1000x32xf32, #tpu.memory_space<hbm>>
      %dma_wait3A_286 = arith.constant 0 : i32
      %dma_wait3A_287 = arith.constant 0 : i32
      %dma_wait3A_288 = tpu.memref_slice %arg6[%arg1, %dma_wait3A_286, %dma_wait3A_287] : memref<16x1000x32xf32, #tpu.memory_space<vmem_shared>> -> memref<1x1000x32xf32, #tpu.memory_space<vmem_shared>>
      %dma_wait3A_289 = tpu.memref_squeeze %dma_wait3A_288 : memref<1x1000x32xf32, #tpu.memory_space<vmem_shared>> -> memref<1000x32xf32, #tpu.memory_space<vmem_shared>>
      tpu.wait_dma2 semaphore(%run_scoped3A : memref<!tpu.dma_semaphore, #tpu.memory_space<semaphore_mem>>) src(%dma_wait3A_289 : memref<1000x32xf32, #tpu.memory_space<vmem_shared>>) dst(%dma_wait3A_285 : memref<1000x32xf32, #tpu.memory_space<hbm>>)
      tpu.yield
    }) : () -> ()
    %add3A_17 = arith.constant 64 : i32
    %add3A_18 = arith.addi %add3A_17, %add3A : i32
    %mul3A_19 = arith.constant 1000 : i32
    %mul3A_20 = arith.muli %add3A_18, %mul3A_19 : i32
    "tpu.region"() ({
      %run_scoped3A = tpu.sem_alloc : memref<!tpu.dma_semaphore, #tpu.memory_space<semaphore_mem>>
      %dma_start3A = arith.constant 0 : i32
      %dma_start3A_280 = arith.constant 0 : i32
      %dma_start3A_281 = tpu.memref_slice %arg6[%arg1, %dma_start3A, %dma_start3A_280] : memref<16x1000x32xf32, #tpu.memory_space<vmem_shared>> -> memref<1x1000x32xf32, #tpu.memory_space<vmem_shared>>
      %dma_start3A_282 = tpu.memref_squeeze %dma_start3A_281 : memref<1x1000x32xf32, #tpu.memory_space<vmem_shared>> -> memref<1000x32xf32, #tpu.memory_space<vmem_shared>>
      %dma_start3A_283 = arith.constant 0 : i32
      %dma_start3A_284 = tpu.memref_slice %arg3[%mul3A_20, %dma_start3A_283] : memref<1000000x32xf32, #tpu.memory_space<hbm>> -> memref<1000x32xf32, #tpu.memory_space<hbm>>
      tpu.enqueue_dma source(%dma_start3A_284 : memref<1000x32xf32, #tpu.memory_space<hbm>>) target(%dma_start3A_282 : memref<1000x32xf32, #tpu.memory_space<vmem_shared>>) target_semaphore(%run_scoped3A : memref<!tpu.dma_semaphore, #tpu.memory_space<semaphore_mem>>)
      %dma_wait3A = arith.constant 0 : i32
      %dma_wait3A_285 = arith.constant 0 : i32
      %dma_wait3A_286 = tpu.memref_slice %arg6[%arg1, %dma_wait3A, %dma_wait3A_285] : memref<16x1000x32xf32, #tpu.memory_space<vmem_shared>> -> memref<1x1000x32xf32, #tpu.memory_space<vmem_shared>>
      %dma_wait3A_287 = tpu.memref_squeeze %dma_wait3A_286 : memref<1x1000x32xf32, #tpu.memory_space<vmem_shared>> -> memref<1000x32xf32, #tpu.memory_space<vmem_shared>>
      %dma_wait3A_288 = arith.constant 0 : i32
      %dma_wait3A_289 = tpu.memref_slice %arg3[%mul3A_20, %dma_wait3A_288] : memref<1000000x32xf32, #tpu.memory_space<hbm>> -> memref<1000x32xf32, #tpu.memory_space<hbm>>
      tpu.wait_dma2 semaphore(%run_scoped3A : memref<!tpu.dma_semaphore, #tpu.memory_space<semaphore_mem>>) src(%dma_wait3A_289 : memref<1000x32xf32, #tpu.memory_space<hbm>>) dst(%dma_wait3A_287 : memref<1000x32xf32, #tpu.memory_space<vmem_shared>>)
      tpu.yield
    }) : () -> ()
    %add3A_21 = arith.constant 64 : i32
    %add3A_22 = arith.addi %add3A_21, %add3A : i32
    %mul3A_23 = arith.constant 1000 : i32
    %mul3A_24 = arith.muli %add3A_22, %mul3A_23 : i32
    "tpu.region"() ({
      %run_scoped3A = tpu.sem_alloc : memref<!tpu.dma_semaphore, #tpu.memory_space<semaphore_mem>>
      %dma_start3A = arith.constant 0 : i32
      %dma_start3A_280 = tpu.memref_slice %arg5[%mul3A_24, %dma_start3A] : memref<1000000x32xf32, #tpu.memory_space<hbm>> -> memref<1000x32xf32, #tpu.memory_space<hbm>>
      %dma_start3A_281 = arith.constant 0 : i32
      %dma_start3A_282 = arith.constant 0 : i32
      %dma_start3A_283 = tpu.memref_slice %arg6[%arg1, %dma_start3A_281, %dma_start3A_282] : memref<16x1000x32xf32, #tpu.memory_space<vmem_shared>> -> memref<1x1000x32xf32, #tpu.memory_space<vmem_shared>>
      %dma_start3A_284 = tpu.memref_squeeze %dma_start3A_283 : memref<1x1000x32xf32, #tpu.memory_space<vmem_shared>> -> memref<1000x32xf32, #tpu.memory_space<vmem_shared>>
      tpu.enqueue_dma source(%dma_start3A_284 : memref<1000x32xf32, #tpu.memory_space<vmem_shared>>) target(%dma_start3A_280 : memref<1000x32xf32, #tpu.memory_space<hbm>>) target_semaphore(%run_scoped3A : memref<!tpu.dma_semaphore, #tpu.memory_space<semaphore_mem>>)
      %dma_wait3A = arith.constant 0 : i32
      %dma_wait3A_285 = tpu.memref_slice %arg5[%mul3A_24, %dma_wait3A] : memref<1000000x32xf32, #tpu.memory_space<hbm>> -> memref<1000x32xf32, #tpu.memory_space<hbm>>
      %dma_wait3A_286 = arith.constant 0 : i32
      %dma_wait3A_287 = arith.constant 0 : i32
      %dma_wait3A_288 = tpu.memref_slice %arg6[%arg1, %dma_wait3A_286, %dma_wait3A_287] : memref<16x1000x32xf32, #tpu.memory_space<vmem_shared>> -> memref<1x1000x32xf32, #tpu.memory_space<vmem_shared>>
      %dma_wait3A_289 = tpu.memref_squeeze %dma_wait3A_288 : memref<1x1000x32xf32, #tpu.memory_space<vmem_shared>> -> memref<1000x32xf32, #tpu.memory_space<vmem_shared>>
      tpu.wait_dma2 semaphore(%run_scoped3A : memref<!tpu.dma_semaphore, #tpu.memory_space<semaphore_mem>>) src(%dma_wait3A_289 : memref<1000x32xf32, #tpu.memory_space<vmem_shared>>) dst(%dma_wait3A_285 : memref<1000x32xf32, #tpu.memory_space<hbm>>)
      tpu.yield
    }) : () -> ()
    %add3A_25 = arith.constant 96 : i32
    %add3A_26 = arith.addi %add3A_25, %add3A : i32
    %mul3A_27 = arith.constant 1000 : i32
    %mul3A_28 = arith.muli %add3A_26, %mul3A_27 : i32
    "tpu.region"() ({
      %run_scoped3A = tpu.sem_alloc : memref<!tpu.dma_semaphore, #tpu.memory_space<semaphore_mem>>
      %dma_start3A = arith.constant 0 : i32
      %dma_start3A_280 = arith.constant 0 : i32
      %dma_start3A_281 = tpu.memref_slice %arg6[%arg1, %dma_start3A, %dma_start3A_280] : memref<16x1000x32xf32, #tpu.memory_space<vmem_shared>> -> memref<1x1000x32xf32, #tpu.memory_space<vmem_shared>>
      %dma_start3A_282 = tpu.memref_squeeze %dma_start3A_281 : memref<1x1000x32xf32, #tpu.memory_space<vmem_shared>> -> memref<1000x32xf32, #tpu.memory_space<vmem_shared>>
      %dma_start3A_283 = arith.constant 0 : i32
      %dma_start3A_284 = tpu.memref_slice %arg3[%mul3A_28, %dma_start3A_283] : memref<1000000x32xf32, #tpu.memory_space<hbm>> -> memref<1000x32xf32, #tpu.memory_space<hbm>>
      tpu.enqueue_dma source(%dma_start3A_284 : memref<1000x32xf32, #tpu.memory_space<hbm>>) target(%dma_start3A_282 : memref<1000x32xf32, #tpu.memory_space<vmem_shared>>) target_semaphore(%run_scoped3A : memref<!tpu.dma_semaphore, #tpu.memory_space<semaphore_mem>>)
      %dma_wait3A = arith.constant 0 : i32
      %dma_wait3A_285 = arith.constant 0 : i32
      %dma_wait3A_286 = tpu.memref_slice %arg6[%arg1, %dma_wait3A, %dma_wait3A_285] : memref<16x1000x32xf32, #tpu.memory_space<vmem_shared>> -> memref<1x1000x32xf32, #tpu.memory_space<vmem_shared>>
      %dma_wait3A_287 = tpu.memref_squeeze %dma_wait3A_286 : memref<1x1000x32xf32, #tpu.memory_space<vmem_shared>> -> memref<1000x32xf32, #tpu.memory_space<vmem_shared>>
      %dma_wait3A_288 = arith.constant 0 : i32
      %dma_wait3A_289 = tpu.memref_slice %arg3[%mul3A_28, %dma_wait3A_288] : memref<1000000x32xf32, #tpu.memory_space<hbm>> -> memref<1000x32xf32, #tpu.memory_space<hbm>>
      tpu.wait_dma2 semaphore(%run_scoped3A : memref<!tpu.dma_semaphore, #tpu.memory_space<semaphore_mem>>) src(%dma_wait3A_289 : memref<1000x32xf32, #tpu.memory_space<hbm>>) dst(%dma_wait3A_287 : memref<1000x32xf32, #tpu.memory_space<vmem_shared>>)
      tpu.yield
    }) : () -> ()
    %add3A_29 = arith.constant 96 : i32
    %add3A_30 = arith.addi %add3A_29, %add3A : i32
    %mul3A_31 = arith.constant 1000 : i32
    %mul3A_32 = arith.muli %add3A_30, %mul3A_31 : i32
    "tpu.region"() ({
      %run_scoped3A = tpu.sem_alloc : memref<!tpu.dma_semaphore, #tpu.memory_space<semaphore_mem>>
      %dma_start3A = arith.constant 0 : i32
      %dma_start3A_280 = tpu.memref_slice %arg5[%mul3A_32, %dma_start3A] : memref<1000000x32xf32, #tpu.memory_space<hbm>> -> memref<1000x32xf32, #tpu.memory_space<hbm>>
      %dma_start3A_281 = arith.constant 0 : i32
      %dma_start3A_282 = arith.constant 0 : i32
      %dma_start3A_283 = tpu.memref_slice %arg6[%arg1, %dma_start3A_281, %dma_start3A_282] : memref<16x1000x32xf32, #tpu.memory_space<vmem_shared>> -> memref<1x1000x32xf32, #tpu.memory_space<vmem_shared>>
      %dma_start3A_284 = tpu.memref_squeeze %dma_start3A_283 : memref<1x1000x32xf32, #tpu.memory_space<vmem_shared>> -> memref<1000x32xf32, #tpu.memory_space<vmem_shared>>
      tpu.enqueue_dma source(%dma_start3A_284 : memref<1000x32xf32, #tpu.memory_space<vmem_shared>>) target(%dma_start3A_280 : memref<1000x32xf32, #tpu.memory_space<hbm>>) target_semaphore(%run_scoped3A : memref<!tpu.dma_semaphore, #tpu.memory_space<semaphore_mem>>)
      %dma_wait3A = arith.constant 0 : i32
      %dma_wait3A_285 = tpu.memref_slice %arg5[%mul3A_32, %dma_wait3A] : memref<1000000x32xf32, #tpu.memory_space<hbm>> -> memref<1000x32xf32, #tpu.memory_space<hbm>>
      %dma_wait3A_286 = arith.constant 0 : i32
      %dma_wait3A_287 = arith.constant 0 : i32
      %dma_wait3A_288 = tpu.memref_slice %arg6[%arg1, %dma_wait3A_286, %dma_wait3A_287] : memref<16x1000x32xf32, #tpu.memory_space<vmem_shared>> -> memref<1x1000x32xf32, #tpu.memory_space<vmem_shared>>
      %dma_wait3A_289 = tpu.memref_squeeze %dma_wait3A_288 : memref<1x1000x32xf32, #tpu.memory_space<vmem_shared>> -> memref<1000x32xf32, #tpu.memory_space<vmem_shared>>
      tpu.wait_dma2 semaphore(%run_scoped3A : memref<!tpu.dma_semaphore, #tpu.memory_space<semaphore_mem>>) src(%dma_wait3A_289 : memref<1000x32xf32, #tpu.memory_space<vmem_shared>>) dst(%dma_wait3A_285 : memref<1000x32xf32, #tpu.memory_space<hbm>>)
      tpu.yield
    }) : () -> ()
    %add3A_33 = arith.constant 128 : i32
    %add3A_34 = arith.addi %add3A_33, %add3A : i32
    %mul3A_35 = arith.constant 1000 : i32
    %mul3A_36 = arith.muli %add3A_34, %mul3A_35 : i32
    "tpu.region"() ({
      %run_scoped3A = tpu.sem_alloc : memref<!tpu.dma_semaphore, #tpu.memory_space<semaphore_mem>>
      %dma_start3A = arith.constant 0 : i32
      %dma_start3A_280 = arith.constant 0 : i32
      %dma_start3A_281 = tpu.memref_slice %arg6[%arg1, %dma_start3A, %dma_start3A_280] : memref<16x1000x32xf32, #tpu.memory_space<vmem_shared>> -> memref<1x1000x32xf32, #tpu.memory_space<vmem_shared>>
      %dma_start3A_282 = tpu.memref_squeeze %dma_start3A_281 : memref<1x1000x32xf32, #tpu.memory_space<vmem_shared>> -> memref<1000x32xf32, #tpu.memory_space<vmem_shared>>
      %dma_start3A_283 = arith.constant 0 : i32
      %dma_start3A_284 = tpu.memref_slice %arg3[%mul3A_36, %dma_start3A_283] : memref<1000000x32xf32, #tpu.memory_space<hbm>> -> memref<1000x32xf32, #tpu.memory_space<hbm>>
      tpu.enqueue_dma source(%dma_start3A_284 : memref<1000x32xf32, #tpu.memory_space<hbm>>) target(%dma_start3A_282 : memref<1000x32xf32, #tpu.memory_space<vmem_shared>>) target_semaphore(%run_scoped3A : memref<!tpu.dma_semaphore, #tpu.memory_space<semaphore_mem>>)
      %dma_wait3A = arith.constant 0 : i32
      %dma_wait3A_285 = arith.constant 0 : i32
      %dma_wait3A_286 = tpu.memref_slice %arg6[%arg1, %dma_wait3A, %dma_wait3A_285] : memref<16x1000x32xf32, #tpu.memory_space<vmem_shared>> -> memref<1x1000x32xf32, #tpu.memory_space<vmem_shared>>
      %dma_wait3A_287 = tpu.memref_squeeze %dma_wait3A_286 : memref<1x1000x32xf32, #tpu.memory_space<vmem_shared>> -> memref<1000x32xf32, #tpu.memory_space<vmem_shared>>
      %dma_wait3A_288 = arith.constant 0 : i32
      %dma_wait3A_289 = tpu.memref_slice %arg3[%mul3A_36, %dma_wait3A_288] : memref<1000000x32xf32, #tpu.memory_space<hbm>> -> memref<1000x32xf32, #tpu.memory_space<hbm>>
      tpu.wait_dma2 semaphore(%run_scoped3A : memref<!tpu.dma_semaphore, #tpu.memory_space<semaphore_mem>>) src(%dma_wait3A_289 : memref<1000x32xf32, #tpu.memory_space<hbm>>) dst(%dma_wait3A_287 : memref<1000x32xf32, #tpu.memory_space<vmem_shared>>)
      tpu.yield
    }) : () -> ()
    %add3A_37 = arith.constant 128 : i32
    %add3A_38 = arith.addi %add3A_37, %add3A : i32
    %mul3A_39 = arith.constant 1000 : i32
    %mul3A_40 = arith.muli %add3A_38, %mul3A_39 : i32
    "tpu.region"() ({
      %run_scoped3A = tpu.sem_alloc : memref<!tpu.dma_semaphore, #tpu.memory_space<semaphore_mem>>
      %dma_start3A = arith.constant 0 : i32
      %dma_start3A_280 = tpu.memref_slice %arg5[%mul3A_40, %dma_start3A] : memref<1000000x32xf32, #tpu.memory_space<hbm>> -> memref<1000x32xf32, #tpu.memory_space<hbm>>
      %dma_start3A_281 = arith.constant 0 : i32
      %dma_start3A_282 = arith.constant 0 : i32
      %dma_start3A_283 = tpu.memref_slice %arg6[%arg1, %dma_start3A_281, %dma_start3A_282] : memref<16x1000x32xf32, #tpu.memory_space<vmem_shared>> -> memref<1x1000x32xf32, #tpu.memory_space<vmem_shared>>
      %dma_start3A_284 = tpu.memref_squeeze %dma_start3A_283 : memref<1x1000x32xf32, #tpu.memory_space<vmem_shared>> -> memref<1000x32xf32, #tpu.memory_space<vmem_shared>>
      tpu.enqueue_dma source(%dma_start3A_284 : memref<1000x32xf32, #tpu.memory_space<vmem_shared>>) target(%dma_start3A_280 : memref<1000x32xf32, #tpu.memory_space<hbm>>) target_semaphore(%run_scoped3A : memref<!tpu.dma_semaphore, #tpu.memory_space<semaphore_mem>>)
      %dma_wait3A = arith.constant 0 : i32
      %dma_wait3A_285 = tpu.memref_slice %arg5[%mul3A_40, %dma_wait3A] : memref<1000000x32xf32, #tpu.memory_space<hbm>> -> memref<1000x32xf32, #tpu.memory_space<hbm>>
      %dma_wait3A_286 = arith.constant 0 : i32
      %dma_wait3A_287 = arith.constant 0 : i32
      %dma_wait3A_288 = tpu.memref_slice %arg6[%arg1, %dma_wait3A_286, %dma_wait3A_287] : memref<16x1000x32xf32, #tpu.memory_space<vmem_shared>> -> memref<1x1000x32xf32, #tpu.memory_space<vmem_shared>>
      %dma_wait3A_289 = tpu.memref_squeeze %dma_wait3A_288 : memref<1x1000x32xf32, #tpu.memory_space<vmem_shared>> -> memref<1000x32xf32, #tpu.memory_space<vmem_shared>>
      tpu.wait_dma2 semaphore(%run_scoped3A : memref<!tpu.dma_semaphore, #tpu.memory_space<semaphore_mem>>) src(%dma_wait3A_289 : memref<1000x32xf32, #tpu.memory_space<vmem_shared>>) dst(%dma_wait3A_285 : memref<1000x32xf32, #tpu.memory_space<hbm>>)
      tpu.yield
    }) : () -> ()
    %add3A_41 = arith.constant 160 : i32
    %add3A_42 = arith.addi %add3A_41, %add3A : i32
    %mul3A_43 = arith.constant 1000 : i32
    %mul3A_44 = arith.muli %add3A_42, %mul3A_43 : i32
    "tpu.region"() ({
      %run_scoped3A = tpu.sem_alloc : memref<!tpu.dma_semaphore, #tpu.memory_space<semaphore_mem>>
      %dma_start3A = arith.constant 0 : i32
      %dma_start3A_280 = arith.constant 0 : i32
      %dma_start3A_281 = tpu.memref_slice %arg6[%arg1, %dma_start3A, %dma_start3A_280] : memref<16x1000x32xf32, #tpu.memory_space<vmem_shared>> -> memref<1x1000x32xf32, #tpu.memory_space<vmem_shared>>
      %dma_start3A_282 = tpu.memref_squeeze %dma_start3A_281 : memref<1x1000x32xf32, #tpu.memory_space<vmem_shared>> -> memref<1000x32xf32, #tpu.memory_space<vmem_shared>>
      %dma_start3A_283 = arith.constant 0 : i32
      %dma_start3A_284 = tpu.memref_slice %arg3[%mul3A_44, %dma_start3A_283] : memref<1000000x32xf32, #tpu.memory_space<hbm>> -> memref<1000x32xf32, #tpu.memory_space<hbm>>
      tpu.enqueue_dma source(%dma_start3A_284 : memref<1000x32xf32, #tpu.memory_space<hbm>>) target(%dma_start3A_282 : memref<1000x32xf32, #tpu.memory_space<vmem_shared>>) target_semaphore(%run_scoped3A : memref<!tpu.dma_semaphore, #tpu.memory_space<semaphore_mem>>)
      %dma_wait3A = arith.constant 0 : i32
      %dma_wait3A_285 = arith.constant 0 : i32
      %dma_wait3A_286 = tpu.memref_slice %arg6[%arg1, %dma_wait3A, %dma_wait3A_285] : memref<16x1000x32xf32, #tpu.memory_space<vmem_shared>> -> memref<1x1000x32xf32, #tpu.memory_space<vmem_shared>>
      %dma_wait3A_287 = tpu.memref_squeeze %dma_wait3A_286 : memref<1x1000x32xf32, #tpu.memory_space<vmem_shared>> -> memref<1000x32xf32, #tpu.memory_space<vmem_shared>>
      %dma_wait3A_288 = arith.constant 0 : i32
      %dma_wait3A_289 = tpu.memref_slice %arg3[%mul3A_44, %dma_wait3A_288] : memref<1000000x32xf32, #tpu.memory_space<hbm>> -> memref<1000x32xf32, #tpu.memory_space<hbm>>
      tpu.wait_dma2 semaphore(%run_scoped3A : memref<!tpu.dma_semaphore, #tpu.memory_space<semaphore_mem>>) src(%dma_wait3A_289 : memref<1000x32xf32, #tpu.memory_space<hbm>>) dst(%dma_wait3A_287 : memref<1000x32xf32, #tpu.memory_space<vmem_shared>>)
      tpu.yield
    }) : () -> ()
    %add3A_45 = arith.constant 160 : i32
    %add3A_46 = arith.addi %add3A_45, %add3A : i32
    %mul3A_47 = arith.constant 1000 : i32
    %mul3A_48 = arith.muli %add3A_46, %mul3A_47 : i32
    "tpu.region"() ({
      %run_scoped3A = tpu.sem_alloc : memref<!tpu.dma_semaphore, #tpu.memory_space<semaphore_mem>>
      %dma_start3A = arith.constant 0 : i32
      %dma_start3A_280 = tpu.memref_slice %arg5[%mul3A_48, %dma_start3A] : memref<1000000x32xf32, #tpu.memory_space<hbm>> -> memref<1000x32xf32, #tpu.memory_space<hbm>>
      %dma_start3A_281 = arith.constant 0 : i32
      %dma_start3A_282 = arith.constant 0 : i32
      %dma_start3A_283 = tpu.memref_slice %arg6[%arg1, %dma_start3A_281, %dma_start3A_282] : memref<16x1000x32xf32, #tpu.memory_space<vmem_shared>> -> memref<1x1000x32xf32, #tpu.memory_space<vmem_shared>>
      %dma_start3A_284 = tpu.memref_squeeze %dma_start3A_283 : memref<1x1000x32xf32, #tpu.memory_space<vmem_shared>> -> memref<1000x32xf32, #tpu.memory_space<vmem_shared>>
      tpu.enqueue_dma source(%dma_start3A_284 : memref<1000x32xf32, #tpu.memory_space<vmem_shared>>) target(%dma_start3A_280 : memref<1000x32xf32, #tpu.memory_space<hbm>>) target_semaphore(%run_scoped3A : memref<!tpu.dma_semaphore, #tpu.memory_space<semaphore_mem>>)
      %dma_wait3A = arith.constant 0 : i32
      %dma_wait3A_285 = tpu.memref_slice %arg5[%mul3A_48, %dma_wait3A] : memref<1000000x32xf32, #tpu.memory_space<hbm>> -> memref<1000x32xf32, #tpu.memory_space<hbm>>
      %dma_wait3A_286 = arith.constant 0 : i32
      %dma_wait3A_287 = arith.constant 0 : i32
      %dma_wait3A_288 = tpu.memref_slice %arg6[%arg1, %dma_wait3A_286, %dma_wait3A_287] : memref<16x1000x32xf32, #tpu.memory_space<vmem_shared>> -> memref<1x1000x32xf32, #tpu.memory_space<vmem_shared>>
      %dma_wait3A_289 = tpu.memref_squeeze %dma_wait3A_288 : memref<1x1000x32xf32, #tpu.memory_space<vmem_shared>> -> memref<1000x32xf32, #tpu.memory_space<vmem_shared>>
      tpu.wait_dma2 semaphore(%run_scoped3A : memref<!tpu.dma_semaphore, #tpu.memory_space<semaphore_mem>>) src(%dma_wait3A_289 : memref<1000x32xf32, #tpu.memory_space<vmem_shared>>) dst(%dma_wait3A_285 : memref<1000x32xf32, #tpu.memory_space<hbm>>)
      tpu.yield
    }) : () -> ()
    %add3A_49 = arith.constant 192 : i32
    %add3A_50 = arith.addi %add3A_49, %add3A : i32
    %mul3A_51 = arith.constant 1000 : i32
    %mul3A_52 = arith.muli %add3A_50, %mul3A_51 : i32
    "tpu.region"() ({
      %run_scoped3A = tpu.sem_alloc : memref<!tpu.dma_semaphore, #tpu.memory_space<semaphore_mem>>
      %dma_start3A = arith.constant 0 : i32
      %dma_start3A_280 = arith.constant 0 : i32
      %dma_start3A_281 = tpu.memref_slice %arg6[%arg1, %dma_start3A, %dma_start3A_280] : memref<16x1000x32xf32, #tpu.memory_space<vmem_shared>> -> memref<1x1000x32xf32, #tpu.memory_space<vmem_shared>>
      %dma_start3A_282 = tpu.memref_squeeze %dma_start3A_281 : memref<1x1000x32xf32, #tpu.memory_space<vmem_shared>> -> memref<1000x32xf32, #tpu.memory_space<vmem_shared>>
      %dma_start3A_283 = arith.constant 0 : i32
      %dma_start3A_284 = tpu.memref_slice %arg3[%mul3A_52, %dma_start3A_283] : memref<1000000x32xf32, #tpu.memory_space<hbm>> -> memref<1000x32xf32, #tpu.memory_space<hbm>>
      tpu.enqueue_dma source(%dma_start3A_284 : memref<1000x32xf32, #tpu.memory_space<hbm>>) target(%dma_start3A_282 : memref<1000x32xf32, #tpu.memory_space<vmem_shared>>) target_semaphore(%run_scoped3A : memref<!tpu.dma_semaphore, #tpu.memory_space<semaphore_mem>>)
      %dma_wait3A = arith.constant 0 : i32
      %dma_wait3A_285 = arith.constant 0 : i32
      %dma_wait3A_286 = tpu.memref_slice %arg6[%arg1, %dma_wait3A, %dma_wait3A_285] : memref<16x1000x32xf32, #tpu.memory_space<vmem_shared>> -> memref<1x1000x32xf32, #tpu.memory_space<vmem_shared>>
      %dma_wait3A_287 = tpu.memref_squeeze %dma_wait3A_286 : memref<1x1000x32xf32, #tpu.memory_space<vmem_shared>> -> memref<1000x32xf32, #tpu.memory_space<vmem_shared>>
      %dma_wait3A_288 = arith.constant 0 : i32
      %dma_wait3A_289 = tpu.memref_slice %arg3[%mul3A_52, %dma_wait3A_288] : memref<1000000x32xf32, #tpu.memory_space<hbm>> -> memref<1000x32xf32, #tpu.memory_space<hbm>>
      tpu.wait_dma2 semaphore(%run_scoped3A : memref<!tpu.dma_semaphore, #tpu.memory_space<semaphore_mem>>) src(%dma_wait3A_289 : memref<1000x32xf32, #tpu.memory_space<hbm>>) dst(%dma_wait3A_287 : memref<1000x32xf32, #tpu.memory_space<vmem_shared>>)
      tpu.yield
    }) : () -> ()
    %add3A_53 = arith.constant 192 : i32
    %add3A_54 = arith.addi %add3A_53, %add3A : i32
    %mul3A_55 = arith.constant 1000 : i32
    %mul3A_56 = arith.muli %add3A_54, %mul3A_55 : i32
    "tpu.region"() ({
      %run_scoped3A = tpu.sem_alloc : memref<!tpu.dma_semaphore, #tpu.memory_space<semaphore_mem>>
      %dma_start3A = arith.constant 0 : i32
      %dma_start3A_280 = tpu.memref_slice %arg5[%mul3A_56, %dma_start3A] : memref<1000000x32xf32, #tpu.memory_space<hbm>> -> memref<1000x32xf32, #tpu.memory_space<hbm>>
      %dma_start3A_281 = arith.constant 0 : i32
      %dma_start3A_282 = arith.constant 0 : i32
      %dma_start3A_283 = tpu.memref_slice %arg6[%arg1, %dma_start3A_281, %dma_start3A_282] : memref<16x1000x32xf32, #tpu.memory_space<vmem_shared>> -> memref<1x1000x32xf32, #tpu.memory_space<vmem_shared>>
      %dma_start3A_284 = tpu.memref_squeeze %dma_start3A_283 : memref<1x1000x32xf32, #tpu.memory_space<vmem_shared>> -> memref<1000x32xf32, #tpu.memory_space<vmem_shared>>
      tpu.enqueue_dma source(%dma_start3A_284 : memref<1000x32xf32, #tpu.memory_space<vmem_shared>>) target(%dma_start3A_280 : memref<1000x32xf32, #tpu.memory_space<hbm>>) target_semaphore(%run_scoped3A : memref<!tpu.dma_semaphore, #tpu.memory_space<semaphore_mem>>)
      %dma_wait3A = arith.constant 0 : i32
      %dma_wait3A_285 = tpu.memref_slice %arg5[%mul3A_56, %dma_wait3A] : memref<1000000x32xf32, #tpu.memory_space<hbm>> -> memref<1000x32xf32, #tpu.memory_space<hbm>>
      %dma_wait3A_286 = arith.constant 0 : i32
      %dma_wait3A_287 = arith.constant 0 : i32
      %dma_wait3A_288 = tpu.memref_slice %arg6[%arg1, %dma_wait3A_286, %dma_wait3A_287] : memref<16x1000x32xf32, #tpu.memory_space<vmem_shared>> -> memref<1x1000x32xf32, #tpu.memory_space<vmem_shared>>
      %dma_wait3A_289 = tpu.memref_squeeze %dma_wait3A_288 : memref<1x1000x32xf32, #tpu.memory_space<vmem_shared>> -> memref<1000x32xf32, #tpu.memory_space<vmem_shared>>
      tpu.wait_dma2 semaphore(%run_scoped3A : memref<!tpu.dma_semaphore, #tpu.memory_space<semaphore_mem>>) src(%dma_wait3A_289 : memref<1000x32xf32, #tpu.memory_space<vmem_shared>>) dst(%dma_wait3A_285 : memref<1000x32xf32, #tpu.memory_space<hbm>>)
      tpu.yield
    }) : () -> ()
    %add3A_57 = arith.constant 224 : i32
    %add3A_58 = arith.addi %add3A_57, %add3A : i32
    %mul3A_59 = arith.constant 1000 : i32
    %mul3A_60 = arith.muli %add3A_58, %mul3A_59 : i32
    "tpu.region"() ({
      %run_scoped3A = tpu.sem_alloc : memref<!tpu.dma_semaphore, #tpu.memory_space<semaphore_mem>>
      %dma_start3A = arith.constant 0 : i32
      %dma_start3A_280 = arith.constant 0 : i32
      %dma_start3A_281 = tpu.memref_slice %arg6[%arg1, %dma_start3A, %dma_start3A_280] : memref<16x1000x32xf32, #tpu.memory_space<vmem_shared>> -> memref<1x1000x32xf32, #tpu.memory_space<vmem_shared>>
      %dma_start3A_282 = tpu.memref_squeeze %dma_start3A_281 : memref<1x1000x32xf32, #tpu.memory_space<vmem_shared>> -> memref<1000x32xf32, #tpu.memory_space<vmem_shared>>
      %dma_start3A_283 = arith.constant 0 : i32
      %dma_start3A_284 = tpu.memref_slice %arg3[%mul3A_60, %dma_start3A_283] : memref<1000000x32xf32, #tpu.memory_space<hbm>> -> memref<1000x32xf32, #tpu.memory_space<hbm>>
      tpu.enqueue_dma source(%dma_start3A_284 : memref<1000x32xf32, #tpu.memory_space<hbm>>) target(%dma_start3A_282 : memref<1000x32xf32, #tpu.memory_space<vmem_shared>>) target_semaphore(%run_scoped3A : memref<!tpu.dma_semaphore, #tpu.memory_space<semaphore_mem>>)
      %dma_wait3A = arith.constant 0 : i32
      %dma_wait3A_285 = arith.constant 0 : i32
      %dma_wait3A_286 = tpu.memref_slice %arg6[%arg1, %dma_wait3A, %dma_wait3A_285] : memref<16x1000x32xf32, #tpu.memory_space<vmem_shared>> -> memref<1x1000x32xf32, #tpu.memory_space<vmem_shared>>
      %dma_wait3A_287 = tpu.memref_squeeze %dma_wait3A_286 : memref<1x1000x32xf32, #tpu.memory_space<vmem_shared>> -> memref<1000x32xf32, #tpu.memory_space<vmem_shared>>
      %dma_wait3A_288 = arith.constant 0 : i32
      %dma_wait3A_289 = tpu.memref_slice %arg3[%mul3A_60, %dma_wait3A_288] : memref<1000000x32xf32, #tpu.memory_space<hbm>> -> memref<1000x32xf32, #tpu.memory_space<hbm>>
      tpu.wait_dma2 semaphore(%run_scoped3A : memref<!tpu.dma_semaphore, #tpu.memory_space<semaphore_mem>>) src(%dma_wait3A_289 : memref<1000x32xf32, #tpu.memory_space<hbm>>) dst(%dma_wait3A_287 : memref<1000x32xf32, #tpu.memory_space<vmem_shared>>)
      tpu.yield
    }) : () -> ()
    %add3A_61 = arith.constant 224 : i32
    %add3A_62 = arith.addi %add3A_61, %add3A : i32
    %mul3A_63 = arith.constant 1000 : i32
    %mul3A_64 = arith.muli %add3A_62, %mul3A_63 : i32
    "tpu.region"() ({
      %run_scoped3A = tpu.sem_alloc : memref<!tpu.dma_semaphore, #tpu.memory_space<semaphore_mem>>
      %dma_start3A = arith.constant 0 : i32
      %dma_start3A_280 = tpu.memref_slice %arg5[%mul3A_64, %dma_start3A] : memref<1000000x32xf32, #tpu.memory_space<hbm>> -> memref<1000x32xf32, #tpu.memory_space<hbm>>
      %dma_start3A_281 = arith.constant 0 : i32
      %dma_start3A_282 = arith.constant 0 : i32
      %dma_start3A_283 = tpu.memref_slice %arg6[%arg1, %dma_start3A_281, %dma_start3A_282] : memref<16x1000x32xf32, #tpu.memory_space<vmem_shared>> -> memref<1x1000x32xf32, #tpu.memory_space<vmem_shared>>
      %dma_start3A_284 = tpu.memref_squeeze %dma_start3A_283 : memref<1x1000x32xf32, #tpu.memory_space<vmem_shared>> -> memref<1000x32xf32, #tpu.memory_space<vmem_shared>>
      tpu.enqueue_dma source(%dma_start3A_284 : memref<1000x32xf32, #tpu.memory_space<vmem_shared>>) target(%dma_start3A_280 : memref<1000x32xf32, #tpu.memory_space<hbm>>) target_semaphore(%run_scoped3A : memref<!tpu.dma_semaphore, #tpu.memory_space<semaphore_mem>>)
      %dma_wait3A = arith.constant 0 : i32
      %dma_wait3A_285 = tpu.memref_slice %arg5[%mul3A_64, %dma_wait3A] : memref<1000000x32xf32, #tpu.memory_space<hbm>> -> memref<1000x32xf32, #tpu.memory_space<hbm>>
      %dma_wait3A_286 = arith.constant 0 : i32
      %dma_wait3A_287 = arith.constant 0 : i32
      %dma_wait3A_288 = tpu.memref_slice %arg6[%arg1, %dma_wait3A_286, %dma_wait3A_287] : memref<16x1000x32xf32, #tpu.memory_space<vmem_shared>> -> memref<1x1000x32xf32, #tpu.memory_space<vmem_shared>>
      %dma_wait3A_289 = tpu.memref_squeeze %dma_wait3A_288 : memref<1x1000x32xf32, #tpu.memory_space<vmem_shared>> -> memref<1000x32xf32, #tpu.memory_space<vmem_shared>>
      tpu.wait_dma2 semaphore(%run_scoped3A : memref<!tpu.dma_semaphore, #tpu.memory_space<semaphore_mem>>) src(%dma_wait3A_289 : memref<1000x32xf32, #tpu.memory_space<vmem_shared>>) dst(%dma_wait3A_285 : memref<1000x32xf32, #tpu.memory_space<hbm>>)
      tpu.yield
    }) : () -> ()
    %add3A_65 = arith.constant 256 : i32
    %add3A_66 = arith.addi %add3A_65, %add3A : i32
    %mul3A_67 = arith.constant 1000 : i32
    %mul3A_68 = arith.muli %add3A_66, %mul3A_67 : i32
    "tpu.region"() ({
      %run_scoped3A = tpu.sem_alloc : memref<!tpu.dma_semaphore, #tpu.memory_space<semaphore_mem>>
      %dma_start3A = arith.constant 0 : i32
      %dma_start3A_280 = arith.constant 0 : i32
      %dma_start3A_281 = tpu.memref_slice %arg6[%arg1, %dma_start3A, %dma_start3A_280] : memref<16x1000x32xf32, #tpu.memory_space<vmem_shared>> -> memref<1x1000x32xf32, #tpu.memory_space<vmem_shared>>
      %dma_start3A_282 = tpu.memref_squeeze %dma_start3A_281 : memref<1x1000x32xf32, #tpu.memory_space<vmem_shared>> -> memref<1000x32xf32, #tpu.memory_space<vmem_shared>>
      %dma_start3A_283 = arith.constant 0 : i32
      %dma_start3A_284 = tpu.memref_slice %arg3[%mul3A_68, %dma_start3A_283] : memref<1000000x32xf32, #tpu.memory_space<hbm>> -> memref<1000x32xf32, #tpu.memory_space<hbm>>
      tpu.enqueue_dma source(%dma_start3A_284 : memref<1000x32xf32, #tpu.memory_space<hbm>>) target(%dma_start3A_282 : memref<1000x32xf32, #tpu.memory_space<vmem_shared>>) target_semaphore(%run_scoped3A : memref<!tpu.dma_semaphore, #tpu.memory_space<semaphore_mem>>)
      %dma_wait3A = arith.constant 0 : i32
      %dma_wait3A_285 = arith.constant 0 : i32
      %dma_wait3A_286 = tpu.memref_slice %arg6[%arg1, %dma_wait3A, %dma_wait3A_285] : memref<16x1000x32xf32, #tpu.memory_space<vmem_shared>> -> memref<1x1000x32xf32, #tpu.memory_space<vmem_shared>>
      %dma_wait3A_287 = tpu.memref_squeeze %dma_wait3A_286 : memref<1x1000x32xf32, #tpu.memory_space<vmem_shared>> -> memref<1000x32xf32, #tpu.memory_space<vmem_shared>>
      %dma_wait3A_288 = arith.constant 0 : i32
      %dma_wait3A_289 = tpu.memref_slice %arg3[%mul3A_68, %dma_wait3A_288] : memref<1000000x32xf32, #tpu.memory_space<hbm>> -> memref<1000x32xf32, #tpu.memory_space<hbm>>
      tpu.wait_dma2 semaphore(%run_scoped3A : memref<!tpu.dma_semaphore, #tpu.memory_space<semaphore_mem>>) src(%dma_wait3A_289 : memref<1000x32xf32, #tpu.memory_space<hbm>>) dst(%dma_wait3A_287 : memref<1000x32xf32, #tpu.memory_space<vmem_shared>>)
      tpu.yield
    }) : () -> ()
    %add3A_69 = arith.constant 256 : i32
    %add3A_70 = arith.addi %add3A_69, %add3A : i32
    %mul3A_71 = arith.constant 1000 : i32
    %mul3A_72 = arith.muli %add3A_70, %mul3A_71 : i32
    "tpu.region"() ({
      %run_scoped3A = tpu.sem_alloc : memref<!tpu.dma_semaphore, #tpu.memory_space<semaphore_mem>>
      %dma_start3A = arith.constant 0 : i32
      %dma_start3A_280 = tpu.memref_slice %arg5[%mul3A_72, %dma_start3A] : memref<1000000x32xf32, #tpu.memory_space<hbm>> -> memref<1000x32xf32, #tpu.memory_space<hbm>>
      %dma_start3A_281 = arith.constant 0 : i32
      %dma_start3A_282 = arith.constant 0 : i32
      %dma_start3A_283 = tpu.memref_slice %arg6[%arg1, %dma_start3A_281, %dma_start3A_282] : memref<16x1000x32xf32, #tpu.memory_space<vmem_shared>> -> memref<1x1000x32xf32, #tpu.memory_space<vmem_shared>>
      %dma_start3A_284 = tpu.memref_squeeze %dma_start3A_283 : memref<1x1000x32xf32, #tpu.memory_space<vmem_shared>> -> memref<1000x32xf32, #tpu.memory_space<vmem_shared>>
      tpu.enqueue_dma source(%dma_start3A_284 : memref<1000x32xf32, #tpu.memory_space<vmem_shared>>) target(%dma_start3A_280 : memref<1000x32xf32, #tpu.memory_space<hbm>>) target_semaphore(%run_scoped3A : memref<!tpu.dma_semaphore, #tpu.memory_space<semaphore_mem>>)
      %dma_wait3A = arith.constant 0 : i32
      %dma_wait3A_285 = tpu.memref_slice %arg5[%mul3A_72, %dma_wait3A] : memref<1000000x32xf32, #tpu.memory_space<hbm>> -> memref<1000x32xf32, #tpu.memory_space<hbm>>
      %dma_wait3A_286 = arith.constant 0 : i32
      %dma_wait3A_287 = arith.constant 0 : i32
      %dma_wait3A_288 = tpu.memref_slice %arg6[%arg1, %dma_wait3A_286, %dma_wait3A_287] : memref<16x1000x32xf32, #tpu.memory_space<vmem_shared>> -> memref<1x1000x32xf32, #tpu.memory_space<vmem_shared>>
      %dma_wait3A_289 = tpu.memref_squeeze %dma_wait3A_288 : memref<1x1000x32xf32, #tpu.memory_space<vmem_shared>> -> memref<1000x32xf32, #tpu.memory_space<vmem_shared>>
      tpu.wait_dma2 semaphore(%run_scoped3A : memref<!tpu.dma_semaphore, #tpu.memory_space<semaphore_mem>>) src(%dma_wait3A_289 : memref<1000x32xf32, #tpu.memory_space<vmem_shared>>) dst(%dma_wait3A_285 : memref<1000x32xf32, #tpu.memory_space<hbm>>)
      tpu.yield
    }) : () -> ()
    %add3A_73 = arith.constant 288 : i32
    %add3A_74 = arith.addi %add3A_73, %add3A : i32
    %mul3A_75 = arith.constant 1000 : i32
    %mul3A_76 = arith.muli %add3A_74, %mul3A_75 : i32
    "tpu.region"() ({
      %run_scoped3A = tpu.sem_alloc : memref<!tpu.dma_semaphore, #tpu.memory_space<semaphore_mem>>
      %dma_start3A = arith.constant 0 : i32
      %dma_start3A_280 = arith.constant 0 : i32
      %dma_start3A_281 = tpu.memref_slice %arg6[%arg1, %dma_start3A, %dma_start3A_280] : memref<16x1000x32xf32, #tpu.memory_space<vmem_shared>> -> memref<1x1000x32xf32, #tpu.memory_space<vmem_shared>>
      %dma_start3A_282 = tpu.memref_squeeze %dma_start3A_281 : memref<1x1000x32xf32, #tpu.memory_space<vmem_shared>> -> memref<1000x32xf32, #tpu.memory_space<vmem_shared>>
      %dma_start3A_283 = arith.constant 0 : i32
      %dma_start3A_284 = tpu.memref_slice %arg3[%mul3A_76, %dma_start3A_283] : memref<1000000x32xf32, #tpu.memory_space<hbm>> -> memref<1000x32xf32, #tpu.memory_space<hbm>>
      tpu.enqueue_dma source(%dma_start3A_284 : memref<1000x32xf32, #tpu.memory_space<hbm>>) target(%dma_start3A_282 : memref<1000x32xf32, #tpu.memory_space<vmem_shared>>) target_semaphore(%run_scoped3A : memref<!tpu.dma_semaphore, #tpu.memory_space<semaphore_mem>>)
      %dma_wait3A = arith.constant 0 : i32
      %dma_wait3A_285 = arith.constant 0 : i32
      %dma_wait3A_286 = tpu.memref_slice %arg6[%arg1, %dma_wait3A, %dma_wait3A_285] : memref<16x1000x32xf32, #tpu.memory_space<vmem_shared>> -> memref<1x1000x32xf32, #tpu.memory_space<vmem_shared>>
      %dma_wait3A_287 = tpu.memref_squeeze %dma_wait3A_286 : memref<1x1000x32xf32, #tpu.memory_space<vmem_shared>> -> memref<1000x32xf32, #tpu.memory_space<vmem_shared>>
      %dma_wait3A_288 = arith.constant 0 : i32
      %dma_wait3A_289 = tpu.memref_slice %arg3[%mul3A_76, %dma_wait3A_288] : memref<1000000x32xf32, #tpu.memory_space<hbm>> -> memref<1000x32xf32, #tpu.memory_space<hbm>>
      tpu.wait_dma2 semaphore(%run_scoped3A : memref<!tpu.dma_semaphore, #tpu.memory_space<semaphore_mem>>) src(%dma_wait3A_289 : memref<1000x32xf32, #tpu.memory_space<hbm>>) dst(%dma_wait3A_287 : memref<1000x32xf32, #tpu.memory_space<vmem_shared>>)
      tpu.yield
    }) : () -> ()
    %add3A_77 = arith.constant 288 : i32
    %add3A_78 = arith.addi %add3A_77, %add3A : i32
    %mul3A_79 = arith.constant 1000 : i32
    %mul3A_80 = arith.muli %add3A_78, %mul3A_79 : i32
    "tpu.region"() ({
      %run_scoped3A = tpu.sem_alloc : memref<!tpu.dma_semaphore, #tpu.memory_space<semaphore_mem>>
      %dma_start3A = arith.constant 0 : i32
      %dma_start3A_280 = tpu.memref_slice %arg5[%mul3A_80, %dma_start3A] : memref<1000000x32xf32, #tpu.memory_space<hbm>> -> memref<1000x32xf32, #tpu.memory_space<hbm>>
      %dma_start3A_281 = arith.constant 0 : i32
      %dma_start3A_282 = arith.constant 0 : i32
      %dma_start3A_283 = tpu.memref_slice %arg6[%arg1, %dma_start3A_281, %dma_start3A_282] : memref<16x1000x32xf32, #tpu.memory_space<vmem_shared>> -> memref<1x1000x32xf32, #tpu.memory_space<vmem_shared>>
      %dma_start3A_284 = tpu.memref_squeeze %dma_start3A_283 : memref<1x1000x32xf32, #tpu.memory_space<vmem_shared>> -> memref<1000x32xf32, #tpu.memory_space<vmem_shared>>
      tpu.enqueue_dma source(%dma_start3A_284 : memref<1000x32xf32, #tpu.memory_space<vmem_shared>>) target(%dma_start3A_280 : memref<1000x32xf32, #tpu.memory_space<hbm>>) target_semaphore(%run_scoped3A : memref<!tpu.dma_semaphore, #tpu.memory_space<semaphore_mem>>)
      %dma_wait3A = arith.constant 0 : i32
      %dma_wait3A_285 = tpu.memref_slice %arg5[%mul3A_80, %dma_wait3A] : memref<1000000x32xf32, #tpu.memory_space<hbm>> -> memref<1000x32xf32, #tpu.memory_space<hbm>>
      %dma_wait3A_286 = arith.constant 0 : i32
      %dma_wait3A_287 = arith.constant 0 : i32
      %dma_wait3A_288 = tpu.memref_slice %arg6[%arg1, %dma_wait3A_286, %dma_wait3A_287] : memref<16x1000x32xf32, #tpu.memory_space<vmem_shared>> -> memref<1x1000x32xf32, #tpu.memory_space<vmem_shared>>
      %dma_wait3A_289 = tpu.memref_squeeze %dma_wait3A_288 : memref<1x1000x32xf32, #tpu.memory_space<vmem_shared>> -> memref<1000x32xf32, #tpu.memory_space<vmem_shared>>
      tpu.wait_dma2 semaphore(%run_scoped3A : memref<!tpu.dma_semaphore, #tpu.memory_space<semaphore_mem>>) src(%dma_wait3A_289 : memref<1000x32xf32, #tpu.memory_space<vmem_shared>>) dst(%dma_wait3A_285 : memref<1000x32xf32, #tpu.memory_space<hbm>>)
      tpu.yield
    }) : () -> ()
    %add3A_81 = arith.constant 320 : i32
    %add3A_82 = arith.addi %add3A_81, %add3A : i32
    %mul3A_83 = arith.constant 1000 : i32
    %mul3A_84 = arith.muli %add3A_82, %mul3A_83 : i32
    "tpu.region"() ({
      %run_scoped3A = tpu.sem_alloc : memref<!tpu.dma_semaphore, #tpu.memory_space<semaphore_mem>>
      %dma_start3A = arith.constant 0 : i32
      %dma_start3A_280 = arith.constant 0 : i32
      %dma_start3A_281 = tpu.memref_slice %arg6[%arg1, %dma_start3A, %dma_start3A_280] : memref<16x1000x32xf32, #tpu.memory_space<vmem_shared>> -> memref<1x1000x32xf32, #tpu.memory_space<vmem_shared>>
      %dma_start3A_282 = tpu.memref_squeeze %dma_start3A_281 : memref<1x1000x32xf32, #tpu.memory_space<vmem_shared>> -> memref<1000x32xf32, #tpu.memory_space<vmem_shared>>
      %dma_start3A_283 = arith.constant 0 : i32
      %dma_start3A_284 = tpu.memref_slice %arg3[%mul3A_84, %dma_start3A_283] : memref<1000000x32xf32, #tpu.memory_space<hbm>> -> memref<1000x32xf32, #tpu.memory_space<hbm>>
      tpu.enqueue_dma source(%dma_start3A_284 : memref<1000x32xf32, #tpu.memory_space<hbm>>) target(%dma_start3A_282 : memref<1000x32xf32, #tpu.memory_space<vmem_shared>>) target_semaphore(%run_scoped3A : memref<!tpu.dma_semaphore, #tpu.memory_space<semaphore_mem>>)
      %dma_wait3A = arith.constant 0 : i32
      %dma_wait3A_285 = arith.constant 0 : i32
      %dma_wait3A_286 = tpu.memref_slice %arg6[%arg1, %dma_wait3A, %dma_wait3A_285] : memref<16x1000x32xf32, #tpu.memory_space<vmem_shared>> -> memref<1x1000x32xf32, #tpu.memory_space<vmem_shared>>
      %dma_wait3A_287 = tpu.memref_squeeze %dma_wait3A_286 : memref<1x1000x32xf32, #tpu.memory_space<vmem_shared>> -> memref<1000x32xf32, #tpu.memory_space<vmem_shared>>
      %dma_wait3A_288 = arith.constant 0 : i32
      %dma_wait3A_289 = tpu.memref_slice %arg3[%mul3A_84, %dma_wait3A_288] : memref<1000000x32xf32, #tpu.memory_space<hbm>> -> memref<1000x32xf32, #tpu.memory_space<hbm>>
      tpu.wait_dma2 semaphore(%run_scoped3A : memref<!tpu.dma_semaphore, #tpu.memory_space<semaphore_mem>>) src(%dma_wait3A_289 : memref<1000x32xf32, #tpu.memory_space<hbm>>) dst(%dma_wait3A_287 : memref<1000x32xf32, #tpu.memory_space<vmem_shared>>)
      tpu.yield
    }) : () -> ()
    %add3A_85 = arith.constant 320 : i32
    %add3A_86 = arith.addi %add3A_85, %add3A : i32
    %mul3A_87 = arith.constant 1000 : i32
    %mul3A_88 = arith.muli %add3A_86, %mul3A_87 : i32
    "tpu.region"() ({
      %run_scoped3A = tpu.sem_alloc : memref<!tpu.dma_semaphore, #tpu.memory_space<semaphore_mem>>
      %dma_start3A = arith.constant 0 : i32
      %dma_start3A_280 = tpu.memref_slice %arg5[%mul3A_88, %dma_start3A] : memref<1000000x32xf32, #tpu.memory_space<hbm>> -> memref<1000x32xf32, #tpu.memory_space<hbm>>
      %dma_start3A_281 = arith.constant 0 : i32
      %dma_start3A_282 = arith.constant 0 : i32
      %dma_start3A_283 = tpu.memref_slice %arg6[%arg1, %dma_start3A_281, %dma_start3A_282] : memref<16x1000x32xf32, #tpu.memory_space<vmem_shared>> -> memref<1x1000x32xf32, #tpu.memory_space<vmem_shared>>
      %dma_start3A_284 = tpu.memref_squeeze %dma_start3A_283 : memref<1x1000x32xf32, #tpu.memory_space<vmem_shared>> -> memref<1000x32xf32, #tpu.memory_space<vmem_shared>>
      tpu.enqueue_dma source(%dma_start3A_284 : memref<1000x32xf32, #tpu.memory_space<vmem_shared>>) target(%dma_start3A_280 : memref<1000x32xf32, #tpu.memory_space<hbm>>) target_semaphore(%run_scoped3A : memref<!tpu.dma_semaphore, #tpu.memory_space<semaphore_mem>>)
      %dma_wait3A = arith.constant 0 : i32
      %dma_wait3A_285 = tpu.memref_slice %arg5[%mul3A_88, %dma_wait3A] : memref<1000000x32xf32, #tpu.memory_space<hbm>> -> memref<1000x32xf32, #tpu.memory_space<hbm>>
      %dma_wait3A_286 = arith.constant 0 : i32
      %dma_wait3A_287 = arith.constant 0 : i32
      %dma_wait3A_288 = tpu.memref_slice %arg6[%arg1, %dma_wait3A_286, %dma_wait3A_287] : memref<16x1000x32xf32, #tpu.memory_space<vmem_shared>> -> memref<1x1000x32xf32, #tpu.memory_space<vmem_shared>>
      %dma_wait3A_289 = tpu.memref_squeeze %dma_wait3A_288 : memref<1x1000x32xf32, #tpu.memory_space<vmem_shared>> -> memref<1000x32xf32, #tpu.memory_space<vmem_shared>>
      tpu.wait_dma2 semaphore(%run_scoped3A : memref<!tpu.dma_semaphore, #tpu.memory_space<semaphore_mem>>) src(%dma_wait3A_289 : memref<1000x32xf32, #tpu.memory_space<vmem_shared>>) dst(%dma_wait3A_285 : memref<1000x32xf32, #tpu.memory_space<hbm>>)
      tpu.yield
    }) : () -> ()
    %add3A_89 = arith.constant 352 : i32
    %add3A_90 = arith.addi %add3A_89, %add3A : i32
    %mul3A_91 = arith.constant 1000 : i32
    %mul3A_92 = arith.muli %add3A_90, %mul3A_91 : i32
    "tpu.region"() ({
      %run_scoped3A = tpu.sem_alloc : memref<!tpu.dma_semaphore, #tpu.memory_space<semaphore_mem>>
      %dma_start3A = arith.constant 0 : i32
      %dma_start3A_280 = arith.constant 0 : i32
      %dma_start3A_281 = tpu.memref_slice %arg6[%arg1, %dma_start3A, %dma_start3A_280] : memref<16x1000x32xf32, #tpu.memory_space<vmem_shared>> -> memref<1x1000x32xf32, #tpu.memory_space<vmem_shared>>
      %dma_start3A_282 = tpu.memref_squeeze %dma_start3A_281 : memref<1x1000x32xf32, #tpu.memory_space<vmem_shared>> -> memref<1000x32xf32, #tpu.memory_space<vmem_shared>>
      %dma_start3A_283 = arith.constant 0 : i32
      %dma_start3A_284 = tpu.memref_slice %arg3[%mul3A_92, %dma_start3A_283] : memref<1000000x32xf32, #tpu.memory_space<hbm>> -> memref<1000x32xf32, #tpu.memory_space<hbm>>
      tpu.enqueue_dma source(%dma_start3A_284 : memref<1000x32xf32, #tpu.memory_space<hbm>>) target(%dma_start3A_282 : memref<1000x32xf32, #tpu.memory_space<vmem_shared>>) target_semaphore(%run_scoped3A : memref<!tpu.dma_semaphore, #tpu.memory_space<semaphore_mem>>)
      %dma_wait3A = arith.constant 0 : i32
      %dma_wait3A_285 = arith.constant 0 : i32
      %dma_wait3A_286 = tpu.memref_slice %arg6[%arg1, %dma_wait3A, %dma_wait3A_285] : memref<16x1000x32xf32, #tpu.memory_space<vmem_shared>> -> memref<1x1000x32xf32, #tpu.memory_space<vmem_shared>>
      %dma_wait3A_287 = tpu.memref_squeeze %dma_wait3A_286 : memref<1x1000x32xf32, #tpu.memory_space<vmem_shared>> -> memref<1000x32xf32, #tpu.memory_space<vmem_shared>>
      %dma_wait3A_288 = arith.constant 0 : i32
      %dma_wait3A_289 = tpu.memref_slice %arg3[%mul3A_92, %dma_wait3A_288] : memref<1000000x32xf32, #tpu.memory_space<hbm>> -> memref<1000x32xf32, #tpu.memory_space<hbm>>
      tpu.wait_dma2 semaphore(%run_scoped3A : memref<!tpu.dma_semaphore, #tpu.memory_space<semaphore_mem>>) src(%dma_wait3A_289 : memref<1000x32xf32, #tpu.memory_space<hbm>>) dst(%dma_wait3A_287 : memref<1000x32xf32, #tpu.memory_space<vmem_shared>>)
      tpu.yield
    }) : () -> ()
    %add3A_93 = arith.constant 352 : i32
    %add3A_94 = arith.addi %add3A_93, %add3A : i32
    %mul3A_95 = arith.constant 1000 : i32
    %mul3A_96 = arith.muli %add3A_94, %mul3A_95 : i32
    "tpu.region"() ({
      %run_scoped3A = tpu.sem_alloc : memref<!tpu.dma_semaphore, #tpu.memory_space<semaphore_mem>>
      %dma_start3A = arith.constant 0 : i32
      %dma_start3A_280 = tpu.memref_slice %arg5[%mul3A_96, %dma_start3A] : memref<1000000x32xf32, #tpu.memory_space<hbm>> -> memref<1000x32xf32, #tpu.memory_space<hbm>>
      %dma_start3A_281 = arith.constant 0 : i32
      %dma_start3A_282 = arith.constant 0 : i32
      %dma_start3A_283 = tpu.memref_slice %arg6[%arg1, %dma_start3A_281, %dma_start3A_282] : memref<16x1000x32xf32, #tpu.memory_space<vmem_shared>> -> memref<1x1000x32xf32, #tpu.memory_space<vmem_shared>>
      %dma_start3A_284 = tpu.memref_squeeze %dma_start3A_283 : memref<1x1000x32xf32, #tpu.memory_space<vmem_shared>> -> memref<1000x32xf32, #tpu.memory_space<vmem_shared>>
      tpu.enqueue_dma source(%dma_start3A_284 : memref<1000x32xf32, #tpu.memory_space<vmem_shared>>) target(%dma_start3A_280 : memref<1000x32xf32, #tpu.memory_space<hbm>>) target_semaphore(%run_scoped3A : memref<!tpu.dma_semaphore, #tpu.memory_space<semaphore_mem>>)
      %dma_wait3A = arith.constant 0 : i32
      %dma_wait3A_285 = tpu.memref_slice %arg5[%mul3A_96, %dma_wait3A] : memref<1000000x32xf32, #tpu.memory_space<hbm>> -> memref<1000x32xf32, #tpu.memory_space<hbm>>
      %dma_wait3A_286 = arith.constant 0 : i32
      %dma_wait3A_287 = arith.constant 0 : i32
      %dma_wait3A_288 = tpu.memref_slice %arg6[%arg1, %dma_wait3A_286, %dma_wait3A_287] : memref<16x1000x32xf32, #tpu.memory_space<vmem_shared>> -> memref<1x1000x32xf32, #tpu.memory_space<vmem_shared>>
      %dma_wait3A_289 = tpu.memref_squeeze %dma_wait3A_288 : memref<1x1000x32xf32, #tpu.memory_space<vmem_shared>> -> memref<1000x32xf32, #tpu.memory_space<vmem_shared>>
      tpu.wait_dma2 semaphore(%run_scoped3A : memref<!tpu.dma_semaphore, #tpu.memory_space<semaphore_mem>>) src(%dma_wait3A_289 : memref<1000x32xf32, #tpu.memory_space<vmem_shared>>) dst(%dma_wait3A_285 : memref<1000x32xf32, #tpu.memory_space<hbm>>)
      tpu.yield
    }) : () -> ()
    %add3A_97 = arith.constant 384 : i32
    %add3A_98 = arith.addi %add3A_97, %add3A : i32
    %mul3A_99 = arith.constant 1000 : i32
    %mul3A_100 = arith.muli %add3A_98, %mul3A_99 : i32
    "tpu.region"() ({
      %run_scoped3A = tpu.sem_alloc : memref<!tpu.dma_semaphore, #tpu.memory_space<semaphore_mem>>
      %dma_start3A = arith.constant 0 : i32
      %dma_start3A_280 = arith.constant 0 : i32
      %dma_start3A_281 = tpu.memref_slice %arg6[%arg1, %dma_start3A, %dma_start3A_280] : memref<16x1000x32xf32, #tpu.memory_space<vmem_shared>> -> memref<1x1000x32xf32, #tpu.memory_space<vmem_shared>>
      %dma_start3A_282 = tpu.memref_squeeze %dma_start3A_281 : memref<1x1000x32xf32, #tpu.memory_space<vmem_shared>> -> memref<1000x32xf32, #tpu.memory_space<vmem_shared>>
      %dma_start3A_283 = arith.constant 0 : i32
      %dma_start3A_284 = tpu.memref_slice %arg3[%mul3A_100, %dma_start3A_283] : memref<1000000x32xf32, #tpu.memory_space<hbm>> -> memref<1000x32xf32, #tpu.memory_space<hbm>>
      tpu.enqueue_dma source(%dma_start3A_284 : memref<1000x32xf32, #tpu.memory_space<hbm>>) target(%dma_start3A_282 : memref<1000x32xf32, #tpu.memory_space<vmem_shared>>) target_semaphore(%run_scoped3A : memref<!tpu.dma_semaphore, #tpu.memory_space<semaphore_mem>>)
      %dma_wait3A = arith.constant 0 : i32
      %dma_wait3A_285 = arith.constant 0 : i32
      %dma_wait3A_286 = tpu.memref_slice %arg6[%arg1, %dma_wait3A, %dma_wait3A_285] : memref<16x1000x32xf32, #tpu.memory_space<vmem_shared>> -> memref<1x1000x32xf32, #tpu.memory_space<vmem_shared>>
      %dma_wait3A_287 = tpu.memref_squeeze %dma_wait3A_286 : memref<1x1000x32xf32, #tpu.memory_space<vmem_shared>> -> memref<1000x32xf32, #tpu.memory_space<vmem_shared>>
      %dma_wait3A_288 = arith.constant 0 : i32
      %dma_wait3A_289 = tpu.memref_slice %arg3[%mul3A_100, %dma_wait3A_288] : memref<1000000x32xf32, #tpu.memory_space<hbm>> -> memref<1000x32xf32, #tpu.memory_space<hbm>>
      tpu.wait_dma2 semaphore(%run_scoped3A : memref<!tpu.dma_semaphore, #tpu.memory_space<semaphore_mem>>) src(%dma_wait3A_289 : memref<1000x32xf32, #tpu.memory_space<hbm>>) dst(%dma_wait3A_287 : memref<1000x32xf32, #tpu.memory_space<vmem_shared>>)
      tpu.yield
    }) : () -> ()
    %add3A_101 = arith.constant 384 : i32
    %add3A_102 = arith.addi %add3A_101, %add3A : i32
    %mul3A_103 = arith.constant 1000 : i32
    %mul3A_104 = arith.muli %add3A_102, %mul3A_103 : i32
    "tpu.region"() ({
      %run_scoped3A = tpu.sem_alloc : memref<!tpu.dma_semaphore, #tpu.memory_space<semaphore_mem>>
      %dma_start3A = arith.constant 0 : i32
      %dma_start3A_280 = tpu.memref_slice %arg5[%mul3A_104, %dma_start3A] : memref<1000000x32xf32, #tpu.memory_space<hbm>> -> memref<1000x32xf32, #tpu.memory_space<hbm>>
      %dma_start3A_281 = arith.constant 0 : i32
      %dma_start3A_282 = arith.constant 0 : i32
      %dma_start3A_283 = tpu.memref_slice %arg6[%arg1, %dma_start3A_281, %dma_start3A_282] : memref<16x1000x32xf32, #tpu.memory_space<vmem_shared>> -> memref<1x1000x32xf32, #tpu.memory_space<vmem_shared>>
      %dma_start3A_284 = tpu.memref_squeeze %dma_start3A_283 : memref<1x1000x32xf32, #tpu.memory_space<vmem_shared>> -> memref<1000x32xf32, #tpu.memory_space<vmem_shared>>
      tpu.enqueue_dma source(%dma_start3A_284 : memref<1000x32xf32, #tpu.memory_space<vmem_shared>>) target(%dma_start3A_280 : memref<1000x32xf32, #tpu.memory_space<hbm>>) target_semaphore(%run_scoped3A : memref<!tpu.dma_semaphore, #tpu.memory_space<semaphore_mem>>)
      %dma_wait3A = arith.constant 0 : i32
      %dma_wait3A_285 = tpu.memref_slice %arg5[%mul3A_104, %dma_wait3A] : memref<1000000x32xf32, #tpu.memory_space<hbm>> -> memref<1000x32xf32, #tpu.memory_space<hbm>>
      %dma_wait3A_286 = arith.constant 0 : i32
      %dma_wait3A_287 = arith.constant 0 : i32
      %dma_wait3A_288 = tpu.memref_slice %arg6[%arg1, %dma_wait3A_286, %dma_wait3A_287] : memref<16x1000x32xf32, #tpu.memory_space<vmem_shared>> -> memref<1x1000x32xf32, #tpu.memory_space<vmem_shared>>
      %dma_wait3A_289 = tpu.memref_squeeze %dma_wait3A_288 : memref<1x1000x32xf32, #tpu.memory_space<vmem_shared>> -> memref<1000x32xf32, #tpu.memory_space<vmem_shared>>
      tpu.wait_dma2 semaphore(%run_scoped3A : memref<!tpu.dma_semaphore, #tpu.memory_space<semaphore_mem>>) src(%dma_wait3A_289 : memref<1000x32xf32, #tpu.memory_space<vmem_shared>>) dst(%dma_wait3A_285 : memref<1000x32xf32, #tpu.memory_space<hbm>>)
      tpu.yield
    }) : () -> ()
    %add3A_105 = arith.constant 416 : i32
    %add3A_106 = arith.addi %add3A_105, %add3A : i32
    %mul3A_107 = arith.constant 1000 : i32
    %mul3A_108 = arith.muli %add3A_106, %mul3A_107 : i32
    "tpu.region"() ({
      %run_scoped3A = tpu.sem_alloc : memref<!tpu.dma_semaphore, #tpu.memory_space<semaphore_mem>>
      %dma_start3A = arith.constant 0 : i32
      %dma_start3A_280 = arith.constant 0 : i32
      %dma_start3A_281 = tpu.memref_slice %arg6[%arg1, %dma_start3A, %dma_start3A_280] : memref<16x1000x32xf32, #tpu.memory_space<vmem_shared>> -> memref<1x1000x32xf32, #tpu.memory_space<vmem_shared>>
      %dma_start3A_282 = tpu.memref_squeeze %dma_start3A_281 : memref<1x1000x32xf32, #tpu.memory_space<vmem_shared>> -> memref<1000x32xf32, #tpu.memory_space<vmem_shared>>
      %dma_start3A_283 = arith.constant 0 : i32
      %dma_start3A_284 = tpu.memref_slice %arg3[%mul3A_108, %dma_start3A_283] : memref<1000000x32xf32, #tpu.memory_space<hbm>> -> memref<1000x32xf32, #tpu.memory_space<hbm>>
      tpu.enqueue_dma source(%dma_start3A_284 : memref<1000x32xf32, #tpu.memory_space<hbm>>) target(%dma_start3A_282 : memref<1000x32xf32, #tpu.memory_space<vmem_shared>>) target_semaphore(%run_scoped3A : memref<!tpu.dma_semaphore, #tpu.memory_space<semaphore_mem>>)
      %dma_wait3A = arith.constant 0 : i32
      %dma_wait3A_285 = arith.constant 0 : i32
      %dma_wait3A_286 = tpu.memref_slice %arg6[%arg1, %dma_wait3A, %dma_wait3A_285] : memref<16x1000x32xf32, #tpu.memory_space<vmem_shared>> -> memref<1x1000x32xf32, #tpu.memory_space<vmem_shared>>
      %dma_wait3A_287 = tpu.memref_squeeze %dma_wait3A_286 : memref<1x1000x32xf32, #tpu.memory_space<vmem_shared>> -> memref<1000x32xf32, #tpu.memory_space<vmem_shared>>
      %dma_wait3A_288 = arith.constant 0 : i32
      %dma_wait3A_289 = tpu.memref_slice %arg3[%mul3A_108, %dma_wait3A_288] : memref<1000000x32xf32, #tpu.memory_space<hbm>> -> memref<1000x32xf32, #tpu.memory_space<hbm>>
      tpu.wait_dma2 semaphore(%run_scoped3A : memref<!tpu.dma_semaphore, #tpu.memory_space<semaphore_mem>>) src(%dma_wait3A_289 : memref<1000x32xf32, #tpu.memory_space<hbm>>) dst(%dma_wait3A_287 : memref<1000x32xf32, #tpu.memory_space<vmem_shared>>)
      tpu.yield
    }) : () -> ()
    %add3A_109 = arith.constant 416 : i32
    %add3A_110 = arith.addi %add3A_109, %add3A : i32
    %mul3A_111 = arith.constant 1000 : i32
    %mul3A_112 = arith.muli %add3A_110, %mul3A_111 : i32
    "tpu.region"() ({
      %run_scoped3A = tpu.sem_alloc : memref<!tpu.dma_semaphore, #tpu.memory_space<semaphore_mem>>
      %dma_start3A = arith.constant 0 : i32
      %dma_start3A_280 = tpu.memref_slice %arg5[%mul3A_112, %dma_start3A] : memref<1000000x32xf32, #tpu.memory_space<hbm>> -> memref<1000x32xf32, #tpu.memory_space<hbm>>
      %dma_start3A_281 = arith.constant 0 : i32
      %dma_start3A_282 = arith.constant 0 : i32
      %dma_start3A_283 = tpu.memref_slice %arg6[%arg1, %dma_start3A_281, %dma_start3A_282] : memref<16x1000x32xf32, #tpu.memory_space<vmem_shared>> -> memref<1x1000x32xf32, #tpu.memory_space<vmem_shared>>
      %dma_start3A_284 = tpu.memref_squeeze %dma_start3A_283 : memref<1x1000x32xf32, #tpu.memory_space<vmem_shared>> -> memref<1000x32xf32, #tpu.memory_space<vmem_shared>>
      tpu.enqueue_dma source(%dma_start3A_284 : memref<1000x32xf32, #tpu.memory_space<vmem_shared>>) target(%dma_start3A_280 : memref<1000x32xf32, #tpu.memory_space<hbm>>) target_semaphore(%run_scoped3A : memref<!tpu.dma_semaphore, #tpu.memory_space<semaphore_mem>>)
      %dma_wait3A = arith.constant 0 : i32
      %dma_wait3A_285 = tpu.memref_slice %arg5[%mul3A_112, %dma_wait3A] : memref<1000000x32xf32, #tpu.memory_space<hbm>> -> memref<1000x32xf32, #tpu.memory_space<hbm>>
      %dma_wait3A_286 = arith.constant 0 : i32
      %dma_wait3A_287 = arith.constant 0 : i32
      %dma_wait3A_288 = tpu.memref_slice %arg6[%arg1, %dma_wait3A_286, %dma_wait3A_287] : memref<16x1000x32xf32, #tpu.memory_space<vmem_shared>> -> memref<1x1000x32xf32, #tpu.memory_space<vmem_shared>>
      %dma_wait3A_289 = tpu.memref_squeeze %dma_wait3A_288 : memref<1x1000x32xf32, #tpu.memory_space<vmem_shared>> -> memref<1000x32xf32, #tpu.memory_space<vmem_shared>>
      tpu.wait_dma2 semaphore(%run_scoped3A : memref<!tpu.dma_semaphore, #tpu.memory_space<semaphore_mem>>) src(%dma_wait3A_289 : memref<1000x32xf32, #tpu.memory_space<vmem_shared>>) dst(%dma_wait3A_285 : memref<1000x32xf32, #tpu.memory_space<hbm>>)
      tpu.yield
    }) : () -> ()
    %add3A_113 = arith.constant 448 : i32
    %add3A_114 = arith.addi %add3A_113, %add3A : i32
    %mul3A_115 = arith.constant 1000 : i32
    %mul3A_116 = arith.muli %add3A_114, %mul3A_115 : i32
    "tpu.region"() ({
      %run_scoped3A = tpu.sem_alloc : memref<!tpu.dma_semaphore, #tpu.memory_space<semaphore_mem>>
      %dma_start3A = arith.constant 0 : i32
      %dma_start3A_280 = arith.constant 0 : i32
      %dma_start3A_281 = tpu.memref_slice %arg6[%arg1, %dma_start3A, %dma_start3A_280] : memref<16x1000x32xf32, #tpu.memory_space<vmem_shared>> -> memref<1x1000x32xf32, #tpu.memory_space<vmem_shared>>
      %dma_start3A_282 = tpu.memref_squeeze %dma_start3A_281 : memref<1x1000x32xf32, #tpu.memory_space<vmem_shared>> -> memref<1000x32xf32, #tpu.memory_space<vmem_shared>>
      %dma_start3A_283 = arith.constant 0 : i32
      %dma_start3A_284 = tpu.memref_slice %arg3[%mul3A_116, %dma_start3A_283] : memref<1000000x32xf32, #tpu.memory_space<hbm>> -> memref<1000x32xf32, #tpu.memory_space<hbm>>
      tpu.enqueue_dma source(%dma_start3A_284 : memref<1000x32xf32, #tpu.memory_space<hbm>>) target(%dma_start3A_282 : memref<1000x32xf32, #tpu.memory_space<vmem_shared>>) target_semaphore(%run_scoped3A : memref<!tpu.dma_semaphore, #tpu.memory_space<semaphore_mem>>)
      %dma_wait3A = arith.constant 0 : i32
      %dma_wait3A_285 = arith.constant 0 : i32
      %dma_wait3A_286 = tpu.memref_slice %arg6[%arg1, %dma_wait3A, %dma_wait3A_285] : memref<16x1000x32xf32, #tpu.memory_space<vmem_shared>> -> memref<1x1000x32xf32, #tpu.memory_space<vmem_shared>>
      %dma_wait3A_287 = tpu.memref_squeeze %dma_wait3A_286 : memref<1x1000x32xf32, #tpu.memory_space<vmem_shared>> -> memref<1000x32xf32, #tpu.memory_space<vmem_shared>>
      %dma_wait3A_288 = arith.constant 0 : i32
      %dma_wait3A_289 = tpu.memref_slice %arg3[%mul3A_116, %dma_wait3A_288] : memref<1000000x32xf32, #tpu.memory_space<hbm>> -> memref<1000x32xf32, #tpu.memory_space<hbm>>
      tpu.wait_dma2 semaphore(%run_scoped3A : memref<!tpu.dma_semaphore, #tpu.memory_space<semaphore_mem>>) src(%dma_wait3A_289 : memref<1000x32xf32, #tpu.memory_space<hbm>>) dst(%dma_wait3A_287 : memref<1000x32xf32, #tpu.memory_space<vmem_shared>>)
      tpu.yield
    }) : () -> ()
    %add3A_117 = arith.constant 448 : i32
    %add3A_118 = arith.addi %add3A_117, %add3A : i32
    %mul3A_119 = arith.constant 1000 : i32
    %mul3A_120 = arith.muli %add3A_118, %mul3A_119 : i32
    "tpu.region"() ({
      %run_scoped3A = tpu.sem_alloc : memref<!tpu.dma_semaphore, #tpu.memory_space<semaphore_mem>>
      %dma_start3A = arith.constant 0 : i32
      %dma_start3A_280 = tpu.memref_slice %arg5[%mul3A_120, %dma_start3A] : memref<1000000x32xf32, #tpu.memory_space<hbm>> -> memref<1000x32xf32, #tpu.memory_space<hbm>>
      %dma_start3A_281 = arith.constant 0 : i32
      %dma_start3A_282 = arith.constant 0 : i32
      %dma_start3A_283 = tpu.memref_slice %arg6[%arg1, %dma_start3A_281, %dma_start3A_282] : memref<16x1000x32xf32, #tpu.memory_space<vmem_shared>> -> memref<1x1000x32xf32, #tpu.memory_space<vmem_shared>>
      %dma_start3A_284 = tpu.memref_squeeze %dma_start3A_283 : memref<1x1000x32xf32, #tpu.memory_space<vmem_shared>> -> memref<1000x32xf32, #tpu.memory_space<vmem_shared>>
      tpu.enqueue_dma source(%dma_start3A_284 : memref<1000x32xf32, #tpu.memory_space<vmem_shared>>) target(%dma_start3A_280 : memref<1000x32xf32, #tpu.memory_space<hbm>>) target_semaphore(%run_scoped3A : memref<!tpu.dma_semaphore, #tpu.memory_space<semaphore_mem>>)
      %dma_wait3A = arith.constant 0 : i32
      %dma_wait3A_285 = tpu.memref_slice %arg5[%mul3A_120, %dma_wait3A] : memref<1000000x32xf32, #tpu.memory_space<hbm>> -> memref<1000x32xf32, #tpu.memory_space<hbm>>
      %dma_wait3A_286 = arith.constant 0 : i32
      %dma_wait3A_287 = arith.constant 0 : i32
      %dma_wait3A_288 = tpu.memref_slice %arg6[%arg1, %dma_wait3A_286, %dma_wait3A_287] : memref<16x1000x32xf32, #tpu.memory_space<vmem_shared>> -> memref<1x1000x32xf32, #tpu.memory_space<vmem_shared>>
      %dma_wait3A_289 = tpu.memref_squeeze %dma_wait3A_288 : memref<1x1000x32xf32, #tpu.memory_space<vmem_shared>> -> memref<1000x32xf32, #tpu.memory_space<vmem_shared>>
      tpu.wait_dma2 semaphore(%run_scoped3A : memref<!tpu.dma_semaphore, #tpu.memory_space<semaphore_mem>>) src(%dma_wait3A_289 : memref<1000x32xf32, #tpu.memory_space<vmem_shared>>) dst(%dma_wait3A_285 : memref<1000x32xf32, #tpu.memory_space<hbm>>)
      tpu.yield
    }) : () -> ()
    %add3A_121 = arith.constant 480 : i32
    %add3A_122 = arith.addi %add3A_121, %add3A : i32
    %mul3A_123 = arith.constant 1000 : i32
    %mul3A_124 = arith.muli %add3A_122, %mul3A_123 : i32
    "tpu.region"() ({
      %run_scoped3A = tpu.sem_alloc : memref<!tpu.dma_semaphore, #tpu.memory_space<semaphore_mem>>
      %dma_start3A = arith.constant 0 : i32
      %dma_start3A_280 = arith.constant 0 : i32
      %dma_start3A_281 = tpu.memref_slice %arg6[%arg1, %dma_start3A, %dma_start3A_280] : memref<16x1000x32xf32, #tpu.memory_space<vmem_shared>> -> memref<1x1000x32xf32, #tpu.memory_space<vmem_shared>>
      %dma_start3A_282 = tpu.memref_squeeze %dma_start3A_281 : memref<1x1000x32xf32, #tpu.memory_space<vmem_shared>> -> memref<1000x32xf32, #tpu.memory_space<vmem_shared>>
      %dma_start3A_283 = arith.constant 0 : i32
      %dma_start3A_284 = tpu.memref_slice %arg3[%mul3A_124, %dma_start3A_283] : memref<1000000x32xf32, #tpu.memory_space<hbm>> -> memref<1000x32xf32, #tpu.memory_space<hbm>>
      tpu.enqueue_dma source(%dma_start3A_284 : memref<1000x32xf32, #tpu.memory_space<hbm>>) target(%dma_start3A_282 : memref<1000x32xf32, #tpu.memory_space<vmem_shared>>) target_semaphore(%run_scoped3A : memref<!tpu.dma_semaphore, #tpu.memory_space<semaphore_mem>>)
      %dma_wait3A = arith.constant 0 : i32
      %dma_wait3A_285 = arith.constant 0 : i32
      %dma_wait3A_286 = tpu.memref_slice %arg6[%arg1, %dma_wait3A, %dma_wait3A_285] : memref<16x1000x32xf32, #tpu.memory_space<vmem_shared>> -> memref<1x1000x32xf32, #tpu.memory_space<vmem_shared>>
      %dma_wait3A_287 = tpu.memref_squeeze %dma_wait3A_286 : memref<1x1000x32xf32, #tpu.memory_space<vmem_shared>> -> memref<1000x32xf32, #tpu.memory_space<vmem_shared>>
      %dma_wait3A_288 = arith.constant 0 : i32
      %dma_wait3A_289 = tpu.memref_slice %arg3[%mul3A_124, %dma_wait3A_288] : memref<1000000x32xf32, #tpu.memory_space<hbm>> -> memref<1000x32xf32, #tpu.memory_space<hbm>>
      tpu.wait_dma2 semaphore(%run_scoped3A : memref<!tpu.dma_semaphore, #tpu.memory_space<semaphore_mem>>) src(%dma_wait3A_289 : memref<1000x32xf32, #tpu.memory_space<hbm>>) dst(%dma_wait3A_287 : memref<1000x32xf32, #tpu.memory_space<vmem_shared>>)
      tpu.yield
    }) : () -> ()
    %add3A_125 = arith.constant 480 : i32
    %add3A_126 = arith.addi %add3A_125, %add3A : i32
    %mul3A_127 = arith.constant 1000 : i32
    %mul3A_128 = arith.muli %add3A_126, %mul3A_127 : i32
    "tpu.region"() ({
      %run_scoped3A = tpu.sem_alloc : memref<!tpu.dma_semaphore, #tpu.memory_space<semaphore_mem>>
      %dma_start3A = arith.constant 0 : i32
      %dma_start3A_280 = tpu.memref_slice %arg5[%mul3A_128, %dma_start3A] : memref<1000000x32xf32, #tpu.memory_space<hbm>> -> memref<1000x32xf32, #tpu.memory_space<hbm>>
      %dma_start3A_281 = arith.constant 0 : i32
      %dma_start3A_282 = arith.constant 0 : i32
      %dma_start3A_283 = tpu.memref_slice %arg6[%arg1, %dma_start3A_281, %dma_start3A_282] : memref<16x1000x32xf32, #tpu.memory_space<vmem_shared>> -> memref<1x1000x32xf32, #tpu.memory_space<vmem_shared>>
      %dma_start3A_284 = tpu.memref_squeeze %dma_start3A_283 : memref<1x1000x32xf32, #tpu.memory_space<vmem_shared>> -> memref<1000x32xf32, #tpu.memory_space<vmem_shared>>
      tpu.enqueue_dma source(%dma_start3A_284 : memref<1000x32xf32, #tpu.memory_space<vmem_shared>>) target(%dma_start3A_280 : memref<1000x32xf32, #tpu.memory_space<hbm>>) target_semaphore(%run_scoped3A : memref<!tpu.dma_semaphore, #tpu.memory_space<semaphore_mem>>)
      %dma_wait3A = arith.constant 0 : i32
      %dma_wait3A_285 = tpu.memref_slice %arg5[%mul3A_128, %dma_wait3A] : memref<1000000x32xf32, #tpu.memory_space<hbm>> -> memref<1000x32xf32, #tpu.memory_space<hbm>>
      %dma_wait3A_286 = arith.constant 0 : i32
      %dma_wait3A_287 = arith.constant 0 : i32
      %dma_wait3A_288 = tpu.memref_slice %arg6[%arg1, %dma_wait3A_286, %dma_wait3A_287] : memref<16x1000x32xf32, #tpu.memory_space<vmem_shared>> -> memref<1x1000x32xf32, #tpu.memory_space<vmem_shared>>
      %dma_wait3A_289 = tpu.memref_squeeze %dma_wait3A_288 : memref<1x1000x32xf32, #tpu.memory_space<vmem_shared>> -> memref<1000x32xf32, #tpu.memory_space<vmem_shared>>
      tpu.wait_dma2 semaphore(%run_scoped3A : memref<!tpu.dma_semaphore, #tpu.memory_space<semaphore_mem>>) src(%dma_wait3A_289 : memref<1000x32xf32, #tpu.memory_space<vmem_shared>>) dst(%dma_wait3A_285 : memref<1000x32xf32, #tpu.memory_space<hbm>>)
      tpu.yield
    }) : () -> ()
    %add3A_129 = arith.constant 512 : i32
    %add3A_130 = arith.addi %add3A_129, %add3A : i32
    %mul3A_131 = arith.constant 1000 : i32
    %mul3A_132 = arith.muli %add3A_130, %mul3A_131 : i32
    "tpu.region"() ({
      %run_scoped3A = tpu.sem_alloc : memref<!tpu.dma_semaphore, #tpu.memory_space<semaphore_mem>>
      %dma_start3A = arith.constant 0 : i32
      %dma_start3A_280 = arith.constant 0 : i32
      %dma_start3A_281 = tpu.memref_slice %arg6[%arg1, %dma_start3A, %dma_start3A_280] : memref<16x1000x32xf32, #tpu.memory_space<vmem_shared>> -> memref<1x1000x32xf32, #tpu.memory_space<vmem_shared>>
      %dma_start3A_282 = tpu.memref_squeeze %dma_start3A_281 : memref<1x1000x32xf32, #tpu.memory_space<vmem_shared>> -> memref<1000x32xf32, #tpu.memory_space<vmem_shared>>
      %dma_start3A_283 = arith.constant 0 : i32
      %dma_start3A_284 = tpu.memref_slice %arg3[%mul3A_132, %dma_start3A_283] : memref<1000000x32xf32, #tpu.memory_space<hbm>> -> memref<1000x32xf32, #tpu.memory_space<hbm>>
      tpu.enqueue_dma source(%dma_start3A_284 : memref<1000x32xf32, #tpu.memory_space<hbm>>) target(%dma_start3A_282 : memref<1000x32xf32, #tpu.memory_space<vmem_shared>>) target_semaphore(%run_scoped3A : memref<!tpu.dma_semaphore, #tpu.memory_space<semaphore_mem>>)
      %dma_wait3A = arith.constant 0 : i32
      %dma_wait3A_285 = arith.constant 0 : i32
      %dma_wait3A_286 = tpu.memref_slice %arg6[%arg1, %dma_wait3A, %dma_wait3A_285] : memref<16x1000x32xf32, #tpu.memory_space<vmem_shared>> -> memref<1x1000x32xf32, #tpu.memory_space<vmem_shared>>
      %dma_wait3A_287 = tpu.memref_squeeze %dma_wait3A_286 : memref<1x1000x32xf32, #tpu.memory_space<vmem_shared>> -> memref<1000x32xf32, #tpu.memory_space<vmem_shared>>
      %dma_wait3A_288 = arith.constant 0 : i32
      %dma_wait3A_289 = tpu.memref_slice %arg3[%mul3A_132, %dma_wait3A_288] : memref<1000000x32xf32, #tpu.memory_space<hbm>> -> memref<1000x32xf32, #tpu.memory_space<hbm>>
      tpu.wait_dma2 semaphore(%run_scoped3A : memref<!tpu.dma_semaphore, #tpu.memory_space<semaphore_mem>>) src(%dma_wait3A_289 : memref<1000x32xf32, #tpu.memory_space<hbm>>) dst(%dma_wait3A_287 : memref<1000x32xf32, #tpu.memory_space<vmem_shared>>)
      tpu.yield
    }) : () -> ()
    %add3A_133 = arith.constant 512 : i32
    %add3A_134 = arith.addi %add3A_133, %add3A : i32
    %mul3A_135 = arith.constant 1000 : i32
    %mul3A_136 = arith.muli %add3A_134, %mul3A_135 : i32
    "tpu.region"() ({
      %run_scoped3A = tpu.sem_alloc : memref<!tpu.dma_semaphore, #tpu.memory_space<semaphore_mem>>
      %dma_start3A = arith.constant 0 : i32
      %dma_start3A_280 = tpu.memref_slice %arg5[%mul3A_136, %dma_start3A] : memref<1000000x32xf32, #tpu.memory_space<hbm>> -> memref<1000x32xf32, #tpu.memory_space<hbm>>
      %dma_start3A_281 = arith.constant 0 : i32
      %dma_start3A_282 = arith.constant 0 : i32
      %dma_start3A_283 = tpu.memref_slice %arg6[%arg1, %dma_start3A_281, %dma_start3A_282] : memref<16x1000x32xf32, #tpu.memory_space<vmem_shared>> -> memref<1x1000x32xf32, #tpu.memory_space<vmem_shared>>
      %dma_start3A_284 = tpu.memref_squeeze %dma_start3A_283 : memref<1x1000x32xf32, #tpu.memory_space<vmem_shared>> -> memref<1000x32xf32, #tpu.memory_space<vmem_shared>>
      tpu.enqueue_dma source(%dma_start3A_284 : memref<1000x32xf32, #tpu.memory_space<vmem_shared>>) target(%dma_start3A_280 : memref<1000x32xf32, #tpu.memory_space<hbm>>) target_semaphore(%run_scoped3A : memref<!tpu.dma_semaphore, #tpu.memory_space<semaphore_mem>>)
      %dma_wait3A = arith.constant 0 : i32
      %dma_wait3A_285 = tpu.memref_slice %arg5[%mul3A_136, %dma_wait3A] : memref<1000000x32xf32, #tpu.memory_space<hbm>> -> memref<1000x32xf32, #tpu.memory_space<hbm>>
      %dma_wait3A_286 = arith.constant 0 : i32
      %dma_wait3A_287 = arith.constant 0 : i32
      %dma_wait3A_288 = tpu.memref_slice %arg6[%arg1, %dma_wait3A_286, %dma_wait3A_287] : memref<16x1000x32xf32, #tpu.memory_space<vmem_shared>> -> memref<1x1000x32xf32, #tpu.memory_space<vmem_shared>>
      %dma_wait3A_289 = tpu.memref_squeeze %dma_wait3A_288 : memref<1x1000x32xf32, #tpu.memory_space<vmem_shared>> -> memref<1000x32xf32, #tpu.memory_space<vmem_shared>>
      tpu.wait_dma2 semaphore(%run_scoped3A : memref<!tpu.dma_semaphore, #tpu.memory_space<semaphore_mem>>) src(%dma_wait3A_289 : memref<1000x32xf32, #tpu.memory_space<vmem_shared>>) dst(%dma_wait3A_285 : memref<1000x32xf32, #tpu.memory_space<hbm>>)
      tpu.yield
    }) : () -> ()
    %add3A_137 = arith.constant 544 : i32
    %add3A_138 = arith.addi %add3A_137, %add3A : i32
    %mul3A_139 = arith.constant 1000 : i32
    %mul3A_140 = arith.muli %add3A_138, %mul3A_139 : i32
    "tpu.region"() ({
      %run_scoped3A = tpu.sem_alloc : memref<!tpu.dma_semaphore, #tpu.memory_space<semaphore_mem>>
      %dma_start3A = arith.constant 0 : i32
      %dma_start3A_280 = arith.constant 0 : i32
      %dma_start3A_281 = tpu.memref_slice %arg6[%arg1, %dma_start3A, %dma_start3A_280] : memref<16x1000x32xf32, #tpu.memory_space<vmem_shared>> -> memref<1x1000x32xf32, #tpu.memory_space<vmem_shared>>
      %dma_start3A_282 = tpu.memref_squeeze %dma_start3A_281 : memref<1x1000x32xf32, #tpu.memory_space<vmem_shared>> -> memref<1000x32xf32, #tpu.memory_space<vmem_shared>>
      %dma_start3A_283 = arith.constant 0 : i32
      %dma_start3A_284 = tpu.memref_slice %arg3[%mul3A_140, %dma_start3A_283] : memref<1000000x32xf32, #tpu.memory_space<hbm>> -> memref<1000x32xf32, #tpu.memory_space<hbm>>
      tpu.enqueue_dma source(%dma_start3A_284 : memref<1000x32xf32, #tpu.memory_space<hbm>>) target(%dma_start3A_282 : memref<1000x32xf32, #tpu.memory_space<vmem_shared>>) target_semaphore(%run_scoped3A : memref<!tpu.dma_semaphore, #tpu.memory_space<semaphore_mem>>)
      %dma_wait3A = arith.constant 0 : i32
      %dma_wait3A_285 = arith.constant 0 : i32
      %dma_wait3A_286 = tpu.memref_slice %arg6[%arg1, %dma_wait3A, %dma_wait3A_285] : memref<16x1000x32xf32, #tpu.memory_space<vmem_shared>> -> memref<1x1000x32xf32, #tpu.memory_space<vmem_shared>>
      %dma_wait3A_287 = tpu.memref_squeeze %dma_wait3A_286 : memref<1x1000x32xf32, #tpu.memory_space<vmem_shared>> -> memref<1000x32xf32, #tpu.memory_space<vmem_shared>>
      %dma_wait3A_288 = arith.constant 0 : i32
      %dma_wait3A_289 = tpu.memref_slice %arg3[%mul3A_140, %dma_wait3A_288] : memref<1000000x32xf32, #tpu.memory_space<hbm>> -> memref<1000x32xf32, #tpu.memory_space<hbm>>
      tpu.wait_dma2 semaphore(%run_scoped3A : memref<!tpu.dma_semaphore, #tpu.memory_space<semaphore_mem>>) src(%dma_wait3A_289 : memref<1000x32xf32, #tpu.memory_space<hbm>>) dst(%dma_wait3A_287 : memref<1000x32xf32, #tpu.memory_space<vmem_shared>>)
      tpu.yield
    }) : () -> ()
    %add3A_141 = arith.constant 544 : i32
    %add3A_142 = arith.addi %add3A_141, %add3A : i32
    %mul3A_143 = arith.constant 1000 : i32
    %mul3A_144 = arith.muli %add3A_142, %mul3A_143 : i32
    "tpu.region"() ({
      %run_scoped3A = tpu.sem_alloc : memref<!tpu.dma_semaphore, #tpu.memory_space<semaphore_mem>>
      %dma_start3A = arith.constant 0 : i32
      %dma_start3A_280 = tpu.memref_slice %arg5[%mul3A_144, %dma_start3A] : memref<1000000x32xf32, #tpu.memory_space<hbm>> -> memref<1000x32xf32, #tpu.memory_space<hbm>>
      %dma_start3A_281 = arith.constant 0 : i32
      %dma_start3A_282 = arith.constant 0 : i32
      %dma_start3A_283 = tpu.memref_slice %arg6[%arg1, %dma_start3A_281, %dma_start3A_282] : memref<16x1000x32xf32, #tpu.memory_space<vmem_shared>> -> memref<1x1000x32xf32, #tpu.memory_space<vmem_shared>>
      %dma_start3A_284 = tpu.memref_squeeze %dma_start3A_283 : memref<1x1000x32xf32, #tpu.memory_space<vmem_shared>> -> memref<1000x32xf32, #tpu.memory_space<vmem_shared>>
      tpu.enqueue_dma source(%dma_start3A_284 : memref<1000x32xf32, #tpu.memory_space<vmem_shared>>) target(%dma_start3A_280 : memref<1000x32xf32, #tpu.memory_space<hbm>>) target_semaphore(%run_scoped3A : memref<!tpu.dma_semaphore, #tpu.memory_space<semaphore_mem>>)
      %dma_wait3A = arith.constant 0 : i32
      %dma_wait3A_285 = tpu.memref_slice %arg5[%mul3A_144, %dma_wait3A] : memref<1000000x32xf32, #tpu.memory_space<hbm>> -> memref<1000x32xf32, #tpu.memory_space<hbm>>
      %dma_wait3A_286 = arith.constant 0 : i32
      %dma_wait3A_287 = arith.constant 0 : i32
      %dma_wait3A_288 = tpu.memref_slice %arg6[%arg1, %dma_wait3A_286, %dma_wait3A_287] : memref<16x1000x32xf32, #tpu.memory_space<vmem_shared>> -> memref<1x1000x32xf32, #tpu.memory_space<vmem_shared>>
      %dma_wait3A_289 = tpu.memref_squeeze %dma_wait3A_288 : memref<1x1000x32xf32, #tpu.memory_space<vmem_shared>> -> memref<1000x32xf32, #tpu.memory_space<vmem_shared>>
      tpu.wait_dma2 semaphore(%run_scoped3A : memref<!tpu.dma_semaphore, #tpu.memory_space<semaphore_mem>>) src(%dma_wait3A_289 : memref<1000x32xf32, #tpu.memory_space<vmem_shared>>) dst(%dma_wait3A_285 : memref<1000x32xf32, #tpu.memory_space<hbm>>)
      tpu.yield
    }) : () -> ()
    %add3A_145 = arith.constant 576 : i32
    %add3A_146 = arith.addi %add3A_145, %add3A : i32
    %mul3A_147 = arith.constant 1000 : i32
    %mul3A_148 = arith.muli %add3A_146, %mul3A_147 : i32
    "tpu.region"() ({
      %run_scoped3A = tpu.sem_alloc : memref<!tpu.dma_semaphore, #tpu.memory_space<semaphore_mem>>
      %dma_start3A = arith.constant 0 : i32
      %dma_start3A_280 = arith.constant 0 : i32
      %dma_start3A_281 = tpu.memref_slice %arg6[%arg1, %dma_start3A, %dma_start3A_280] : memref<16x1000x32xf32, #tpu.memory_space<vmem_shared>> -> memref<1x1000x32xf32, #tpu.memory_space<vmem_shared>>
      %dma_start3A_282 = tpu.memref_squeeze %dma_start3A_281 : memref<1x1000x32xf32, #tpu.memory_space<vmem_shared>> -> memref<1000x32xf32, #tpu.memory_space<vmem_shared>>
      %dma_start3A_283 = arith.constant 0 : i32
      %dma_start3A_284 = tpu.memref_slice %arg3[%mul3A_148, %dma_start3A_283] : memref<1000000x32xf32, #tpu.memory_space<hbm>> -> memref<1000x32xf32, #tpu.memory_space<hbm>>
      tpu.enqueue_dma source(%dma_start3A_284 : memref<1000x32xf32, #tpu.memory_space<hbm>>) target(%dma_start3A_282 : memref<1000x32xf32, #tpu.memory_space<vmem_shared>>) target_semaphore(%run_scoped3A : memref<!tpu.dma_semaphore, #tpu.memory_space<semaphore_mem>>)
      %dma_wait3A = arith.constant 0 : i32
      %dma_wait3A_285 = arith.constant 0 : i32
      %dma_wait3A_286 = tpu.memref_slice %arg6[%arg1, %dma_wait3A, %dma_wait3A_285] : memref<16x1000x32xf32, #tpu.memory_space<vmem_shared>> -> memref<1x1000x32xf32, #tpu.memory_space<vmem_shared>>
      %dma_wait3A_287 = tpu.memref_squeeze %dma_wait3A_286 : memref<1x1000x32xf32, #tpu.memory_space<vmem_shared>> -> memref<1000x32xf32, #tpu.memory_space<vmem_shared>>
      %dma_wait3A_288 = arith.constant 0 : i32
      %dma_wait3A_289 = tpu.memref_slice %arg3[%mul3A_148, %dma_wait3A_288] : memref<1000000x32xf32, #tpu.memory_space<hbm>> -> memref<1000x32xf32, #tpu.memory_space<hbm>>
      tpu.wait_dma2 semaphore(%run_scoped3A : memref<!tpu.dma_semaphore, #tpu.memory_space<semaphore_mem>>) src(%dma_wait3A_289 : memref<1000x32xf32, #tpu.memory_space<hbm>>) dst(%dma_wait3A_287 : memref<1000x32xf32, #tpu.memory_space<vmem_shared>>)
      tpu.yield
    }) : () -> ()
    %add3A_149 = arith.constant 576 : i32
    %add3A_150 = arith.addi %add3A_149, %add3A : i32
    %mul3A_151 = arith.constant 1000 : i32
    %mul3A_152 = arith.muli %add3A_150, %mul3A_151 : i32
    "tpu.region"() ({
      %run_scoped3A = tpu.sem_alloc : memref<!tpu.dma_semaphore, #tpu.memory_space<semaphore_mem>>
      %dma_start3A = arith.constant 0 : i32
      %dma_start3A_280 = tpu.memref_slice %arg5[%mul3A_152, %dma_start3A] : memref<1000000x32xf32, #tpu.memory_space<hbm>> -> memref<1000x32xf32, #tpu.memory_space<hbm>>
      %dma_start3A_281 = arith.constant 0 : i32
      %dma_start3A_282 = arith.constant 0 : i32
      %dma_start3A_283 = tpu.memref_slice %arg6[%arg1, %dma_start3A_281, %dma_start3A_282] : memref<16x1000x32xf32, #tpu.memory_space<vmem_shared>> -> memref<1x1000x32xf32, #tpu.memory_space<vmem_shared>>
      %dma_start3A_284 = tpu.memref_squeeze %dma_start3A_283 : memref<1x1000x32xf32, #tpu.memory_space<vmem_shared>> -> memref<1000x32xf32, #tpu.memory_space<vmem_shared>>
      tpu.enqueue_dma source(%dma_start3A_284 : memref<1000x32xf32, #tpu.memory_space<vmem_shared>>) target(%dma_start3A_280 : memref<1000x32xf32, #tpu.memory_space<hbm>>) target_semaphore(%run_scoped3A : memref<!tpu.dma_semaphore, #tpu.memory_space<semaphore_mem>>)
      %dma_wait3A = arith.constant 0 : i32
      %dma_wait3A_285 = tpu.memref_slice %arg5[%mul3A_152, %dma_wait3A] : memref<1000000x32xf32, #tpu.memory_space<hbm>> -> memref<1000x32xf32, #tpu.memory_space<hbm>>
      %dma_wait3A_286 = arith.constant 0 : i32
      %dma_wait3A_287 = arith.constant 0 : i32
      %dma_wait3A_288 = tpu.memref_slice %arg6[%arg1, %dma_wait3A_286, %dma_wait3A_287] : memref<16x1000x32xf32, #tpu.memory_space<vmem_shared>> -> memref<1x1000x32xf32, #tpu.memory_space<vmem_shared>>
      %dma_wait3A_289 = tpu.memref_squeeze %dma_wait3A_288 : memref<1x1000x32xf32, #tpu.memory_space<vmem_shared>> -> memref<1000x32xf32, #tpu.memory_space<vmem_shared>>
      tpu.wait_dma2 semaphore(%run_scoped3A : memref<!tpu.dma_semaphore, #tpu.memory_space<semaphore_mem>>) src(%dma_wait3A_289 : memref<1000x32xf32, #tpu.memory_space<vmem_shared>>) dst(%dma_wait3A_285 : memref<1000x32xf32, #tpu.memory_space<hbm>>)
      tpu.yield
    }) : () -> ()
    %add3A_153 = arith.constant 608 : i32
    %add3A_154 = arith.addi %add3A_153, %add3A : i32
    %mul3A_155 = arith.constant 1000 : i32
    %mul3A_156 = arith.muli %add3A_154, %mul3A_155 : i32
    "tpu.region"() ({
      %run_scoped3A = tpu.sem_alloc : memref<!tpu.dma_semaphore, #tpu.memory_space<semaphore_mem>>
      %dma_start3A = arith.constant 0 : i32
      %dma_start3A_280 = arith.constant 0 : i32
      %dma_start3A_281 = tpu.memref_slice %arg6[%arg1, %dma_start3A, %dma_start3A_280] : memref<16x1000x32xf32, #tpu.memory_space<vmem_shared>> -> memref<1x1000x32xf32, #tpu.memory_space<vmem_shared>>
      %dma_start3A_282 = tpu.memref_squeeze %dma_start3A_281 : memref<1x1000x32xf32, #tpu.memory_space<vmem_shared>> -> memref<1000x32xf32, #tpu.memory_space<vmem_shared>>
      %dma_start3A_283 = arith.constant 0 : i32
      %dma_start3A_284 = tpu.memref_slice %arg3[%mul3A_156, %dma_start3A_283] : memref<1000000x32xf32, #tpu.memory_space<hbm>> -> memref<1000x32xf32, #tpu.memory_space<hbm>>
      tpu.enqueue_dma source(%dma_start3A_284 : memref<1000x32xf32, #tpu.memory_space<hbm>>) target(%dma_start3A_282 : memref<1000x32xf32, #tpu.memory_space<vmem_shared>>) target_semaphore(%run_scoped3A : memref<!tpu.dma_semaphore, #tpu.memory_space<semaphore_mem>>)
      %dma_wait3A = arith.constant 0 : i32
      %dma_wait3A_285 = arith.constant 0 : i32
      %dma_wait3A_286 = tpu.memref_slice %arg6[%arg1, %dma_wait3A, %dma_wait3A_285] : memref<16x1000x32xf32, #tpu.memory_space<vmem_shared>> -> memref<1x1000x32xf32, #tpu.memory_space<vmem_shared>>
      %dma_wait3A_287 = tpu.memref_squeeze %dma_wait3A_286 : memref<1x1000x32xf32, #tpu.memory_space<vmem_shared>> -> memref<1000x32xf32, #tpu.memory_space<vmem_shared>>
      %dma_wait3A_288 = arith.constant 0 : i32
      %dma_wait3A_289 = tpu.memref_slice %arg3[%mul3A_156, %dma_wait3A_288] : memref<1000000x32xf32, #tpu.memory_space<hbm>> -> memref<1000x32xf32, #tpu.memory_space<hbm>>
      tpu.wait_dma2 semaphore(%run_scoped3A : memref<!tpu.dma_semaphore, #tpu.memory_space<semaphore_mem>>) src(%dma_wait3A_289 : memref<1000x32xf32, #tpu.memory_space<hbm>>) dst(%dma_wait3A_287 : memref<1000x32xf32, #tpu.memory_space<vmem_shared>>)
      tpu.yield
    }) : () -> ()
    %add3A_157 = arith.constant 608 : i32
    %add3A_158 = arith.addi %add3A_157, %add3A : i32
    %mul3A_159 = arith.constant 1000 : i32
    %mul3A_160 = arith.muli %add3A_158, %mul3A_159 : i32
    "tpu.region"() ({
      %run_scoped3A = tpu.sem_alloc : memref<!tpu.dma_semaphore, #tpu.memory_space<semaphore_mem>>
      %dma_start3A = arith.constant 0 : i32
      %dma_start3A_280 = tpu.memref_slice %arg5[%mul3A_160, %dma_start3A] : memref<1000000x32xf32, #tpu.memory_space<hbm>> -> memref<1000x32xf32, #tpu.memory_space<hbm>>
      %dma_start3A_281 = arith.constant 0 : i32
      %dma_start3A_282 = arith.constant 0 : i32
      %dma_start3A_283 = tpu.memref_slice %arg6[%arg1, %dma_start3A_281, %dma_start3A_282] : memref<16x1000x32xf32, #tpu.memory_space<vmem_shared>> -> memref<1x1000x32xf32, #tpu.memory_space<vmem_shared>>
      %dma_start3A_284 = tpu.memref_squeeze %dma_start3A_283 : memref<1x1000x32xf32, #tpu.memory_space<vmem_shared>> -> memref<1000x32xf32, #tpu.memory_space<vmem_shared>>
      tpu.enqueue_dma source(%dma_start3A_284 : memref<1000x32xf32, #tpu.memory_space<vmem_shared>>) target(%dma_start3A_280 : memref<1000x32xf32, #tpu.memory_space<hbm>>) target_semaphore(%run_scoped3A : memref<!tpu.dma_semaphore, #tpu.memory_space<semaphore_mem>>)
      %dma_wait3A = arith.constant 0 : i32
      %dma_wait3A_285 = tpu.memref_slice %arg5[%mul3A_160, %dma_wait3A] : memref<1000000x32xf32, #tpu.memory_space<hbm>> -> memref<1000x32xf32, #tpu.memory_space<hbm>>
      %dma_wait3A_286 = arith.constant 0 : i32
      %dma_wait3A_287 = arith.constant 0 : i32
      %dma_wait3A_288 = tpu.memref_slice %arg6[%arg1, %dma_wait3A_286, %dma_wait3A_287] : memref<16x1000x32xf32, #tpu.memory_space<vmem_shared>> -> memref<1x1000x32xf32, #tpu.memory_space<vmem_shared>>
      %dma_wait3A_289 = tpu.memref_squeeze %dma_wait3A_288 : memref<1x1000x32xf32, #tpu.memory_space<vmem_shared>> -> memref<1000x32xf32, #tpu.memory_space<vmem_shared>>
      tpu.wait_dma2 semaphore(%run_scoped3A : memref<!tpu.dma_semaphore, #tpu.memory_space<semaphore_mem>>) src(%dma_wait3A_289 : memref<1000x32xf32, #tpu.memory_space<vmem_shared>>) dst(%dma_wait3A_285 : memref<1000x32xf32, #tpu.memory_space<hbm>>)
      tpu.yield
    }) : () -> ()
    %add3A_161 = arith.constant 640 : i32
    %add3A_162 = arith.addi %add3A_161, %add3A : i32
    %mul3A_163 = arith.constant 1000 : i32
    %mul3A_164 = arith.muli %add3A_162, %mul3A_163 : i32
    "tpu.region"() ({
      %run_scoped3A = tpu.sem_alloc : memref<!tpu.dma_semaphore, #tpu.memory_space<semaphore_mem>>
      %dma_start3A = arith.constant 0 : i32
      %dma_start3A_280 = arith.constant 0 : i32
      %dma_start3A_281 = tpu.memref_slice %arg6[%arg1, %dma_start3A, %dma_start3A_280] : memref<16x1000x32xf32, #tpu.memory_space<vmem_shared>> -> memref<1x1000x32xf32, #tpu.memory_space<vmem_shared>>
      %dma_start3A_282 = tpu.memref_squeeze %dma_start3A_281 : memref<1x1000x32xf32, #tpu.memory_space<vmem_shared>> -> memref<1000x32xf32, #tpu.memory_space<vmem_shared>>
      %dma_start3A_283 = arith.constant 0 : i32
      %dma_start3A_284 = tpu.memref_slice %arg3[%mul3A_164, %dma_start3A_283] : memref<1000000x32xf32, #tpu.memory_space<hbm>> -> memref<1000x32xf32, #tpu.memory_space<hbm>>
      tpu.enqueue_dma source(%dma_start3A_284 : memref<1000x32xf32, #tpu.memory_space<hbm>>) target(%dma_start3A_282 : memref<1000x32xf32, #tpu.memory_space<vmem_shared>>) target_semaphore(%run_scoped3A : memref<!tpu.dma_semaphore, #tpu.memory_space<semaphore_mem>>)
      %dma_wait3A = arith.constant 0 : i32
      %dma_wait3A_285 = arith.constant 0 : i32
      %dma_wait3A_286 = tpu.memref_slice %arg6[%arg1, %dma_wait3A, %dma_wait3A_285] : memref<16x1000x32xf32, #tpu.memory_space<vmem_shared>> -> memref<1x1000x32xf32, #tpu.memory_space<vmem_shared>>
      %dma_wait3A_287 = tpu.memref_squeeze %dma_wait3A_286 : memref<1x1000x32xf32, #tpu.memory_space<vmem_shared>> -> memref<1000x32xf32, #tpu.memory_space<vmem_shared>>
      %dma_wait3A_288 = arith.constant 0 : i32
      %dma_wait3A_289 = tpu.memref_slice %arg3[%mul3A_164, %dma_wait3A_288] : memref<1000000x32xf32, #tpu.memory_space<hbm>> -> memref<1000x32xf32, #tpu.memory_space<hbm>>
      tpu.wait_dma2 semaphore(%run_scoped3A : memref<!tpu.dma_semaphore, #tpu.memory_space<semaphore_mem>>) src(%dma_wait3A_289 : memref<1000x32xf32, #tpu.memory_space<hbm>>) dst(%dma_wait3A_287 : memref<1000x32xf32, #tpu.memory_space<vmem_shared>>)
      tpu.yield
    }) : () -> ()
    %add3A_165 = arith.constant 640 : i32
    %add3A_166 = arith.addi %add3A_165, %add3A : i32
    %mul3A_167 = arith.constant 1000 : i32
    %mul3A_168 = arith.muli %add3A_166, %mul3A_167 : i32
    "tpu.region"() ({
      %run_scoped3A = tpu.sem_alloc : memref<!tpu.dma_semaphore, #tpu.memory_space<semaphore_mem>>
      %dma_start3A = arith.constant 0 : i32
      %dma_start3A_280 = tpu.memref_slice %arg5[%mul3A_168, %dma_start3A] : memref<1000000x32xf32, #tpu.memory_space<hbm>> -> memref<1000x32xf32, #tpu.memory_space<hbm>>
      %dma_start3A_281 = arith.constant 0 : i32
      %dma_start3A_282 = arith.constant 0 : i32
      %dma_start3A_283 = tpu.memref_slice %arg6[%arg1, %dma_start3A_281, %dma_start3A_282] : memref<16x1000x32xf32, #tpu.memory_space<vmem_shared>> -> memref<1x1000x32xf32, #tpu.memory_space<vmem_shared>>
      %dma_start3A_284 = tpu.memref_squeeze %dma_start3A_283 : memref<1x1000x32xf32, #tpu.memory_space<vmem_shared>> -> memref<1000x32xf32, #tpu.memory_space<vmem_shared>>
      tpu.enqueue_dma source(%dma_start3A_284 : memref<1000x32xf32, #tpu.memory_space<vmem_shared>>) target(%dma_start3A_280 : memref<1000x32xf32, #tpu.memory_space<hbm>>) target_semaphore(%run_scoped3A : memref<!tpu.dma_semaphore, #tpu.memory_space<semaphore_mem>>)
      %dma_wait3A = arith.constant 0 : i32
      %dma_wait3A_285 = tpu.memref_slice %arg5[%mul3A_168, %dma_wait3A] : memref<1000000x32xf32, #tpu.memory_space<hbm>> -> memref<1000x32xf32, #tpu.memory_space<hbm>>
      %dma_wait3A_286 = arith.constant 0 : i32
      %dma_wait3A_287 = arith.constant 0 : i32
      %dma_wait3A_288 = tpu.memref_slice %arg6[%arg1, %dma_wait3A_286, %dma_wait3A_287] : memref<16x1000x32xf32, #tpu.memory_space<vmem_shared>> -> memref<1x1000x32xf32, #tpu.memory_space<vmem_shared>>
      %dma_wait3A_289 = tpu.memref_squeeze %dma_wait3A_288 : memref<1x1000x32xf32, #tpu.memory_space<vmem_shared>> -> memref<1000x32xf32, #tpu.memory_space<vmem_shared>>
      tpu.wait_dma2 semaphore(%run_scoped3A : memref<!tpu.dma_semaphore, #tpu.memory_space<semaphore_mem>>) src(%dma_wait3A_289 : memref<1000x32xf32, #tpu.memory_space<vmem_shared>>) dst(%dma_wait3A_285 : memref<1000x32xf32, #tpu.memory_space<hbm>>)
      tpu.yield
    }) : () -> ()
    %add3A_169 = arith.constant 672 : i32
    %add3A_170 = arith.addi %add3A_169, %add3A : i32
    %mul3A_171 = arith.constant 1000 : i32
    %mul3A_172 = arith.muli %add3A_170, %mul3A_171 : i32
    "tpu.region"() ({
      %run_scoped3A = tpu.sem_alloc : memref<!tpu.dma_semaphore, #tpu.memory_space<semaphore_mem>>
      %dma_start3A = arith.constant 0 : i32
      %dma_start3A_280 = arith.constant 0 : i32
      %dma_start3A_281 = tpu.memref_slice %arg6[%arg1, %dma_start3A, %dma_start3A_280] : memref<16x1000x32xf32, #tpu.memory_space<vmem_shared>> -> memref<1x1000x32xf32, #tpu.memory_space<vmem_shared>>
      %dma_start3A_282 = tpu.memref_squeeze %dma_start3A_281 : memref<1x1000x32xf32, #tpu.memory_space<vmem_shared>> -> memref<1000x32xf32, #tpu.memory_space<vmem_shared>>
      %dma_start3A_283 = arith.constant 0 : i32
      %dma_start3A_284 = tpu.memref_slice %arg3[%mul3A_172, %dma_start3A_283] : memref<1000000x32xf32, #tpu.memory_space<hbm>> -> memref<1000x32xf32, #tpu.memory_space<hbm>>
      tpu.enqueue_dma source(%dma_start3A_284 : memref<1000x32xf32, #tpu.memory_space<hbm>>) target(%dma_start3A_282 : memref<1000x32xf32, #tpu.memory_space<vmem_shared>>) target_semaphore(%run_scoped3A : memref<!tpu.dma_semaphore, #tpu.memory_space<semaphore_mem>>)
      %dma_wait3A = arith.constant 0 : i32
      %dma_wait3A_285 = arith.constant 0 : i32
      %dma_wait3A_286 = tpu.memref_slice %arg6[%arg1, %dma_wait3A, %dma_wait3A_285] : memref<16x1000x32xf32, #tpu.memory_space<vmem_shared>> -> memref<1x1000x32xf32, #tpu.memory_space<vmem_shared>>
      %dma_wait3A_287 = tpu.memref_squeeze %dma_wait3A_286 : memref<1x1000x32xf32, #tpu.memory_space<vmem_shared>> -> memref<1000x32xf32, #tpu.memory_space<vmem_shared>>
      %dma_wait3A_288 = arith.constant 0 : i32
      %dma_wait3A_289 = tpu.memref_slice %arg3[%mul3A_172, %dma_wait3A_288] : memref<1000000x32xf32, #tpu.memory_space<hbm>> -> memref<1000x32xf32, #tpu.memory_space<hbm>>
      tpu.wait_dma2 semaphore(%run_scoped3A : memref<!tpu.dma_semaphore, #tpu.memory_space<semaphore_mem>>) src(%dma_wait3A_289 : memref<1000x32xf32, #tpu.memory_space<hbm>>) dst(%dma_wait3A_287 : memref<1000x32xf32, #tpu.memory_space<vmem_shared>>)
      tpu.yield
    }) : () -> ()
    %add3A_173 = arith.constant 672 : i32
    %add3A_174 = arith.addi %add3A_173, %add3A : i32
    %mul3A_175 = arith.constant 1000 : i32
    %mul3A_176 = arith.muli %add3A_174, %mul3A_175 : i32
    "tpu.region"() ({
      %run_scoped3A = tpu.sem_alloc : memref<!tpu.dma_semaphore, #tpu.memory_space<semaphore_mem>>
      %dma_start3A = arith.constant 0 : i32
      %dma_start3A_280 = tpu.memref_slice %arg5[%mul3A_176, %dma_start3A] : memref<1000000x32xf32, #tpu.memory_space<hbm>> -> memref<1000x32xf32, #tpu.memory_space<hbm>>
      %dma_start3A_281 = arith.constant 0 : i32
      %dma_start3A_282 = arith.constant 0 : i32
      %dma_start3A_283 = tpu.memref_slice %arg6[%arg1, %dma_start3A_281, %dma_start3A_282] : memref<16x1000x32xf32, #tpu.memory_space<vmem_shared>> -> memref<1x1000x32xf32, #tpu.memory_space<vmem_shared>>
      %dma_start3A_284 = tpu.memref_squeeze %dma_start3A_283 : memref<1x1000x32xf32, #tpu.memory_space<vmem_shared>> -> memref<1000x32xf32, #tpu.memory_space<vmem_shared>>
      tpu.enqueue_dma source(%dma_start3A_284 : memref<1000x32xf32, #tpu.memory_space<vmem_shared>>) target(%dma_start3A_280 : memref<1000x32xf32, #tpu.memory_space<hbm>>) target_semaphore(%run_scoped3A : memref<!tpu.dma_semaphore, #tpu.memory_space<semaphore_mem>>)
      %dma_wait3A = arith.constant 0 : i32
      %dma_wait3A_285 = tpu.memref_slice %arg5[%mul3A_176, %dma_wait3A] : memref<1000000x32xf32, #tpu.memory_space<hbm>> -> memref<1000x32xf32, #tpu.memory_space<hbm>>
      %dma_wait3A_286 = arith.constant 0 : i32
      %dma_wait3A_287 = arith.constant 0 : i32
      %dma_wait3A_288 = tpu.memref_slice %arg6[%arg1, %dma_wait3A_286, %dma_wait3A_287] : memref<16x1000x32xf32, #tpu.memory_space<vmem_shared>> -> memref<1x1000x32xf32, #tpu.memory_space<vmem_shared>>
      %dma_wait3A_289 = tpu.memref_squeeze %dma_wait3A_288 : memref<1x1000x32xf32, #tpu.memory_space<vmem_shared>> -> memref<1000x32xf32, #tpu.memory_space<vmem_shared>>
      tpu.wait_dma2 semaphore(%run_scoped3A : memref<!tpu.dma_semaphore, #tpu.memory_space<semaphore_mem>>) src(%dma_wait3A_289 : memref<1000x32xf32, #tpu.memory_space<vmem_shared>>) dst(%dma_wait3A_285 : memref<1000x32xf32, #tpu.memory_space<hbm>>)
      tpu.yield
    }) : () -> ()
    %add3A_177 = arith.constant 704 : i32
    %add3A_178 = arith.addi %add3A_177, %add3A : i32
    %mul3A_179 = arith.constant 1000 : i32
    %mul3A_180 = arith.muli %add3A_178, %mul3A_179 : i32
    "tpu.region"() ({
      %run_scoped3A = tpu.sem_alloc : memref<!tpu.dma_semaphore, #tpu.memory_space<semaphore_mem>>
      %dma_start3A = arith.constant 0 : i32
      %dma_start3A_280 = arith.constant 0 : i32
      %dma_start3A_281 = tpu.memref_slice %arg6[%arg1, %dma_start3A, %dma_start3A_280] : memref<16x1000x32xf32, #tpu.memory_space<vmem_shared>> -> memref<1x1000x32xf32, #tpu.memory_space<vmem_shared>>
      %dma_start3A_282 = tpu.memref_squeeze %dma_start3A_281 : memref<1x1000x32xf32, #tpu.memory_space<vmem_shared>> -> memref<1000x32xf32, #tpu.memory_space<vmem_shared>>
      %dma_start3A_283 = arith.constant 0 : i32
      %dma_start3A_284 = tpu.memref_slice %arg3[%mul3A_180, %dma_start3A_283] : memref<1000000x32xf32, #tpu.memory_space<hbm>> -> memref<1000x32xf32, #tpu.memory_space<hbm>>
      tpu.enqueue_dma source(%dma_start3A_284 : memref<1000x32xf32, #tpu.memory_space<hbm>>) target(%dma_start3A_282 : memref<1000x32xf32, #tpu.memory_space<vmem_shared>>) target_semaphore(%run_scoped3A : memref<!tpu.dma_semaphore, #tpu.memory_space<semaphore_mem>>)
      %dma_wait3A = arith.constant 0 : i32
      %dma_wait3A_285 = arith.constant 0 : i32
      %dma_wait3A_286 = tpu.memref_slice %arg6[%arg1, %dma_wait3A, %dma_wait3A_285] : memref<16x1000x32xf32, #tpu.memory_space<vmem_shared>> -> memref<1x1000x32xf32, #tpu.memory_space<vmem_shared>>
      %dma_wait3A_287 = tpu.memref_squeeze %dma_wait3A_286 : memref<1x1000x32xf32, #tpu.memory_space<vmem_shared>> -> memref<1000x32xf32, #tpu.memory_space<vmem_shared>>
      %dma_wait3A_288 = arith.constant 0 : i32
      %dma_wait3A_289 = tpu.memref_slice %arg3[%mul3A_180, %dma_wait3A_288] : memref<1000000x32xf32, #tpu.memory_space<hbm>> -> memref<1000x32xf32, #tpu.memory_space<hbm>>
      tpu.wait_dma2 semaphore(%run_scoped3A : memref<!tpu.dma_semaphore, #tpu.memory_space<semaphore_mem>>) src(%dma_wait3A_289 : memref<1000x32xf32, #tpu.memory_space<hbm>>) dst(%dma_wait3A_287 : memref<1000x32xf32, #tpu.memory_space<vmem_shared>>)
      tpu.yield
    }) : () -> ()
    %add3A_181 = arith.constant 704 : i32
    %add3A_182 = arith.addi %add3A_181, %add3A : i32
    %mul3A_183 = arith.constant 1000 : i32
    %mul3A_184 = arith.muli %add3A_182, %mul3A_183 : i32
    "tpu.region"() ({
      %run_scoped3A = tpu.sem_alloc : memref<!tpu.dma_semaphore, #tpu.memory_space<semaphore_mem>>
      %dma_start3A = arith.constant 0 : i32
      %dma_start3A_280 = tpu.memref_slice %arg5[%mul3A_184, %dma_start3A] : memref<1000000x32xf32, #tpu.memory_space<hbm>> -> memref<1000x32xf32, #tpu.memory_space<hbm>>
      %dma_start3A_281 = arith.constant 0 : i32
      %dma_start3A_282 = arith.constant 0 : i32
      %dma_start3A_283 = tpu.memref_slice %arg6[%arg1, %dma_start3A_281, %dma_start3A_282] : memref<16x1000x32xf32, #tpu.memory_space<vmem_shared>> -> memref<1x1000x32xf32, #tpu.memory_space<vmem_shared>>
      %dma_start3A_284 = tpu.memref_squeeze %dma_start3A_283 : memref<1x1000x32xf32, #tpu.memory_space<vmem_shared>> -> memref<1000x32xf32, #tpu.memory_space<vmem_shared>>
      tpu.enqueue_dma source(%dma_start3A_284 : memref<1000x32xf32, #tpu.memory_space<vmem_shared>>) target(%dma_start3A_280 : memref<1000x32xf32, #tpu.memory_space<hbm>>) target_semaphore(%run_scoped3A : memref<!tpu.dma_semaphore, #tpu.memory_space<semaphore_mem>>)
      %dma_wait3A = arith.constant 0 : i32
      %dma_wait3A_285 = tpu.memref_slice %arg5[%mul3A_184, %dma_wait3A] : memref<1000000x32xf32, #tpu.memory_space<hbm>> -> memref<1000x32xf32, #tpu.memory_space<hbm>>
      %dma_wait3A_286 = arith.constant 0 : i32
      %dma_wait3A_287 = arith.constant 0 : i32
      %dma_wait3A_288 = tpu.memref_slice %arg6[%arg1, %dma_wait3A_286, %dma_wait3A_287] : memref<16x1000x32xf32, #tpu.memory_space<vmem_shared>> -> memref<1x1000x32xf32, #tpu.memory_space<vmem_shared>>
      %dma_wait3A_289 = tpu.memref_squeeze %dma_wait3A_288 : memref<1x1000x32xf32, #tpu.memory_space<vmem_shared>> -> memref<1000x32xf32, #tpu.memory_space<vmem_shared>>
      tpu.wait_dma2 semaphore(%run_scoped3A : memref<!tpu.dma_semaphore, #tpu.memory_space<semaphore_mem>>) src(%dma_wait3A_289 : memref<1000x32xf32, #tpu.memory_space<vmem_shared>>) dst(%dma_wait3A_285 : memref<1000x32xf32, #tpu.memory_space<hbm>>)
      tpu.yield
    }) : () -> ()
    %add3A_185 = arith.constant 736 : i32
    %add3A_186 = arith.addi %add3A_185, %add3A : i32
    %mul3A_187 = arith.constant 1000 : i32
    %mul3A_188 = arith.muli %add3A_186, %mul3A_187 : i32
    "tpu.region"() ({
      %run_scoped3A = tpu.sem_alloc : memref<!tpu.dma_semaphore, #tpu.memory_space<semaphore_mem>>
      %dma_start3A = arith.constant 0 : i32
      %dma_start3A_280 = arith.constant 0 : i32
      %dma_start3A_281 = tpu.memref_slice %arg6[%arg1, %dma_start3A, %dma_start3A_280] : memref<16x1000x32xf32, #tpu.memory_space<vmem_shared>> -> memref<1x1000x32xf32, #tpu.memory_space<vmem_shared>>
      %dma_start3A_282 = tpu.memref_squeeze %dma_start3A_281 : memref<1x1000x32xf32, #tpu.memory_space<vmem_shared>> -> memref<1000x32xf32, #tpu.memory_space<vmem_shared>>
      %dma_start3A_283 = arith.constant 0 : i32
      %dma_start3A_284 = tpu.memref_slice %arg3[%mul3A_188, %dma_start3A_283] : memref<1000000x32xf32, #tpu.memory_space<hbm>> -> memref<1000x32xf32, #tpu.memory_space<hbm>>
      tpu.enqueue_dma source(%dma_start3A_284 : memref<1000x32xf32, #tpu.memory_space<hbm>>) target(%dma_start3A_282 : memref<1000x32xf32, #tpu.memory_space<vmem_shared>>) target_semaphore(%run_scoped3A : memref<!tpu.dma_semaphore, #tpu.memory_space<semaphore_mem>>)
      %dma_wait3A = arith.constant 0 : i32
      %dma_wait3A_285 = arith.constant 0 : i32
      %dma_wait3A_286 = tpu.memref_slice %arg6[%arg1, %dma_wait3A, %dma_wait3A_285] : memref<16x1000x32xf32, #tpu.memory_space<vmem_shared>> -> memref<1x1000x32xf32, #tpu.memory_space<vmem_shared>>
      %dma_wait3A_287 = tpu.memref_squeeze %dma_wait3A_286 : memref<1x1000x32xf32, #tpu.memory_space<vmem_shared>> -> memref<1000x32xf32, #tpu.memory_space<vmem_shared>>
      %dma_wait3A_288 = arith.constant 0 : i32
      %dma_wait3A_289 = tpu.memref_slice %arg3[%mul3A_188, %dma_wait3A_288] : memref<1000000x32xf32, #tpu.memory_space<hbm>> -> memref<1000x32xf32, #tpu.memory_space<hbm>>
      tpu.wait_dma2 semaphore(%run_scoped3A : memref<!tpu.dma_semaphore, #tpu.memory_space<semaphore_mem>>) src(%dma_wait3A_289 : memref<1000x32xf32, #tpu.memory_space<hbm>>) dst(%dma_wait3A_287 : memref<1000x32xf32, #tpu.memory_space<vmem_shared>>)
      tpu.yield
    }) : () -> ()
    %add3A_189 = arith.constant 736 : i32
    %add3A_190 = arith.addi %add3A_189, %add3A : i32
    %mul3A_191 = arith.constant 1000 : i32
    %mul3A_192 = arith.muli %add3A_190, %mul3A_191 : i32
    "tpu.region"() ({
      %run_scoped3A = tpu.sem_alloc : memref<!tpu.dma_semaphore, #tpu.memory_space<semaphore_mem>>
      %dma_start3A = arith.constant 0 : i32
      %dma_start3A_280 = tpu.memref_slice %arg5[%mul3A_192, %dma_start3A] : memref<1000000x32xf32, #tpu.memory_space<hbm>> -> memref<1000x32xf32, #tpu.memory_space<hbm>>
      %dma_start3A_281 = arith.constant 0 : i32
      %dma_start3A_282 = arith.constant 0 : i32
      %dma_start3A_283 = tpu.memref_slice %arg6[%arg1, %dma_start3A_281, %dma_start3A_282] : memref<16x1000x32xf32, #tpu.memory_space<vmem_shared>> -> memref<1x1000x32xf32, #tpu.memory_space<vmem_shared>>
      %dma_start3A_284 = tpu.memref_squeeze %dma_start3A_283 : memref<1x1000x32xf32, #tpu.memory_space<vmem_shared>> -> memref<1000x32xf32, #tpu.memory_space<vmem_shared>>
      tpu.enqueue_dma source(%dma_start3A_284 : memref<1000x32xf32, #tpu.memory_space<vmem_shared>>) target(%dma_start3A_280 : memref<1000x32xf32, #tpu.memory_space<hbm>>) target_semaphore(%run_scoped3A : memref<!tpu.dma_semaphore, #tpu.memory_space<semaphore_mem>>)
      %dma_wait3A = arith.constant 0 : i32
      %dma_wait3A_285 = tpu.memref_slice %arg5[%mul3A_192, %dma_wait3A] : memref<1000000x32xf32, #tpu.memory_space<hbm>> -> memref<1000x32xf32, #tpu.memory_space<hbm>>
      %dma_wait3A_286 = arith.constant 0 : i32
      %dma_wait3A_287 = arith.constant 0 : i32
      %dma_wait3A_288 = tpu.memref_slice %arg6[%arg1, %dma_wait3A_286, %dma_wait3A_287] : memref<16x1000x32xf32, #tpu.memory_space<vmem_shared>> -> memref<1x1000x32xf32, #tpu.memory_space<vmem_shared>>
      %dma_wait3A_289 = tpu.memref_squeeze %dma_wait3A_288 : memref<1x1000x32xf32, #tpu.memory_space<vmem_shared>> -> memref<1000x32xf32, #tpu.memory_space<vmem_shared>>
      tpu.wait_dma2 semaphore(%run_scoped3A : memref<!tpu.dma_semaphore, #tpu.memory_space<semaphore_mem>>) src(%dma_wait3A_289 : memref<1000x32xf32, #tpu.memory_space<vmem_shared>>) dst(%dma_wait3A_285 : memref<1000x32xf32, #tpu.memory_space<hbm>>)
      tpu.yield
    }) : () -> ()
    %add3A_193 = arith.constant 768 : i32
    %add3A_194 = arith.addi %add3A_193, %add3A : i32
    %mul3A_195 = arith.constant 1000 : i32
    %mul3A_196 = arith.muli %add3A_194, %mul3A_195 : i32
    "tpu.region"() ({
      %run_scoped3A = tpu.sem_alloc : memref<!tpu.dma_semaphore, #tpu.memory_space<semaphore_mem>>
      %dma_start3A = arith.constant 0 : i32
      %dma_start3A_280 = arith.constant 0 : i32
      %dma_start3A_281 = tpu.memref_slice %arg6[%arg1, %dma_start3A, %dma_start3A_280] : memref<16x1000x32xf32, #tpu.memory_space<vmem_shared>> -> memref<1x1000x32xf32, #tpu.memory_space<vmem_shared>>
      %dma_start3A_282 = tpu.memref_squeeze %dma_start3A_281 : memref<1x1000x32xf32, #tpu.memory_space<vmem_shared>> -> memref<1000x32xf32, #tpu.memory_space<vmem_shared>>
      %dma_start3A_283 = arith.constant 0 : i32
      %dma_start3A_284 = tpu.memref_slice %arg3[%mul3A_196, %dma_start3A_283] : memref<1000000x32xf32, #tpu.memory_space<hbm>> -> memref<1000x32xf32, #tpu.memory_space<hbm>>
      tpu.enqueue_dma source(%dma_start3A_284 : memref<1000x32xf32, #tpu.memory_space<hbm>>) target(%dma_start3A_282 : memref<1000x32xf32, #tpu.memory_space<vmem_shared>>) target_semaphore(%run_scoped3A : memref<!tpu.dma_semaphore, #tpu.memory_space<semaphore_mem>>)
      %dma_wait3A = arith.constant 0 : i32
      %dma_wait3A_285 = arith.constant 0 : i32
      %dma_wait3A_286 = tpu.memref_slice %arg6[%arg1, %dma_wait3A, %dma_wait3A_285] : memref<16x1000x32xf32, #tpu.memory_space<vmem_shared>> -> memref<1x1000x32xf32, #tpu.memory_space<vmem_shared>>
      %dma_wait3A_287 = tpu.memref_squeeze %dma_wait3A_286 : memref<1x1000x32xf32, #tpu.memory_space<vmem_shared>> -> memref<1000x32xf32, #tpu.memory_space<vmem_shared>>
      %dma_wait3A_288 = arith.constant 0 : i32
      %dma_wait3A_289 = tpu.memref_slice %arg3[%mul3A_196, %dma_wait3A_288] : memref<1000000x32xf32, #tpu.memory_space<hbm>> -> memref<1000x32xf32, #tpu.memory_space<hbm>>
      tpu.wait_dma2 semaphore(%run_scoped3A : memref<!tpu.dma_semaphore, #tpu.memory_space<semaphore_mem>>) src(%dma_wait3A_289 : memref<1000x32xf32, #tpu.memory_space<hbm>>) dst(%dma_wait3A_287 : memref<1000x32xf32, #tpu.memory_space<vmem_shared>>)
      tpu.yield
    }) : () -> ()
    %add3A_197 = arith.constant 768 : i32
    %add3A_198 = arith.addi %add3A_197, %add3A : i32
    %mul3A_199 = arith.constant 1000 : i32
    %mul3A_200 = arith.muli %add3A_198, %mul3A_199 : i32
    "tpu.region"() ({
      %run_scoped3A = tpu.sem_alloc : memref<!tpu.dma_semaphore, #tpu.memory_space<semaphore_mem>>
      %dma_start3A = arith.constant 0 : i32
      %dma_start3A_280 = tpu.memref_slice %arg5[%mul3A_200, %dma_start3A] : memref<1000000x32xf32, #tpu.memory_space<hbm>> -> memref<1000x32xf32, #tpu.memory_space<hbm>>
      %dma_start3A_281 = arith.constant 0 : i32
      %dma_start3A_282 = arith.constant 0 : i32
      %dma_start3A_283 = tpu.memref_slice %arg6[%arg1, %dma_start3A_281, %dma_start3A_282] : memref<16x1000x32xf32, #tpu.memory_space<vmem_shared>> -> memref<1x1000x32xf32, #tpu.memory_space<vmem_shared>>
      %dma_start3A_284 = tpu.memref_squeeze %dma_start3A_283 : memref<1x1000x32xf32, #tpu.memory_space<vmem_shared>> -> memref<1000x32xf32, #tpu.memory_space<vmem_shared>>
      tpu.enqueue_dma source(%dma_start3A_284 : memref<1000x32xf32, #tpu.memory_space<vmem_shared>>) target(%dma_start3A_280 : memref<1000x32xf32, #tpu.memory_space<hbm>>) target_semaphore(%run_scoped3A : memref<!tpu.dma_semaphore, #tpu.memory_space<semaphore_mem>>)
      %dma_wait3A = arith.constant 0 : i32
      %dma_wait3A_285 = tpu.memref_slice %arg5[%mul3A_200, %dma_wait3A] : memref<1000000x32xf32, #tpu.memory_space<hbm>> -> memref<1000x32xf32, #tpu.memory_space<hbm>>
      %dma_wait3A_286 = arith.constant 0 : i32
      %dma_wait3A_287 = arith.constant 0 : i32
      %dma_wait3A_288 = tpu.memref_slice %arg6[%arg1, %dma_wait3A_286, %dma_wait3A_287] : memref<16x1000x32xf32, #tpu.memory_space<vmem_shared>> -> memref<1x1000x32xf32, #tpu.memory_space<vmem_shared>>
      %dma_wait3A_289 = tpu.memref_squeeze %dma_wait3A_288 : memref<1x1000x32xf32, #tpu.memory_space<vmem_shared>> -> memref<1000x32xf32, #tpu.memory_space<vmem_shared>>
      tpu.wait_dma2 semaphore(%run_scoped3A : memref<!tpu.dma_semaphore, #tpu.memory_space<semaphore_mem>>) src(%dma_wait3A_289 : memref<1000x32xf32, #tpu.memory_space<vmem_shared>>) dst(%dma_wait3A_285 : memref<1000x32xf32, #tpu.memory_space<hbm>>)
      tpu.yield
    }) : () -> ()
    %add3A_201 = arith.constant 800 : i32
    %add3A_202 = arith.addi %add3A_201, %add3A : i32
    %mul3A_203 = arith.constant 1000 : i32
    %mul3A_204 = arith.muli %add3A_202, %mul3A_203 : i32
    "tpu.region"() ({
      %run_scoped3A = tpu.sem_alloc : memref<!tpu.dma_semaphore, #tpu.memory_space<semaphore_mem>>
      %dma_start3A = arith.constant 0 : i32
      %dma_start3A_280 = arith.constant 0 : i32
      %dma_start3A_281 = tpu.memref_slice %arg6[%arg1, %dma_start3A, %dma_start3A_280] : memref<16x1000x32xf32, #tpu.memory_space<vmem_shared>> -> memref<1x1000x32xf32, #tpu.memory_space<vmem_shared>>
      %dma_start3A_282 = tpu.memref_squeeze %dma_start3A_281 : memref<1x1000x32xf32, #tpu.memory_space<vmem_shared>> -> memref<1000x32xf32, #tpu.memory_space<vmem_shared>>
      %dma_start3A_283 = arith.constant 0 : i32
      %dma_start3A_284 = tpu.memref_slice %arg3[%mul3A_204, %dma_start3A_283] : memref<1000000x32xf32, #tpu.memory_space<hbm>> -> memref<1000x32xf32, #tpu.memory_space<hbm>>
      tpu.enqueue_dma source(%dma_start3A_284 : memref<1000x32xf32, #tpu.memory_space<hbm>>) target(%dma_start3A_282 : memref<1000x32xf32, #tpu.memory_space<vmem_shared>>) target_semaphore(%run_scoped3A : memref<!tpu.dma_semaphore, #tpu.memory_space<semaphore_mem>>)
      %dma_wait3A = arith.constant 0 : i32
      %dma_wait3A_285 = arith.constant 0 : i32
      %dma_wait3A_286 = tpu.memref_slice %arg6[%arg1, %dma_wait3A, %dma_wait3A_285] : memref<16x1000x32xf32, #tpu.memory_space<vmem_shared>> -> memref<1x1000x32xf32, #tpu.memory_space<vmem_shared>>
      %dma_wait3A_287 = tpu.memref_squeeze %dma_wait3A_286 : memref<1x1000x32xf32, #tpu.memory_space<vmem_shared>> -> memref<1000x32xf32, #tpu.memory_space<vmem_shared>>
      %dma_wait3A_288 = arith.constant 0 : i32
      %dma_wait3A_289 = tpu.memref_slice %arg3[%mul3A_204, %dma_wait3A_288] : memref<1000000x32xf32, #tpu.memory_space<hbm>> -> memref<1000x32xf32, #tpu.memory_space<hbm>>
      tpu.wait_dma2 semaphore(%run_scoped3A : memref<!tpu.dma_semaphore, #tpu.memory_space<semaphore_mem>>) src(%dma_wait3A_289 : memref<1000x32xf32, #tpu.memory_space<hbm>>) dst(%dma_wait3A_287 : memref<1000x32xf32, #tpu.memory_space<vmem_shared>>)
      tpu.yield
    }) : () -> ()
    %add3A_205 = arith.constant 800 : i32
    %add3A_206 = arith.addi %add3A_205, %add3A : i32
    %mul3A_207 = arith.constant 1000 : i32
    %mul3A_208 = arith.muli %add3A_206, %mul3A_207 : i32
    "tpu.region"() ({
      %run_scoped3A = tpu.sem_alloc : memref<!tpu.dma_semaphore, #tpu.memory_space<semaphore_mem>>
      %dma_start3A = arith.constant 0 : i32
      %dma_start3A_280 = tpu.memref_slice %arg5[%mul3A_208, %dma_start3A] : memref<1000000x32xf32, #tpu.memory_space<hbm>> -> memref<1000x32xf32, #tpu.memory_space<hbm>>
      %dma_start3A_281 = arith.constant 0 : i32
      %dma_start3A_282 = arith.constant 0 : i32
      %dma_start3A_283 = tpu.memref_slice %arg6[%arg1, %dma_start3A_281, %dma_start3A_282] : memref<16x1000x32xf32, #tpu.memory_space<vmem_shared>> -> memref<1x1000x32xf32, #tpu.memory_space<vmem_shared>>
      %dma_start3A_284 = tpu.memref_squeeze %dma_start3A_283 : memref<1x1000x32xf32, #tpu.memory_space<vmem_shared>> -> memref<1000x32xf32, #tpu.memory_space<vmem_shared>>
      tpu.enqueue_dma source(%dma_start3A_284 : memref<1000x32xf32, #tpu.memory_space<vmem_shared>>) target(%dma_start3A_280 : memref<1000x32xf32, #tpu.memory_space<hbm>>) target_semaphore(%run_scoped3A : memref<!tpu.dma_semaphore, #tpu.memory_space<semaphore_mem>>)
      %dma_wait3A = arith.constant 0 : i32
      %dma_wait3A_285 = tpu.memref_slice %arg5[%mul3A_208, %dma_wait3A] : memref<1000000x32xf32, #tpu.memory_space<hbm>> -> memref<1000x32xf32, #tpu.memory_space<hbm>>
      %dma_wait3A_286 = arith.constant 0 : i32
      %dma_wait3A_287 = arith.constant 0 : i32
      %dma_wait3A_288 = tpu.memref_slice %arg6[%arg1, %dma_wait3A_286, %dma_wait3A_287] : memref<16x1000x32xf32, #tpu.memory_space<vmem_shared>> -> memref<1x1000x32xf32, #tpu.memory_space<vmem_shared>>
      %dma_wait3A_289 = tpu.memref_squeeze %dma_wait3A_288 : memref<1x1000x32xf32, #tpu.memory_space<vmem_shared>> -> memref<1000x32xf32, #tpu.memory_space<vmem_shared>>
      tpu.wait_dma2 semaphore(%run_scoped3A : memref<!tpu.dma_semaphore, #tpu.memory_space<semaphore_mem>>) src(%dma_wait3A_289 : memref<1000x32xf32, #tpu.memory_space<vmem_shared>>) dst(%dma_wait3A_285 : memref<1000x32xf32, #tpu.memory_space<hbm>>)
      tpu.yield
    }) : () -> ()
    %add3A_209 = arith.constant 832 : i32
    %add3A_210 = arith.addi %add3A_209, %add3A : i32
    %mul3A_211 = arith.constant 1000 : i32
    %mul3A_212 = arith.muli %add3A_210, %mul3A_211 : i32
    "tpu.region"() ({
      %run_scoped3A = tpu.sem_alloc : memref<!tpu.dma_semaphore, #tpu.memory_space<semaphore_mem>>
      %dma_start3A = arith.constant 0 : i32
      %dma_start3A_280 = arith.constant 0 : i32
      %dma_start3A_281 = tpu.memref_slice %arg6[%arg1, %dma_start3A, %dma_start3A_280] : memref<16x1000x32xf32, #tpu.memory_space<vmem_shared>> -> memref<1x1000x32xf32, #tpu.memory_space<vmem_shared>>
      %dma_start3A_282 = tpu.memref_squeeze %dma_start3A_281 : memref<1x1000x32xf32, #tpu.memory_space<vmem_shared>> -> memref<1000x32xf32, #tpu.memory_space<vmem_shared>>
      %dma_start3A_283 = arith.constant 0 : i32
      %dma_start3A_284 = tpu.memref_slice %arg3[%mul3A_212, %dma_start3A_283] : memref<1000000x32xf32, #tpu.memory_space<hbm>> -> memref<1000x32xf32, #tpu.memory_space<hbm>>
      tpu.enqueue_dma source(%dma_start3A_284 : memref<1000x32xf32, #tpu.memory_space<hbm>>) target(%dma_start3A_282 : memref<1000x32xf32, #tpu.memory_space<vmem_shared>>) target_semaphore(%run_scoped3A : memref<!tpu.dma_semaphore, #tpu.memory_space<semaphore_mem>>)
      %dma_wait3A = arith.constant 0 : i32
      %dma_wait3A_285 = arith.constant 0 : i32
      %dma_wait3A_286 = tpu.memref_slice %arg6[%arg1, %dma_wait3A, %dma_wait3A_285] : memref<16x1000x32xf32, #tpu.memory_space<vmem_shared>> -> memref<1x1000x32xf32, #tpu.memory_space<vmem_shared>>
      %dma_wait3A_287 = tpu.memref_squeeze %dma_wait3A_286 : memref<1x1000x32xf32, #tpu.memory_space<vmem_shared>> -> memref<1000x32xf32, #tpu.memory_space<vmem_shared>>
      %dma_wait3A_288 = arith.constant 0 : i32
      %dma_wait3A_289 = tpu.memref_slice %arg3[%mul3A_212, %dma_wait3A_288] : memref<1000000x32xf32, #tpu.memory_space<hbm>> -> memref<1000x32xf32, #tpu.memory_space<hbm>>
      tpu.wait_dma2 semaphore(%run_scoped3A : memref<!tpu.dma_semaphore, #tpu.memory_space<semaphore_mem>>) src(%dma_wait3A_289 : memref<1000x32xf32, #tpu.memory_space<hbm>>) dst(%dma_wait3A_287 : memref<1000x32xf32, #tpu.memory_space<vmem_shared>>)
      tpu.yield
    }) : () -> ()
    %add3A_213 = arith.constant 832 : i32
    %add3A_214 = arith.addi %add3A_213, %add3A : i32
    %mul3A_215 = arith.constant 1000 : i32
    %mul3A_216 = arith.muli %add3A_214, %mul3A_215 : i32
    "tpu.region"() ({
      %run_scoped3A = tpu.sem_alloc : memref<!tpu.dma_semaphore, #tpu.memory_space<semaphore_mem>>
      %dma_start3A = arith.constant 0 : i32
      %dma_start3A_280 = tpu.memref_slice %arg5[%mul3A_216, %dma_start3A] : memref<1000000x32xf32, #tpu.memory_space<hbm>> -> memref<1000x32xf32, #tpu.memory_space<hbm>>
      %dma_start3A_281 = arith.constant 0 : i32
      %dma_start3A_282 = arith.constant 0 : i32
      %dma_start3A_283 = tpu.memref_slice %arg6[%arg1, %dma_start3A_281, %dma_start3A_282] : memref<16x1000x32xf32, #tpu.memory_space<vmem_shared>> -> memref<1x1000x32xf32, #tpu.memory_space<vmem_shared>>
      %dma_start3A_284 = tpu.memref_squeeze %dma_start3A_283 : memref<1x1000x32xf32, #tpu.memory_space<vmem_shared>> -> memref<1000x32xf32, #tpu.memory_space<vmem_shared>>
      tpu.enqueue_dma source(%dma_start3A_284 : memref<1000x32xf32, #tpu.memory_space<vmem_shared>>) target(%dma_start3A_280 : memref<1000x32xf32, #tpu.memory_space<hbm>>) target_semaphore(%run_scoped3A : memref<!tpu.dma_semaphore, #tpu.memory_space<semaphore_mem>>)
      %dma_wait3A = arith.constant 0 : i32
      %dma_wait3A_285 = tpu.memref_slice %arg5[%mul3A_216, %dma_wait3A] : memref<1000000x32xf32, #tpu.memory_space<hbm>> -> memref<1000x32xf32, #tpu.memory_space<hbm>>
      %dma_wait3A_286 = arith.constant 0 : i32
      %dma_wait3A_287 = arith.constant 0 : i32
      %dma_wait3A_288 = tpu.memref_slice %arg6[%arg1, %dma_wait3A_286, %dma_wait3A_287] : memref<16x1000x32xf32, #tpu.memory_space<vmem_shared>> -> memref<1x1000x32xf32, #tpu.memory_space<vmem_shared>>
      %dma_wait3A_289 = tpu.memref_squeeze %dma_wait3A_288 : memref<1x1000x32xf32, #tpu.memory_space<vmem_shared>> -> memref<1000x32xf32, #tpu.memory_space<vmem_shared>>
      tpu.wait_dma2 semaphore(%run_scoped3A : memref<!tpu.dma_semaphore, #tpu.memory_space<semaphore_mem>>) src(%dma_wait3A_289 : memref<1000x32xf32, #tpu.memory_space<vmem_shared>>) dst(%dma_wait3A_285 : memref<1000x32xf32, #tpu.memory_space<hbm>>)
      tpu.yield
    }) : () -> ()
    %add3A_217 = arith.constant 864 : i32
    %add3A_218 = arith.addi %add3A_217, %add3A : i32
    %mul3A_219 = arith.constant 1000 : i32
    %mul3A_220 = arith.muli %add3A_218, %mul3A_219 : i32
    "tpu.region"() ({
      %run_scoped3A = tpu.sem_alloc : memref<!tpu.dma_semaphore, #tpu.memory_space<semaphore_mem>>
      %dma_start3A = arith.constant 0 : i32
      %dma_start3A_280 = arith.constant 0 : i32
      %dma_start3A_281 = tpu.memref_slice %arg6[%arg1, %dma_start3A, %dma_start3A_280] : memref<16x1000x32xf32, #tpu.memory_space<vmem_shared>> -> memref<1x1000x32xf32, #tpu.memory_space<vmem_shared>>
      %dma_start3A_282 = tpu.memref_squeeze %dma_start3A_281 : memref<1x1000x32xf32, #tpu.memory_space<vmem_shared>> -> memref<1000x32xf32, #tpu.memory_space<vmem_shared>>
      %dma_start3A_283 = arith.constant 0 : i32
      %dma_start3A_284 = tpu.memref_slice %arg3[%mul3A_220, %dma_start3A_283] : memref<1000000x32xf32, #tpu.memory_space<hbm>> -> memref<1000x32xf32, #tpu.memory_space<hbm>>
      tpu.enqueue_dma source(%dma_start3A_284 : memref<1000x32xf32, #tpu.memory_space<hbm>>) target(%dma_start3A_282 : memref<1000x32xf32, #tpu.memory_space<vmem_shared>>) target_semaphore(%run_scoped3A : memref<!tpu.dma_semaphore, #tpu.memory_space<semaphore_mem>>)
      %dma_wait3A = arith.constant 0 : i32
      %dma_wait3A_285 = arith.constant 0 : i32
      %dma_wait3A_286 = tpu.memref_slice %arg6[%arg1, %dma_wait3A, %dma_wait3A_285] : memref<16x1000x32xf32, #tpu.memory_space<vmem_shared>> -> memref<1x1000x32xf32, #tpu.memory_space<vmem_shared>>
      %dma_wait3A_287 = tpu.memref_squeeze %dma_wait3A_286 : memref<1x1000x32xf32, #tpu.memory_space<vmem_shared>> -> memref<1000x32xf32, #tpu.memory_space<vmem_shared>>
      %dma_wait3A_288 = arith.constant 0 : i32
      %dma_wait3A_289 = tpu.memref_slice %arg3[%mul3A_220, %dma_wait3A_288] : memref<1000000x32xf32, #tpu.memory_space<hbm>> -> memref<1000x32xf32, #tpu.memory_space<hbm>>
      tpu.wait_dma2 semaphore(%run_scoped3A : memref<!tpu.dma_semaphore, #tpu.memory_space<semaphore_mem>>) src(%dma_wait3A_289 : memref<1000x32xf32, #tpu.memory_space<hbm>>) dst(%dma_wait3A_287 : memref<1000x32xf32, #tpu.memory_space<vmem_shared>>)
      tpu.yield
    }) : () -> ()
    %add3A_221 = arith.constant 864 : i32
    %add3A_222 = arith.addi %add3A_221, %add3A : i32
    %mul3A_223 = arith.constant 1000 : i32
    %mul3A_224 = arith.muli %add3A_222, %mul3A_223 : i32
    "tpu.region"() ({
      %run_scoped3A = tpu.sem_alloc : memref<!tpu.dma_semaphore, #tpu.memory_space<semaphore_mem>>
      %dma_start3A = arith.constant 0 : i32
      %dma_start3A_280 = tpu.memref_slice %arg5[%mul3A_224, %dma_start3A] : memref<1000000x32xf32, #tpu.memory_space<hbm>> -> memref<1000x32xf32, #tpu.memory_space<hbm>>
      %dma_start3A_281 = arith.constant 0 : i32
      %dma_start3A_282 = arith.constant 0 : i32
      %dma_start3A_283 = tpu.memref_slice %arg6[%arg1, %dma_start3A_281, %dma_start3A_282] : memref<16x1000x32xf32, #tpu.memory_space<vmem_shared>> -> memref<1x1000x32xf32, #tpu.memory_space<vmem_shared>>
      %dma_start3A_284 = tpu.memref_squeeze %dma_start3A_283 : memref<1x1000x32xf32, #tpu.memory_space<vmem_shared>> -> memref<1000x32xf32, #tpu.memory_space<vmem_shared>>
      tpu.enqueue_dma source(%dma_start3A_284 : memref<1000x32xf32, #tpu.memory_space<vmem_shared>>) target(%dma_start3A_280 : memref<1000x32xf32, #tpu.memory_space<hbm>>) target_semaphore(%run_scoped3A : memref<!tpu.dma_semaphore, #tpu.memory_space<semaphore_mem>>)
      %dma_wait3A = arith.constant 0 : i32
      %dma_wait3A_285 = tpu.memref_slice %arg5[%mul3A_224, %dma_wait3A] : memref<1000000x32xf32, #tpu.memory_space<hbm>> -> memref<1000x32xf32, #tpu.memory_space<hbm>>
      %dma_wait3A_286 = arith.constant 0 : i32
      %dma_wait3A_287 = arith.constant 0 : i32
      %dma_wait3A_288 = tpu.memref_slice %arg6[%arg1, %dma_wait3A_286, %dma_wait3A_287] : memref<16x1000x32xf32, #tpu.memory_space<vmem_shared>> -> memref<1x1000x32xf32, #tpu.memory_space<vmem_shared>>
      %dma_wait3A_289 = tpu.memref_squeeze %dma_wait3A_288 : memref<1x1000x32xf32, #tpu.memory_space<vmem_shared>> -> memref<1000x32xf32, #tpu.memory_space<vmem_shared>>
      tpu.wait_dma2 semaphore(%run_scoped3A : memref<!tpu.dma_semaphore, #tpu.memory_space<semaphore_mem>>) src(%dma_wait3A_289 : memref<1000x32xf32, #tpu.memory_space<vmem_shared>>) dst(%dma_wait3A_285 : memref<1000x32xf32, #tpu.memory_space<hbm>>)
      tpu.yield
    }) : () -> ()
    %add3A_225 = arith.constant 896 : i32
    %add3A_226 = arith.addi %add3A_225, %add3A : i32
    %mul3A_227 = arith.constant 1000 : i32
    %mul3A_228 = arith.muli %add3A_226, %mul3A_227 : i32
    "tpu.region"() ({
      %run_scoped3A = tpu.sem_alloc : memref<!tpu.dma_semaphore, #tpu.memory_space<semaphore_mem>>
      %dma_start3A = arith.constant 0 : i32
      %dma_start3A_280 = arith.constant 0 : i32
      %dma_start3A_281 = tpu.memref_slice %arg6[%arg1, %dma_start3A, %dma_start3A_280] : memref<16x1000x32xf32, #tpu.memory_space<vmem_shared>> -> memref<1x1000x32xf32, #tpu.memory_space<vmem_shared>>
      %dma_start3A_282 = tpu.memref_squeeze %dma_start3A_281 : memref<1x1000x32xf32, #tpu.memory_space<vmem_shared>> -> memref<1000x32xf32, #tpu.memory_space<vmem_shared>>
      %dma_start3A_283 = arith.constant 0 : i32
      %dma_start3A_284 = tpu.memref_slice %arg3[%mul3A_228, %dma_start3A_283] : memref<1000000x32xf32, #tpu.memory_space<hbm>> -> memref<1000x32xf32, #tpu.memory_space<hbm>>
      tpu.enqueue_dma source(%dma_start3A_284 : memref<1000x32xf32, #tpu.memory_space<hbm>>) target(%dma_start3A_282 : memref<1000x32xf32, #tpu.memory_space<vmem_shared>>) target_semaphore(%run_scoped3A : memref<!tpu.dma_semaphore, #tpu.memory_space<semaphore_mem>>)
      %dma_wait3A = arith.constant 0 : i32
      %dma_wait3A_285 = arith.constant 0 : i32
      %dma_wait3A_286 = tpu.memref_slice %arg6[%arg1, %dma_wait3A, %dma_wait3A_285] : memref<16x1000x32xf32, #tpu.memory_space<vmem_shared>> -> memref<1x1000x32xf32, #tpu.memory_space<vmem_shared>>
      %dma_wait3A_287 = tpu.memref_squeeze %dma_wait3A_286 : memref<1x1000x32xf32, #tpu.memory_space<vmem_shared>> -> memref<1000x32xf32, #tpu.memory_space<vmem_shared>>
      %dma_wait3A_288 = arith.constant 0 : i32
      %dma_wait3A_289 = tpu.memref_slice %arg3[%mul3A_228, %dma_wait3A_288] : memref<1000000x32xf32, #tpu.memory_space<hbm>> -> memref<1000x32xf32, #tpu.memory_space<hbm>>
      tpu.wait_dma2 semaphore(%run_scoped3A : memref<!tpu.dma_semaphore, #tpu.memory_space<semaphore_mem>>) src(%dma_wait3A_289 : memref<1000x32xf32, #tpu.memory_space<hbm>>) dst(%dma_wait3A_287 : memref<1000x32xf32, #tpu.memory_space<vmem_shared>>)
      tpu.yield
    }) : () -> ()
    %add3A_229 = arith.constant 896 : i32
    %add3A_230 = arith.addi %add3A_229, %add3A : i32
    %mul3A_231 = arith.constant 1000 : i32
    %mul3A_232 = arith.muli %add3A_230, %mul3A_231 : i32
    "tpu.region"() ({
      %run_scoped3A = tpu.sem_alloc : memref<!tpu.dma_semaphore, #tpu.memory_space<semaphore_mem>>
      %dma_start3A = arith.constant 0 : i32
      %dma_start3A_280 = tpu.memref_slice %arg5[%mul3A_232, %dma_start3A] : memref<1000000x32xf32, #tpu.memory_space<hbm>> -> memref<1000x32xf32, #tpu.memory_space<hbm>>
      %dma_start3A_281 = arith.constant 0 : i32
      %dma_start3A_282 = arith.constant 0 : i32
      %dma_start3A_283 = tpu.memref_slice %arg6[%arg1, %dma_start3A_281, %dma_start3A_282] : memref<16x1000x32xf32, #tpu.memory_space<vmem_shared>> -> memref<1x1000x32xf32, #tpu.memory_space<vmem_shared>>
      %dma_start3A_284 = tpu.memref_squeeze %dma_start3A_283 : memref<1x1000x32xf32, #tpu.memory_space<vmem_shared>> -> memref<1000x32xf32, #tpu.memory_space<vmem_shared>>
      tpu.enqueue_dma source(%dma_start3A_284 : memref<1000x32xf32, #tpu.memory_space<vmem_shared>>) target(%dma_start3A_280 : memref<1000x32xf32, #tpu.memory_space<hbm>>) target_semaphore(%run_scoped3A : memref<!tpu.dma_semaphore, #tpu.memory_space<semaphore_mem>>)
      %dma_wait3A = arith.constant 0 : i32
      %dma_wait3A_285 = tpu.memref_slice %arg5[%mul3A_232, %dma_wait3A] : memref<1000000x32xf32, #tpu.memory_space<hbm>> -> memref<1000x32xf32, #tpu.memory_space<hbm>>
      %dma_wait3A_286 = arith.constant 0 : i32
      %dma_wait3A_287 = arith.constant 0 : i32
      %dma_wait3A_288 = tpu.memref_slice %arg6[%arg1, %dma_wait3A_286, %dma_wait3A_287] : memref<16x1000x32xf32, #tpu.memory_space<vmem_shared>> -> memref<1x1000x32xf32, #tpu.memory_space<vmem_shared>>
      %dma_wait3A_289 = tpu.memref_squeeze %dma_wait3A_288 : memref<1x1000x32xf32, #tpu.memory_space<vmem_shared>> -> memref<1000x32xf32, #tpu.memory_space<vmem_shared>>
      tpu.wait_dma2 semaphore(%run_scoped3A : memref<!tpu.dma_semaphore, #tpu.memory_space<semaphore_mem>>) src(%dma_wait3A_289 : memref<1000x32xf32, #tpu.memory_space<vmem_shared>>) dst(%dma_wait3A_285 : memref<1000x32xf32, #tpu.memory_space<hbm>>)
      tpu.yield
    }) : () -> ()
    %add3A_233 = arith.constant 928 : i32
    %add3A_234 = arith.addi %add3A_233, %add3A : i32
    %mul3A_235 = arith.constant 1000 : i32
    %mul3A_236 = arith.muli %add3A_234, %mul3A_235 : i32
    "tpu.region"() ({
      %run_scoped3A = tpu.sem_alloc : memref<!tpu.dma_semaphore, #tpu.memory_space<semaphore_mem>>
      %dma_start3A = arith.constant 0 : i32
      %dma_start3A_280 = arith.constant 0 : i32
      %dma_start3A_281 = tpu.memref_slice %arg6[%arg1, %dma_start3A, %dma_start3A_280] : memref<16x1000x32xf32, #tpu.memory_space<vmem_shared>> -> memref<1x1000x32xf32, #tpu.memory_space<vmem_shared>>
      %dma_start3A_282 = tpu.memref_squeeze %dma_start3A_281 : memref<1x1000x32xf32, #tpu.memory_space<vmem_shared>> -> memref<1000x32xf32, #tpu.memory_space<vmem_shared>>
      %dma_start3A_283 = arith.constant 0 : i32
      %dma_start3A_284 = tpu.memref_slice %arg3[%mul3A_236, %dma_start3A_283] : memref<1000000x32xf32, #tpu.memory_space<hbm>> -> memref<1000x32xf32, #tpu.memory_space<hbm>>
      tpu.enqueue_dma source(%dma_start3A_284 : memref<1000x32xf32, #tpu.memory_space<hbm>>) target(%dma_start3A_282 : memref<1000x32xf32, #tpu.memory_space<vmem_shared>>) target_semaphore(%run_scoped3A : memref<!tpu.dma_semaphore, #tpu.memory_space<semaphore_mem>>)
      %dma_wait3A = arith.constant 0 : i32
      %dma_wait3A_285 = arith.constant 0 : i32
      %dma_wait3A_286 = tpu.memref_slice %arg6[%arg1, %dma_wait3A, %dma_wait3A_285] : memref<16x1000x32xf32, #tpu.memory_space<vmem_shared>> -> memref<1x1000x32xf32, #tpu.memory_space<vmem_shared>>
      %dma_wait3A_287 = tpu.memref_squeeze %dma_wait3A_286 : memref<1x1000x32xf32, #tpu.memory_space<vmem_shared>> -> memref<1000x32xf32, #tpu.memory_space<vmem_shared>>
      %dma_wait3A_288 = arith.constant 0 : i32
      %dma_wait3A_289 = tpu.memref_slice %arg3[%mul3A_236, %dma_wait3A_288] : memref<1000000x32xf32, #tpu.memory_space<hbm>> -> memref<1000x32xf32, #tpu.memory_space<hbm>>
      tpu.wait_dma2 semaphore(%run_scoped3A : memref<!tpu.dma_semaphore, #tpu.memory_space<semaphore_mem>>) src(%dma_wait3A_289 : memref<1000x32xf32, #tpu.memory_space<hbm>>) dst(%dma_wait3A_287 : memref<1000x32xf32, #tpu.memory_space<vmem_shared>>)
      tpu.yield
    }) : () -> ()
    %add3A_237 = arith.constant 928 : i32
    %add3A_238 = arith.addi %add3A_237, %add3A : i32
    %mul3A_239 = arith.constant 1000 : i32
    %mul3A_240 = arith.muli %add3A_238, %mul3A_239 : i32
    "tpu.region"() ({
      %run_scoped3A = tpu.sem_alloc : memref<!tpu.dma_semaphore, #tpu.memory_space<semaphore_mem>>
      %dma_start3A = arith.constant 0 : i32
      %dma_start3A_280 = tpu.memref_slice %arg5[%mul3A_240, %dma_start3A] : memref<1000000x32xf32, #tpu.memory_space<hbm>> -> memref<1000x32xf32, #tpu.memory_space<hbm>>
      %dma_start3A_281 = arith.constant 0 : i32
      %dma_start3A_282 = arith.constant 0 : i32
      %dma_start3A_283 = tpu.memref_slice %arg6[%arg1, %dma_start3A_281, %dma_start3A_282] : memref<16x1000x32xf32, #tpu.memory_space<vmem_shared>> -> memref<1x1000x32xf32, #tpu.memory_space<vmem_shared>>
      %dma_start3A_284 = tpu.memref_squeeze %dma_start3A_283 : memref<1x1000x32xf32, #tpu.memory_space<vmem_shared>> -> memref<1000x32xf32, #tpu.memory_space<vmem_shared>>
      tpu.enqueue_dma source(%dma_start3A_284 : memref<1000x32xf32, #tpu.memory_space<vmem_shared>>) target(%dma_start3A_280 : memref<1000x32xf32, #tpu.memory_space<hbm>>) target_semaphore(%run_scoped3A : memref<!tpu.dma_semaphore, #tpu.memory_space<semaphore_mem>>)
      %dma_wait3A = arith.constant 0 : i32
      %dma_wait3A_285 = tpu.memref_slice %arg5[%mul3A_240, %dma_wait3A] : memref<1000000x32xf32, #tpu.memory_space<hbm>> -> memref<1000x32xf32, #tpu.memory_space<hbm>>
      %dma_wait3A_286 = arith.constant 0 : i32
      %dma_wait3A_287 = arith.constant 0 : i32
      %dma_wait3A_288 = tpu.memref_slice %arg6[%arg1, %dma_wait3A_286, %dma_wait3A_287] : memref<16x1000x32xf32, #tpu.memory_space<vmem_shared>> -> memref<1x1000x32xf32, #tpu.memory_space<vmem_shared>>
      %dma_wait3A_289 = tpu.memref_squeeze %dma_wait3A_288 : memref<1x1000x32xf32, #tpu.memory_space<vmem_shared>> -> memref<1000x32xf32, #tpu.memory_space<vmem_shared>>
      tpu.wait_dma2 semaphore(%run_scoped3A : memref<!tpu.dma_semaphore, #tpu.memory_space<semaphore_mem>>) src(%dma_wait3A_289 : memref<1000x32xf32, #tpu.memory_space<vmem_shared>>) dst(%dma_wait3A_285 : memref<1000x32xf32, #tpu.memory_space<hbm>>)
      tpu.yield
    }) : () -> ()
    %add3A_241 = arith.constant 960 : i32
    %add3A_242 = arith.addi %add3A_241, %add3A : i32
    %mul3A_243 = arith.constant 1000 : i32
    %mul3A_244 = arith.muli %add3A_242, %mul3A_243 : i32
    "tpu.region"() ({
      %run_scoped3A = tpu.sem_alloc : memref<!tpu.dma_semaphore, #tpu.memory_space<semaphore_mem>>
      %dma_start3A = arith.constant 0 : i32
      %dma_start3A_280 = arith.constant 0 : i32
      %dma_start3A_281 = tpu.memref_slice %arg6[%arg1, %dma_start3A, %dma_start3A_280] : memref<16x1000x32xf32, #tpu.memory_space<vmem_shared>> -> memref<1x1000x32xf32, #tpu.memory_space<vmem_shared>>
      %dma_start3A_282 = tpu.memref_squeeze %dma_start3A_281 : memref<1x1000x32xf32, #tpu.memory_space<vmem_shared>> -> memref<1000x32xf32, #tpu.memory_space<vmem_shared>>
      %dma_start3A_283 = arith.constant 0 : i32
      %dma_start3A_284 = tpu.memref_slice %arg3[%mul3A_244, %dma_start3A_283] : memref<1000000x32xf32, #tpu.memory_space<hbm>> -> memref<1000x32xf32, #tpu.memory_space<hbm>>
      tpu.enqueue_dma source(%dma_start3A_284 : memref<1000x32xf32, #tpu.memory_space<hbm>>) target(%dma_start3A_282 : memref<1000x32xf32, #tpu.memory_space<vmem_shared>>) target_semaphore(%run_scoped3A : memref<!tpu.dma_semaphore, #tpu.memory_space<semaphore_mem>>)
      %dma_wait3A = arith.constant 0 : i32
      %dma_wait3A_285 = arith.constant 0 : i32
      %dma_wait3A_286 = tpu.memref_slice %arg6[%arg1, %dma_wait3A, %dma_wait3A_285] : memref<16x1000x32xf32, #tpu.memory_space<vmem_shared>> -> memref<1x1000x32xf32, #tpu.memory_space<vmem_shared>>
      %dma_wait3A_287 = tpu.memref_squeeze %dma_wait3A_286 : memref<1x1000x32xf32, #tpu.memory_space<vmem_shared>> -> memref<1000x32xf32, #tpu.memory_space<vmem_shared>>
      %dma_wait3A_288 = arith.constant 0 : i32
      %dma_wait3A_289 = tpu.memref_slice %arg3[%mul3A_244, %dma_wait3A_288] : memref<1000000x32xf32, #tpu.memory_space<hbm>> -> memref<1000x32xf32, #tpu.memory_space<hbm>>
      tpu.wait_dma2 semaphore(%run_scoped3A : memref<!tpu.dma_semaphore, #tpu.memory_space<semaphore_mem>>) src(%dma_wait3A_289 : memref<1000x32xf32, #tpu.memory_space<hbm>>) dst(%dma_wait3A_287 : memref<1000x32xf32, #tpu.memory_space<vmem_shared>>)
      tpu.yield
    }) : () -> ()
    %add3A_245 = arith.constant 960 : i32
    %add3A_246 = arith.addi %add3A_245, %add3A : i32
    %mul3A_247 = arith.constant 1000 : i32
    %mul3A_248 = arith.muli %add3A_246, %mul3A_247 : i32
    "tpu.region"() ({
      %run_scoped3A = tpu.sem_alloc : memref<!tpu.dma_semaphore, #tpu.memory_space<semaphore_mem>>
      %dma_start3A = arith.constant 0 : i32
      %dma_start3A_280 = tpu.memref_slice %arg5[%mul3A_248, %dma_start3A] : memref<1000000x32xf32, #tpu.memory_space<hbm>> -> memref<1000x32xf32, #tpu.memory_space<hbm>>
      %dma_start3A_281 = arith.constant 0 : i32
      %dma_start3A_282 = arith.constant 0 : i32
      %dma_start3A_283 = tpu.memref_slice %arg6[%arg1, %dma_start3A_281, %dma_start3A_282] : memref<16x1000x32xf32, #tpu.memory_space<vmem_shared>> -> memref<1x1000x32xf32, #tpu.memory_space<vmem_shared>>
      %dma_start3A_284 = tpu.memref_squeeze %dma_start3A_283 : memref<1x1000x32xf32, #tpu.memory_space<vmem_shared>> -> memref<1000x32xf32, #tpu.memory_space<vmem_shared>>
      tpu.enqueue_dma source(%dma_start3A_284 : memref<1000x32xf32, #tpu.memory_space<vmem_shared>>) target(%dma_start3A_280 : memref<1000x32xf32, #tpu.memory_space<hbm>>) target_semaphore(%run_scoped3A : memref<!tpu.dma_semaphore, #tpu.memory_space<semaphore_mem>>)
      %dma_wait3A = arith.constant 0 : i32
      %dma_wait3A_285 = tpu.memref_slice %arg5[%mul3A_248, %dma_wait3A] : memref<1000000x32xf32, #tpu.memory_space<hbm>> -> memref<1000x32xf32, #tpu.memory_space<hbm>>
      %dma_wait3A_286 = arith.constant 0 : i32
      %dma_wait3A_287 = arith.constant 0 : i32
      %dma_wait3A_288 = tpu.memref_slice %arg6[%arg1, %dma_wait3A_286, %dma_wait3A_287] : memref<16x1000x32xf32, #tpu.memory_space<vmem_shared>> -> memref<1x1000x32xf32, #tpu.memory_space<vmem_shared>>
      %dma_wait3A_289 = tpu.memref_squeeze %dma_wait3A_288 : memref<1x1000x32xf32, #tpu.memory_space<vmem_shared>> -> memref<1000x32xf32, #tpu.memory_space<vmem_shared>>
      tpu.wait_dma2 semaphore(%run_scoped3A : memref<!tpu.dma_semaphore, #tpu.memory_space<semaphore_mem>>) src(%dma_wait3A_289 : memref<1000x32xf32, #tpu.memory_space<vmem_shared>>) dst(%dma_wait3A_285 : memref<1000x32xf32, #tpu.memory_space<hbm>>)
      tpu.yield
    }) : () -> ()
    %lt3A = arith.constant 8 : i32
    %lt3A_249 = arith.cmpi slt, %add3A, %lt3A : i32
    %convert_element_type3A = arith.extui %lt3A_249 : i1 to i32
    %cond3A = arith.constant 0 : i32
    %cond3A_250 = arith.cmpi ne, %convert_element_type3A, %cond3A : i32
    scf.if %cond3A_250 {
      %add3A_280 = arith.constant 992 : i32
      %add3A_281 = arith.addi %add3A_280, %add3A : i32
      %mul3A_282 = arith.constant 1000 : i32
      %mul3A_283 = arith.muli %add3A_281, %mul3A_282 : i32
      "tpu.region"() ({
        %run_scoped3A = tpu.sem_alloc : memref<!tpu.dma_semaphore, #tpu.memory_space<semaphore_mem>>
        %dma_start3A = arith.constant 0 : i32
        %dma_start3A_286 = arith.constant 0 : i32
        %dma_start3A_287 = tpu.memref_slice %arg6[%arg1, %dma_start3A, %dma_start3A_286] : memref<16x1000x32xf32, #tpu.memory_space<vmem_shared>> -> memref<1x1000x32xf32, #tpu.memory_space<vmem_shared>>
        %dma_start3A_288 = tpu.memref_squeeze %dma_start3A_287 : memref<1x1000x32xf32, #tpu.memory_space<vmem_shared>> -> memref<1000x32xf32, #tpu.memory_space<vmem_shared>>
        %dma_start3A_289 = arith.constant 0 : i32
        %dma_start3A_290 = tpu.memref_slice %arg3[%mul3A_283, %dma_start3A_289] : memref<1000000x32xf32, #tpu.memory_space<hbm>> -> memref<1000x32xf32, #tpu.memory_space<hbm>>
        tpu.enqueue_dma source(%dma_start3A_290 : memref<1000x32xf32, #tpu.memory_space<hbm>>) target(%dma_start3A_288 : memref<1000x32xf32, #tpu.memory_space<vmem_shared>>) target_semaphore(%run_scoped3A : memref<!tpu.dma_semaphore, #tpu.memory_space<semaphore_mem>>)
        %dma_wait3A = arith.constant 0 : i32
        %dma_wait3A_291 = arith.constant 0 : i32
        %dma_wait3A_292 = tpu.memref_slice %arg6[%arg1, %dma_wait3A, %dma_wait3A_291] : memref<16x1000x32xf32, #tpu.memory_space<vmem_shared>> -> memref<1x1000x32xf32, #tpu.memory_space<vmem_shared>>
        %dma_wait3A_293 = tpu.memref_squeeze %dma_wait3A_292 : memref<1x1000x32xf32, #tpu.memory_space<vmem_shared>> -> memref<1000x32xf32, #tpu.memory_space<vmem_shared>>
        %dma_wait3A_294 = arith.constant 0 : i32
        %dma_wait3A_295 = tpu.memref_slice %arg3[%mul3A_283, %dma_wait3A_294] : memref<1000000x32xf32, #tpu.memory_space<hbm>> -> memref<1000x32xf32, #tpu.memory_space<hbm>>
        tpu.wait_dma2 semaphore(%run_scoped3A : memref<!tpu.dma_semaphore, #tpu.memory_space<semaphore_mem>>) src(%dma_wait3A_295 : memref<1000x32xf32, #tpu.memory_space<hbm>>) dst(%dma_wait3A_293 : memref<1000x32xf32, #tpu.memory_space<vmem_shared>>)
        tpu.yield
      }) : () -> ()
      %mul3A_284 = arith.constant 1000 : i32
      %mul3A_285 = arith.muli %add3A_281, %mul3A_284 : i32
      "tpu.region"() ({
        %run_scoped3A = tpu.sem_alloc : memref<!tpu.dma_semaphore, #tpu.memory_space<semaphore_mem>>
        %dma_start3A = arith.constant 0 : i32
        %dma_start3A_286 = tpu.memref_slice %arg5[%mul3A_285, %dma_start3A] : memref<1000000x32xf32, #tpu.memory_space<hbm>> -> memref<1000x32xf32, #tpu.memory_space<hbm>>
        %dma_start3A_287 = arith.constant 0 : i32
        %dma_start3A_288 = arith.constant 0 : i32
        %dma_start3A_289 = tpu.memref_slice %arg6[%arg1, %dma_start3A_287, %dma_start3A_288] : memref<16x1000x32xf32, #tpu.memory_space<vmem_shared>> -> memref<1x1000x32xf32, #tpu.memory_space<vmem_shared>>
        %dma_start3A_290 = tpu.memref_squeeze %dma_start3A_289 : memref<1x1000x32xf32, #tpu.memory_space<vmem_shared>> -> memref<1000x32xf32, #tpu.memory_space<vmem_shared>>
        tpu.enqueue_dma source(%dma_start3A_290 : memref<1000x32xf32, #tpu.memory_space<vmem_shared>>) target(%dma_start3A_286 : memref<1000x32xf32, #tpu.memory_space<hbm>>) target_semaphore(%run_scoped3A : memref<!tpu.dma_semaphore, #tpu.memory_space<semaphore_mem>>)
        %dma_wait3A = arith.constant 0 : i32
        %dma_wait3A_291 = tpu.memref_slice %arg5[%mul3A_285, %dma_wait3A] : memref<1000000x32xf32, #tpu.memory_space<hbm>> -> memref<1000x32xf32, #tpu.memory_space<hbm>>
        %dma_wait3A_292 = arith.constant 0 : i32
        %dma_wait3A_293 = arith.constant 0 : i32
        %dma_wait3A_294 = tpu.memref_slice %arg6[%arg1, %dma_wait3A_292, %dma_wait3A_293] : memref<16x1000x32xf32, #tpu.memory_space<vmem_shared>> -> memref<1x1000x32xf32, #tpu.memory_space<vmem_shared>>
        %dma_wait3A_295 = tpu.memref_squeeze %dma_wait3A_294 : memref<1x1000x32xf32, #tpu.memory_space<vmem_shared>> -> memref<1000x32xf32, #tpu.memory_space<vmem_shared>>
        tpu.wait_dma2 semaphore(%run_scoped3A : memref<!tpu.dma_semaphore, #tpu.memory_space<semaphore_mem>>) src(%dma_wait3A_295 : memref<1000x32xf32, #tpu.memory_space<vmem_shared>>) dst(%dma_wait3A_291 : memref<1000x32xf32, #tpu.memory_space<hbm>>)
        tpu.yield
      }) : () -> ()
    } else {
    }
    %add3A_251 = arith.constant 0 : i32
    %add3A_252 = arith.addi %add3A_251, %add3A : i32
    %mul3A_253 = arith.constant 1000 : i32
    %mul3A_254 = arith.muli %add3A_252, %mul3A_253 : i32
    "tpu.region"() ({
      %run_scoped3A = tpu.sem_alloc : memref<!tpu.dma_semaphore, #tpu.memory_space<semaphore_mem>>
      %dma_start3A = arith.constant 0 : i32
      %dma_start3A_280 = arith.constant 0 : i32
      %dma_start3A_281 = tpu.memref_slice %arg6[%arg1, %dma_start3A, %dma_start3A_280] : memref<16x1000x32xf32, #tpu.memory_space<vmem_shared>> -> memref<1x1000x32xf32, #tpu.memory_space<vmem_shared>>
      %dma_start3A_282 = tpu.memref_squeeze %dma_start3A_281 : memref<1x1000x32xf32, #tpu.memory_space<vmem_shared>> -> memref<1000x32xf32, #tpu.memory_space<vmem_shared>>
      %dma_start3A_283 = arith.constant 0 : i32
      %dma_start3A_284 = tpu.memref_slice %arg2[%mul3A_254, %dma_start3A_283] : memref<100000x32xf32, #tpu.memory_space<hbm>> -> memref<1000x32xf32, #tpu.memory_space<hbm>>
      tpu.enqueue_dma source(%dma_start3A_284 : memref<1000x32xf32, #tpu.memory_space<hbm>>) target(%dma_start3A_282 : memref<1000x32xf32, #tpu.memory_space<vmem_shared>>) target_semaphore(%run_scoped3A : memref<!tpu.dma_semaphore, #tpu.memory_space<semaphore_mem>>)
      %dma_wait3A = arith.constant 0 : i32
      %dma_wait3A_285 = arith.constant 0 : i32
      %dma_wait3A_286 = tpu.memref_slice %arg6[%arg1, %dma_wait3A, %dma_wait3A_285] : memref<16x1000x32xf32, #tpu.memory_space<vmem_shared>> -> memref<1x1000x32xf32, #tpu.memory_space<vmem_shared>>
      %dma_wait3A_287 = tpu.memref_squeeze %dma_wait3A_286 : memref<1x1000x32xf32, #tpu.memory_space<vmem_shared>> -> memref<1000x32xf32, #tpu.memory_space<vmem_shared>>
      %dma_wait3A_288 = arith.constant 0 : i32
      %dma_wait3A_289 = tpu.memref_slice %arg2[%mul3A_254, %dma_wait3A_288] : memref<100000x32xf32, #tpu.memory_space<hbm>> -> memref<1000x32xf32, #tpu.memory_space<hbm>>
      tpu.wait_dma2 semaphore(%run_scoped3A : memref<!tpu.dma_semaphore, #tpu.memory_space<semaphore_mem>>) src(%dma_wait3A_289 : memref<1000x32xf32, #tpu.memory_space<hbm>>) dst(%dma_wait3A_287 : memref<1000x32xf32, #tpu.memory_space<vmem_shared>>)
      tpu.yield
    }) : () -> ()
    %add3A_255 = arith.constant 0 : i32
    %add3A_256 = arith.addi %add3A_255, %add3A : i32
    %mul3A_257 = arith.constant 1000 : i32
    %mul3A_258 = arith.muli %add3A_256, %mul3A_257 : i32
    "tpu.region"() ({
      %run_scoped3A = tpu.sem_alloc : memref<!tpu.dma_semaphore, #tpu.memory_space<semaphore_mem>>
      %dma_start3A = arith.constant 0 : i32
      %dma_start3A_280 = tpu.memref_slice %arg4[%mul3A_258, %dma_start3A] : memref<100000x32xf32, #tpu.memory_space<hbm>> -> memref<1000x32xf32, #tpu.memory_space<hbm>>
      %dma_start3A_281 = arith.constant 0 : i32
      %dma_start3A_282 = arith.constant 0 : i32
      %dma_start3A_283 = tpu.memref_slice %arg6[%arg1, %dma_start3A_281, %dma_start3A_282] : memref<16x1000x32xf32, #tpu.memory_space<vmem_shared>> -> memref<1x1000x32xf32, #tpu.memory_space<vmem_shared>>
      %dma_start3A_284 = tpu.memref_squeeze %dma_start3A_283 : memref<1x1000x32xf32, #tpu.memory_space<vmem_shared>> -> memref<1000x32xf32, #tpu.memory_space<vmem_shared>>
      tpu.enqueue_dma source(%dma_start3A_284 : memref<1000x32xf32, #tpu.memory_space<vmem_shared>>) target(%dma_start3A_280 : memref<1000x32xf32, #tpu.memory_space<hbm>>) target_semaphore(%run_scoped3A : memref<!tpu.dma_semaphore, #tpu.memory_space<semaphore_mem>>)
      %dma_wait3A = arith.constant 0 : i32
      %dma_wait3A_285 = tpu.memref_slice %arg4[%mul3A_258, %dma_wait3A] : memref<100000x32xf32, #tpu.memory_space<hbm>> -> memref<1000x32xf32, #tpu.memory_space<hbm>>
      %dma_wait3A_286 = arith.constant 0 : i32
      %dma_wait3A_287 = arith.constant 0 : i32
      %dma_wait3A_288 = tpu.memref_slice %arg6[%arg1, %dma_wait3A_286, %dma_wait3A_287] : memref<16x1000x32xf32, #tpu.memory_space<vmem_shared>> -> memref<1x1000x32xf32, #tpu.memory_space<vmem_shared>>
      %dma_wait3A_289 = tpu.memref_squeeze %dma_wait3A_288 : memref<1x1000x32xf32, #tpu.memory_space<vmem_shared>> -> memref<1000x32xf32, #tpu.memory_space<vmem_shared>>
      tpu.wait_dma2 semaphore(%run_scoped3A : memref<!tpu.dma_semaphore, #tpu.memory_space<semaphore_mem>>) src(%dma_wait3A_289 : memref<1000x32xf32, #tpu.memory_space<vmem_shared>>) dst(%dma_wait3A_285 : memref<1000x32xf32, #tpu.memory_space<hbm>>)
      tpu.yield
    }) : () -> ()
    %add3A_259 = arith.constant 32 : i32
    %add3A_260 = arith.addi %add3A_259, %add3A : i32
    %mul3A_261 = arith.constant 1000 : i32
    %mul3A_262 = arith.muli %add3A_260, %mul3A_261 : i32
    "tpu.region"() ({
      %run_scoped3A = tpu.sem_alloc : memref<!tpu.dma_semaphore, #tpu.memory_space<semaphore_mem>>
      %dma_start3A = arith.constant 0 : i32
      %dma_start3A_280 = arith.constant 0 : i32
      %dma_start3A_281 = tpu.memref_slice %arg6[%arg1, %dma_start3A, %dma_start3A_280] : memref<16x1000x32xf32, #tpu.memory_space<vmem_shared>> -> memref<1x1000x32xf32, #tpu.memory_space<vmem_shared>>
      %dma_start3A_282 = tpu.memref_squeeze %dma_start3A_281 : memref<1x1000x32xf32, #tpu.memory_space<vmem_shared>> -> memref<1000x32xf32, #tpu.memory_space<vmem_shared>>
      %dma_start3A_283 = arith.constant 0 : i32
      %dma_start3A_284 = tpu.memref_slice %arg2[%mul3A_262, %dma_start3A_283] : memref<100000x32xf32, #tpu.memory_space<hbm>> -> memref<1000x32xf32, #tpu.memory_space<hbm>>
      tpu.enqueue_dma source(%dma_start3A_284 : memref<1000x32xf32, #tpu.memory_space<hbm>>) target(%dma_start3A_282 : memref<1000x32xf32, #tpu.memory_space<vmem_shared>>) target_semaphore(%run_scoped3A : memref<!tpu.dma_semaphore, #tpu.memory_space<semaphore_mem>>)
      %dma_wait3A = arith.constant 0 : i32
      %dma_wait3A_285 = arith.constant 0 : i32
      %dma_wait3A_286 = tpu.memref_slice %arg6[%arg1, %dma_wait3A, %dma_wait3A_285] : memref<16x1000x32xf32, #tpu.memory_space<vmem_shared>> -> memref<1x1000x32xf32, #tpu.memory_space<vmem_shared>>
      %dma_wait3A_287 = tpu.memref_squeeze %dma_wait3A_286 : memref<1x1000x32xf32, #tpu.memory_space<vmem_shared>> -> memref<1000x32xf32, #tpu.memory_space<vmem_shared>>
      %dma_wait3A_288 = arith.constant 0 : i32
      %dma_wait3A_289 = tpu.memref_slice %arg2[%mul3A_262, %dma_wait3A_288] : memref<100000x32xf32, #tpu.memory_space<hbm>> -> memref<1000x32xf32, #tpu.memory_space<hbm>>
      tpu.wait_dma2 semaphore(%run_scoped3A : memref<!tpu.dma_semaphore, #tpu.memory_space<semaphore_mem>>) src(%dma_wait3A_289 : memref<1000x32xf32, #tpu.memory_space<hbm>>) dst(%dma_wait3A_287 : memref<1000x32xf32, #tpu.memory_space<vmem_shared>>)
      tpu.yield
    }) : () -> ()
    %add3A_263 = arith.constant 32 : i32
    %add3A_264 = arith.addi %add3A_263, %add3A : i32
    %mul3A_265 = arith.constant 1000 : i32
    %mul3A_266 = arith.muli %add3A_264, %mul3A_265 : i32
    "tpu.region"() ({
      %run_scoped3A = tpu.sem_alloc : memref<!tpu.dma_semaphore, #tpu.memory_space<semaphore_mem>>
      %dma_start3A = arith.constant 0 : i32
      %dma_start3A_280 = tpu.memref_slice %arg4[%mul3A_266, %dma_start3A] : memref<100000x32xf32, #tpu.memory_space<hbm>> -> memref<1000x32xf32, #tpu.memory_space<hbm>>
      %dma_start3A_281 = arith.constant 0 : i32
      %dma_start3A_282 = arith.constant 0 : i32
      %dma_start3A_283 = tpu.memref_slice %arg6[%arg1, %dma_start3A_281, %dma_start3A_282] : memref<16x1000x32xf32, #tpu.memory_space<vmem_shared>> -> memref<1x1000x32xf32, #tpu.memory_space<vmem_shared>>
      %dma_start3A_284 = tpu.memref_squeeze %dma_start3A_283 : memref<1x1000x32xf32, #tpu.memory_space<vmem_shared>> -> memref<1000x32xf32, #tpu.memory_space<vmem_shared>>
      tpu.enqueue_dma source(%dma_start3A_284 : memref<1000x32xf32, #tpu.memory_space<vmem_shared>>) target(%dma_start3A_280 : memref<1000x32xf32, #tpu.memory_space<hbm>>) target_semaphore(%run_scoped3A : memref<!tpu.dma_semaphore, #tpu.memory_space<semaphore_mem>>)
      %dma_wait3A = arith.constant 0 : i32
      %dma_wait3A_285 = tpu.memref_slice %arg4[%mul3A_266, %dma_wait3A] : memref<100000x32xf32, #tpu.memory_space<hbm>> -> memref<1000x32xf32, #tpu.memory_space<hbm>>
      %dma_wait3A_286 = arith.constant 0 : i32
      %dma_wait3A_287 = arith.constant 0 : i32
      %dma_wait3A_288 = tpu.memref_slice %arg6[%arg1, %dma_wait3A_286, %dma_wait3A_287] : memref<16x1000x32xf32, #tpu.memory_space<vmem_shared>> -> memref<1x1000x32xf32, #tpu.memory_space<vmem_shared>>
      %dma_wait3A_289 = tpu.memref_squeeze %dma_wait3A_288 : memref<1x1000x32xf32, #tpu.memory_space<vmem_shared>> -> memref<1000x32xf32, #tpu.memory_space<vmem_shared>>
      tpu.wait_dma2 semaphore(%run_scoped3A : memref<!tpu.dma_semaphore, #tpu.memory_space<semaphore_mem>>) src(%dma_wait3A_289 : memref<1000x32xf32, #tpu.memory_space<vmem_shared>>) dst(%dma_wait3A_285 : memref<1000x32xf32, #tpu.memory_space<hbm>>)
      tpu.yield
    }) : () -> ()
    %add3A_267 = arith.constant 64 : i32
    %add3A_268 = arith.addi %add3A_267, %add3A : i32
    %mul3A_269 = arith.constant 1000 : i32
    %mul3A_270 = arith.muli %add3A_268, %mul3A_269 : i32
    "tpu.region"() ({
      %run_scoped3A = tpu.sem_alloc : memref<!tpu.dma_semaphore, #tpu.memory_space<semaphore_mem>>
      %dma_start3A = arith.constant 0 : i32
      %dma_start3A_280 = arith.constant 0 : i32
      %dma_start3A_281 = tpu.memref_slice %arg6[%arg1, %dma_start3A, %dma_start3A_280] : memref<16x1000x32xf32, #tpu.memory_space<vmem_shared>> -> memref<1x1000x32xf32, #tpu.memory_space<vmem_shared>>
      %dma_start3A_282 = tpu.memref_squeeze %dma_start3A_281 : memref<1x1000x32xf32, #tpu.memory_space<vmem_shared>> -> memref<1000x32xf32, #tpu.memory_space<vmem_shared>>
      %dma_start3A_283 = arith.constant 0 : i32
      %dma_start3A_284 = tpu.memref_slice %arg2[%mul3A_270, %dma_start3A_283] : memref<100000x32xf32, #tpu.memory_space<hbm>> -> memref<1000x32xf32, #tpu.memory_space<hbm>>
      tpu.enqueue_dma source(%dma_start3A_284 : memref<1000x32xf32, #tpu.memory_space<hbm>>) target(%dma_start3A_282 : memref<1000x32xf32, #tpu.memory_space<vmem_shared>>) target_semaphore(%run_scoped3A : memref<!tpu.dma_semaphore, #tpu.memory_space<semaphore_mem>>)
      %dma_wait3A = arith.constant 0 : i32
      %dma_wait3A_285 = arith.constant 0 : i32
      %dma_wait3A_286 = tpu.memref_slice %arg6[%arg1, %dma_wait3A, %dma_wait3A_285] : memref<16x1000x32xf32, #tpu.memory_space<vmem_shared>> -> memref<1x1000x32xf32, #tpu.memory_space<vmem_shared>>
      %dma_wait3A_287 = tpu.memref_squeeze %dma_wait3A_286 : memref<1x1000x32xf32, #tpu.memory_space<vmem_shared>> -> memref<1000x32xf32, #tpu.memory_space<vmem_shared>>
      %dma_wait3A_288 = arith.constant 0 : i32
      %dma_wait3A_289 = tpu.memref_slice %arg2[%mul3A_270, %dma_wait3A_288] : memref<100000x32xf32, #tpu.memory_space<hbm>> -> memref<1000x32xf32, #tpu.memory_space<hbm>>
      tpu.wait_dma2 semaphore(%run_scoped3A : memref<!tpu.dma_semaphore, #tpu.memory_space<semaphore_mem>>) src(%dma_wait3A_289 : memref<1000x32xf32, #tpu.memory_space<hbm>>) dst(%dma_wait3A_287 : memref<1000x32xf32, #tpu.memory_space<vmem_shared>>)
      tpu.yield
    }) : () -> ()
    %add3A_271 = arith.constant 64 : i32
    %add3A_272 = arith.addi %add3A_271, %add3A : i32
    %mul3A_273 = arith.constant 1000 : i32
    %mul3A_274 = arith.muli %add3A_272, %mul3A_273 : i32
    "tpu.region"() ({
      %run_scoped3A = tpu.sem_alloc : memref<!tpu.dma_semaphore, #tpu.memory_space<semaphore_mem>>
      %dma_start3A = arith.constant 0 : i32
      %dma_start3A_280 = tpu.memref_slice %arg4[%mul3A_274, %dma_start3A] : memref<100000x32xf32, #tpu.memory_space<hbm>> -> memref<1000x32xf32, #tpu.memory_space<hbm>>
      %dma_start3A_281 = arith.constant 0 : i32
      %dma_start3A_282 = arith.constant 0 : i32
      %dma_start3A_283 = tpu.memref_slice %arg6[%arg1, %dma_start3A_281, %dma_start3A_282] : memref<16x1000x32xf32, #tpu.memory_space<vmem_shared>> -> memref<1x1000x32xf32, #tpu.memory_space<vmem_shared>>
      %dma_start3A_284 = tpu.memref_squeeze %dma_start3A_283 : memref<1x1000x32xf32, #tpu.memory_space<vmem_shared>> -> memref<1000x32xf32, #tpu.memory_space<vmem_shared>>
      tpu.enqueue_dma source(%dma_start3A_284 : memref<1000x32xf32, #tpu.memory_space<vmem_shared>>) target(%dma_start3A_280 : memref<1000x32xf32, #tpu.memory_space<hbm>>) target_semaphore(%run_scoped3A : memref<!tpu.dma_semaphore, #tpu.memory_space<semaphore_mem>>)
      %dma_wait3A = arith.constant 0 : i32
      %dma_wait3A_285 = tpu.memref_slice %arg4[%mul3A_274, %dma_wait3A] : memref<100000x32xf32, #tpu.memory_space<hbm>> -> memref<1000x32xf32, #tpu.memory_space<hbm>>
      %dma_wait3A_286 = arith.constant 0 : i32
      %dma_wait3A_287 = arith.constant 0 : i32
      %dma_wait3A_288 = tpu.memref_slice %arg6[%arg1, %dma_wait3A_286, %dma_wait3A_287] : memref<16x1000x32xf32, #tpu.memory_space<vmem_shared>> -> memref<1x1000x32xf32, #tpu.memory_space<vmem_shared>>
      %dma_wait3A_289 = tpu.memref_squeeze %dma_wait3A_288 : memref<1x1000x32xf32, #tpu.memory_space<vmem_shared>> -> memref<1000x32xf32, #tpu.memory_space<vmem_shared>>
      tpu.wait_dma2 semaphore(%run_scoped3A : memref<!tpu.dma_semaphore, #tpu.memory_space<semaphore_mem>>) src(%dma_wait3A_289 : memref<1000x32xf32, #tpu.memory_space<vmem_shared>>) dst(%dma_wait3A_285 : memref<1000x32xf32, #tpu.memory_space<hbm>>)
      tpu.yield
    }) : () -> ()
    %lt3A_275 = arith.constant 4 : i32
    %lt3A_276 = arith.cmpi slt, %add3A, %lt3A_275 : i32
    %convert_element_type3A_277 = arith.extui %lt3A_276 : i1 to i32
    %cond3A_278 = arith.constant 0 : i32
    %cond3A_279 = arith.cmpi ne, %convert_element_type3A_277, %cond3A_278 : i32
    scf.if %cond3A_279 {
      %add3A_280 = arith.constant 96 : i32
      %add3A_281 = arith.addi %add3A_280, %add3A : i32
      %mul3A_282 = arith.constant 1000 : i32
      %mul3A_283 = arith.muli %add3A_281, %mul3A_282 : i32
      "tpu.region"() ({
        %run_scoped3A = tpu.sem_alloc : memref<!tpu.dma_semaphore, #tpu.memory_space<semaphore_mem>>
        %dma_start3A = arith.constant 0 : i32
        %dma_start3A_286 = arith.constant 0 : i32
        %dma_start3A_287 = tpu.memref_slice %arg6[%arg1, %dma_start3A, %dma_start3A_286] : memref<16x1000x32xf32, #tpu.memory_space<vmem_shared>> -> memref<1x1000x32xf32, #tpu.memory_space<vmem_shared>>
        %dma_start3A_288 = tpu.memref_squeeze %dma_start3A_287 : memref<1x1000x32xf32, #tpu.memory_space<vmem_shared>> -> memref<1000x32xf32, #tpu.memory_space<vmem_shared>>
        %dma_start3A_289 = arith.constant 0 : i32
        %dma_start3A_290 = tpu.memref_slice %arg2[%mul3A_283, %dma_start3A_289] : memref<100000x32xf32, #tpu.memory_space<hbm>> -> memref<1000x32xf32, #tpu.memory_space<hbm>>
        tpu.enqueue_dma source(%dma_start3A_290 : memref<1000x32xf32, #tpu.memory_space<hbm>>) target(%dma_start3A_288 : memref<1000x32xf32, #tpu.memory_space<vmem_shared>>) target_semaphore(%run_scoped3A : memref<!tpu.dma_semaphore, #tpu.memory_space<semaphore_mem>>)
        %dma_wait3A = arith.constant 0 : i32
        %dma_wait3A_291 = arith.constant 0 : i32
        %dma_wait3A_292 = tpu.memref_slice %arg6[%arg1, %dma_wait3A, %dma_wait3A_291] : memref<16x1000x32xf32, #tpu.memory_space<vmem_shared>> -> memref<1x1000x32xf32, #tpu.memory_space<vmem_shared>>
        %dma_wait3A_293 = tpu.memref_squeeze %dma_wait3A_292 : memref<1x1000x32xf32, #tpu.memory_space<vmem_shared>> -> memref<1000x32xf32, #tpu.memory_space<vmem_shared>>
        %dma_wait3A_294 = arith.constant 0 : i32
        %dma_wait3A_295 = tpu.memref_slice %arg2[%mul3A_283, %dma_wait3A_294] : memref<100000x32xf32, #tpu.memory_space<hbm>> -> memref<1000x32xf32, #tpu.memory_space<hbm>>
        tpu.wait_dma2 semaphore(%run_scoped3A : memref<!tpu.dma_semaphore, #tpu.memory_space<semaphore_mem>>) src(%dma_wait3A_295 : memref<1000x32xf32, #tpu.memory_space<hbm>>) dst(%dma_wait3A_293 : memref<1000x32xf32, #tpu.memory_space<vmem_shared>>)
        tpu.yield
      }) : () -> ()
      %mul3A_284 = arith.constant 1000 : i32
      %mul3A_285 = arith.muli %add3A_281, %mul3A_284 : i32
      "tpu.region"() ({
        %run_scoped3A = tpu.sem_alloc : memref<!tpu.dma_semaphore, #tpu.memory_space<semaphore_mem>>
        %dma_start3A = arith.constant 0 : i32
        %dma_start3A_286 = tpu.memref_slice %arg4[%mul3A_285, %dma_start3A] : memref<100000x32xf32, #tpu.memory_space<hbm>> -> memref<1000x32xf32, #tpu.memory_space<hbm>>
        %dma_start3A_287 = arith.constant 0 : i32
        %dma_start3A_288 = arith.constant 0 : i32
        %dma_start3A_289 = tpu.memref_slice %arg6[%arg1, %dma_start3A_287, %dma_start3A_288] : memref<16x1000x32xf32, #tpu.memory_space<vmem_shared>> -> memref<1x1000x32xf32, #tpu.memory_space<vmem_shared>>
        %dma_start3A_290 = tpu.memref_squeeze %dma_start3A_289 : memref<1x1000x32xf32, #tpu.memory_space<vmem_shared>> -> memref<1000x32xf32, #tpu.memory_space<vmem_shared>>
        tpu.enqueue_dma source(%dma_start3A_290 : memref<1000x32xf32, #tpu.memory_space<vmem_shared>>) target(%dma_start3A_286 : memref<1000x32xf32, #tpu.memory_space<hbm>>) target_semaphore(%run_scoped3A : memref<!tpu.dma_semaphore, #tpu.memory_space<semaphore_mem>>)
        %dma_wait3A = arith.constant 0 : i32
        %dma_wait3A_291 = tpu.memref_slice %arg4[%mul3A_285, %dma_wait3A] : memref<100000x32xf32, #tpu.memory_space<hbm>> -> memref<1000x32xf32, #tpu.memory_space<hbm>>
        %dma_wait3A_292 = arith.constant 0 : i32
        %dma_wait3A_293 = arith.constant 0 : i32
        %dma_wait3A_294 = tpu.memref_slice %arg6[%arg1, %dma_wait3A_292, %dma_wait3A_293] : memref<16x1000x32xf32, #tpu.memory_space<vmem_shared>> -> memref<1x1000x32xf32, #tpu.memory_space<vmem_shared>>
        %dma_wait3A_295 = tpu.memref_squeeze %dma_wait3A_294 : memref<1x1000x32xf32, #tpu.memory_space<vmem_shared>> -> memref<1000x32xf32, #tpu.memory_space<vmem_shared>>
        tpu.wait_dma2 semaphore(%run_scoped3A : memref<!tpu.dma_semaphore, #tpu.memory_space<semaphore_mem>>) src(%dma_wait3A_295 : memref<1000x32xf32, #tpu.memory_space<vmem_shared>>) dst(%dma_wait3A_291 : memref<1000x32xf32, #tpu.memory_space<hbm>>)
        tpu.yield
      }) : () -> ()
    } else {
    }
    return
  }
}

</mosaic_0001>

<sc_bundles>
// kernel: _sc_copy.3.cloned.1.call-start
scs
__scs_entry_jumppad:
0x0: {  	(pc) =	sbr.rel $0x88, $3  }
0x1: {  	(tag) =	ssettag $0x0;
	lr =	simm.s32 $0x1  }
0x2: {  	[smem:$0x3F9F] =	sst lr;
	_ =	strace $0xD0000000  }
0x3: {  	_ = 	snop  }
0x4: {  	_ = 	snop  }
0x5: {  	_ = 	snop  }
0x6: {  	_ = 	snop  }
0x7: {  	_ = 	snop  }
__scs_overlays_trampoline_lowered:
0x8: {  	[smem:$0x3FAE] =	sst s0  }
0x9: {  	[smem:$0x3FAF] =	sst s1  }
0xa: {  	[smem:$0x3FB0] =	sst s2  }
0xb: {  	[smem:$0x3FB1] =	sst s3  }
0xc: {  	[smem:$0x3FB2] =	sst s4  }
0xd: {  	[smem:$0x3FB3] =	sst s5  }
0xe: {  	[smem:$0x3FB4] =	sst s6  }
0xf: {  	[smem:$0x3FB5] =	sst s7  }
0x10: {  	[smem:$0x3FB6] =	sst s8  }
0x11: {  	[smem:$0x3FB7] =	sst s9;
	s0 =	simm.s32 @!p0 $0x0  }
0x12: {  	s1 =	sld [smem:$0x3F9D];
	s0 =	simm.s32 @p0 $0x1  }
0x13: {  	[smem:$0x3FB8] =	sst s0;
	s0 =	simm.s32 @!p1 $0x0  }
0x14: {  	s2 =	sld [smem:$0x3F9C];
	s0 =	simm.s32 @p1 $0x1  }
0x15: {  	[smem:$0x3FB9] =	sst s0;
	s0 =	simm.s32 @!p2 $0x0  }
0x16: {  	s3 =	sld [smem:$0x3FDB];
	s0 =	simm.s32 @p2 $0x1  }
0x17: {  	s4 =	simm.s32 $0x1BF5;
	[smem:$0x3FBB] =	sst s0  }
0x18: {  	s0 =	sld [smem:$0x3F9E];
	_ =	swait.ge [sflag:s4], $0x0  }
0x19: {  	s7 =	sld [smem:$0x3F9F]  }
0x1a: {  	s8 =	sadd.s32 $0xFFFFE003, lr  }
0x1b: {  	s9 =	sadd.s32 $0xFFFFFEF7, lr;
	s5 =	simm.s32 $0xFFFFFFFF;
	p2 =	slt.u32 s8, $0xFFFFF086  }
0x1c: {  	p1 =	slt.u32 s9, $0xF7A;
	s5 =	simm.s32 @!p2 $0x0  }
0x1d: {  	s5 =	simm.s32 @p1 $0x1;
	p0 =	seq.s32 s7, s2  }
0x1e: {  	s7 =	smul.u32 @!p0 $0xF7A, s2;
	p2 =	seq.s32 @!p0 s5, $0x0  }
0x1f: {  	s9 =	smul.u32 $0xF7A, s1;
	s8 =	simm.s32 @!p0 $0x1BF5;
	p2 =	por !p2, p0  }
0x20: {  	[sflag:s8] =	ssyncset.s32 @!p0 $0xFFFFF086;
	s6 =	sadd.s32 @!p0 s3, s7;
	s7 =	simm.s32 @!p0 $0x108  }
0x21: {  	s3 =	sadd.s32 s3, s9;
	s6 =	sadd.s32 @!p0 $0x88, s6;
	s7 =	simm.s32 @p2 $0x1082  }
0x22: {  	[simem:s7], [sflag:s8] =	dma.local @!p0 [hbm:s6], $0xF7A  }
0x23: {  	s9 =	sor.u32 $0xD0000000, s2;
	s6 =	simm.s32 $0x108;
	_ =	swait.ge @!p0 [sflag:s8], $0x0  }
0x24: {  	s3 =	sadd.s32 $0x88, s3;
	s6 =	simm.s32 @!p1 $0x1082;
	[sflag:s4] =	ssyncset.s32 $0xFFFFF086  }
0x25: {  	[simem:s6], [sflag:s4] =	dma.local [hbm:s3], $0xF7A  }
0x26: {  	[smem:$0x3F9F] =	sst s1;
	(tag) =	ssettag s2;
	_ =	strace s9  }
0x27: {  	s1 =	sld [smem:$0x3FAF]  }
0x28: {  	s2 =	sld [smem:$0x3FB0]  }
0x29: {  	s4 =	sld [smem:$0x3FB2]  }
0x2a: {  	p0 =	seq.s32 s5, $0x0;
	s5 =	sld [smem:$0x3FB3]  }
0x2b: {  	s6 =	sld [smem:$0x3FB4]  }
0x2c: {  	s7 =	sld [smem:$0x3FB5]  }
0x2d: {  	s3 =	simm.s32 $0x108;
	s8 =	sld [smem:$0x3FB6]  }
0x2e: {  	s3 =	simm.s32 @!p0 $0x1082;
	s9 =	sld [smem:$0x3FB7]  }
0x2f: {  	lr =	sadd.s32 s0, s3;
	s0 =	sld [smem:$0x3FAE]  }
0x30: {  	s3 =	sld [smem:$0x3FB1]  }
0x31: {  	[smem:$0x3FBA] =	sst s10  }
0x32: {  	s10 =	sld [smem:$0x3FB8];
	_ =	sdelay $0x3  }
0x33: {  	p0 =	seq.s32 s10, $0x1;
	s10 =	sld [smem:$0x3FBA];
	_ =	sdelay $0x3  }
0x34: {  	[smem:$0x3FBA] =	sst s10  }
0x35: {  	s10 =	sld [smem:$0x3FB9];
	_ =	sdelay $0x3  }
0x36: {  	p1 =	seq.s32 s10, $0x1;
	s10 =	sld [smem:$0x3FBA];
	_ =	sdelay $0x3  }
0x37: {  	[smem:$0x3FBA] =	sst s10  }
0x38: {  	s10 =	sld [smem:$0x3FBB]  }
0x39: {  	_ = 	snop;
	(pc) =	sbr.ind lr, $3  }
0x3a: {  	_ = 	snop  }
0x3b: {  	_ = 	snop  }
0x3c: {  	p2 =	seq.s32 s10, $0x1;
	s10 =	sld [smem:$0x3FBA]  }
0x3d: {  	_ =	shalt  }
0x3e: {  	_ =	shalt  }
0x3f: {  	_ =	shalt  }
0x40: {  	_ =	shalt  }
0x41: {  	_ =	shalt  }
0x42: {  	_ =	shalt  }
0x43: {  	_ =	shalt  }
0x44: {  	_ =	shalt  }
0x45: {  	_ =	shalt  }
0x46: {  	_ =	shalt  }
0x47: {  	_ =	shalt  }
0x48: {  	_ =	shalt  }
0x49: {  	_ =	shalt  }
0x4a: {  	_ =	shalt  }
0x4b: {  	_ =	shalt  }
0x4c: {  	_ =	shalt  }
0x4d: {  	_ =	shalt  }
0x4e: {  	_ =	shalt  }
0x4f: {  	_ =	shalt  }
0x50: {  	_ =	shalt  }
0x51: {  	_ =	shalt  }
0x52: {  	_ =	shalt  }
0x53: {  	_ =	shalt  }
0x54: {  	_ =	shalt  }
0x55: {  	_ =	shalt  }
0x56: {  	_ =	shalt  }
0x57: {  	_ =	shalt  }
0x58: {  	_ =	shalt  }
0x59: {  	_ =	shalt  }
0x5a: {  	_ =	shalt  }
0x5b: {  	_ =	shalt  }
0x5c: {  	_ =	shalt  }
0x5d: {  	_ =	shalt  }
0x5e: {  	_ =	shalt  }
0x5f: {  	_ =	shalt  }
0x60: {  	_ =	shalt  }
0x61: {  	_ =	shalt  }
0x62: {  	_ =	shalt  }
0x63: {  	_ =	shalt  }
0x64: {  	_ =	shalt  }
0x65: {  	_ =	shalt  }
0x66: {  	_ =	shalt  }
0x67: {  	_ =	shalt  }
0x68: {  	_ =	shalt  }
0x69: {  	_ =	shalt  }
0x6a: {  	_ =	shalt  }
0x6b: {  	_ =	shalt  }
0x6c: {  	_ =	shalt  }
0x6d: {  	_ =	shalt  }
0x6e: {  	_ =	shalt  }
0x6f: {  	_ =	shalt  }
0x70: {  	_ =	shalt  }
0x71: {  	_ =	shalt  }
0x72: {  	_ =	shalt  }
0x73: {  	_ =	shalt  }
0x74: {  	_ =	shalt  }
0x75: {  	_ =	shalt  }
0x76: {  	_ =	shalt  }
0x77: {  	_ =	shalt  }
0x78: {  	_ =	shalt  }
0x79: {  	_ =	shalt  }
0x7a: {  	_ =	shalt  }
0x7b: {  	_ =	shalt  }
0x7c: {  	_ =	shalt  }
0x7d: {  	_ =	shalt  }
0x7e: {  	_ =	shalt  }
0x7f: {  	_ =	shalt  }
0x80: {  	_ =	shalt  }
0x81: {  	_ =	shalt  }
0x82: {  	_ =	shalt  }
0x83: {  	_ =	shalt  }
0x84: {  	_ =	shalt  }
0x85: {  	_ =	shalt  }
0x86: {  	_ =	shalt  }
0x87: {  	_ =	shalt  }
.Lfunc_end0:
.L_simem_size_0:
called_computation_lowered:
.L_overlay_start_0:
0x88: {  	s2 =	sld [smem:$0x3FD9]  }
0x89: {  	s3 =	sld [smem:$0x3FFE];
	_ =	sdelay $0x1  }
0x8a: {  	s1 =	srdreg.scid  }
0x8b: {  	s0 =	sand.u32 $0x1, s1  }
0x8c: {  	s14 =	sshll.u32 s0, $0xA;
	s2 =	sadd.s32 s3, s2  }
0x8d: {  	s2 =	sadd.s32 s2, s14  }
0x8e: {  	[smem:$0x3FC6] =	sst s2  }
0x8f: {  	_ = 	snop  }
0x90: {  	s2 =	sld [smem:$0x3FD0];
	_ =	sdelay $0x2  }
0x91: {  	s15 =	simm.s32 $0xA;
	s4 =	simm.s32 $0x10  }
0x92: {  	[smem:s4], [sflag:s15] =	dma.local [hbm:s2], $0x1  }
0x93: {  	_ =	swait.eq [sflag:s15], $0x1  }
0x94: {  	[sflag:s15] =	ssyncset.done $0x0  }
0x95: {  	[sflag:s15] =	ssyncadd.s32 $0xFFFFFFFF  }
0x96: {  	s16 =	sld [smem:$0x11];
	(tm) =	ssettm $0x1  }
0x97: {  	s17 =	sld [smem:$0x3FFB];
	_ =	sdelay $0x3  }
0x98: {  	_ =	strace s17  }
0x99: {  	s3 =	sld [smem:$0x3FFC];
	_ =	sdelay $0x3  }
0x9a: {  	_ =	strace s3  }
0x9b: {  	s3 =	sld [smem:$0x3FFD];
	_ =	sdelay $0x3  }
0x9c: {  	_ =	strace s3  }
0x9d: {  	_ =	strace $0x8FFFFFFF  }
0x9e: {  	s18 =	sld [smem:$0x3FDB];
	_ =	sdelay $0x1  }
0x9f: {  	s19 =	simm.s32 $_scs_section_size  }
0xa0: {  	s5 =	simm.s32 $_size__tile_overlayer_lowered;
	s6 =	simm.s32 $_tile_overlayer_lowered  }
0xa1: {  	s22 =	simm.s32 $0x1BFF;
	s21 =	sshll.u32 s6, $0x1;
	s3 =	sadd.s32 s19, s18  }
0xa2: {  	s7 =	simm.s32 $0x0;
	s20 =	sshll.u32 s5, $0x1;
	s5 =	sadd.s32 s21, s3  }
0xa3: {  	[timem:s7], [sflag:s22] =	dma.local [hbm:s5], s20  }
0xa4: {  	_ =	swait.ge [sflag:s22], s20  }
0xa5: {  	s4 =	ssub.s32 $0x0, s20;
	[sflag:s22] =	ssyncset.done $0x0  }
0xa6: {  	[sflag:s22] =	ssyncadd.s32 s4;
	_ =	sdelay $0x1  }
0xa7: {  	s23 =	simm.s32 $0x1B8B  }
0xa8: {  	_ =	swait.ge [sflag:s23], $0x1  }
0xa9: {  	[sflag:s23] =	ssyncset.done $0x0  }
0xaa: {  	s25 =	simm.s32 $0x1B8E;
	s24 =	sld [smem:$0x3FFE];
	[sflag:s23] =	ssyncadd.s32 $0xFFFFFFFF  }
0xab: {  	s26 =	simm.s32 $execute0_lowered;
	[smem:$0x3FD2] =	sst s25  }
0xac: {  	s5 =	sshll.u32 s26, $0x1;
	_ =	strace $0x80000046;
	[dreg:$0x1] =	wrdreg $0xFFFFFFFF  }
0xad: {  	s28 =	simm.s32 $_size_execute0_lowered;
	s3 =	sadd.s32 s3, s5;
	[dreg:$0x0] =	wrdreg $0x0  }
0xae: {  	s5 =	sshll.u32 s28, $0x1;
	[dreg:$0x2] =	wrdreg s3  }
0xaf: {  	[dreg:$0x3] =	wrdreg s5  }
0xb0: {  	[dreg:$0x4] =	wrdreg $0xC0  }
0xb1: {  	_ =	task [dreg:s7], $0x5FFFF  }
0xb2: {  	[dreg:$0x1] =	wrdreg $0xFFFFFFFF  }
0xb3: {  	[dreg:$0x0] =	wrdreg $0x60  }
0xb4: {  	[dreg:$0x2] =	wrdreg s16  }
0xb5: {  	[dreg:$0x3] =	wrdreg s24  }
0xb6: {  	[dreg:$0x4] =	wrdreg $0x0  }
0xb7: {  	[dreg:$0x5] =	wrdreg $0x9  }
0xb8: {  	_ =	task.clear_ibuf [dreg:s7], $0x6FFFF;
	_ =	strace $0x90000046  }
0xb9: {  	s29 =	simm.s32 $0x9;
	_ =	strace $0x80000048  }
0xba: {  	_ =	swait.ge [sflag:s29], $0x1  }
0xbb: {  	[sflag:s29] =	ssyncadd.s32 $0xFFFFFFFF  }
0xbc: {  	_ =	strace $0x90000048  }
0xbd: {  	_ =	sfence  }
0xbe: {  	s30 =	sld [smem:$0x0];
	_ =	sdelay $0x2  }
0xbf: {  	s31 =	sshll.u32 s1, $0xD;
	s1 =	sshrl.u32 s1, $0x2  }
0xc0: {  	s3 =	sand.u32 $0x4000, s31;
	s1 =	sadd.s32 s1, s30  }
0xc1: {  	s0 =	sor.u32 s3, s0;
	s1 =	sshll.u32 s1, $0x11  }
0xc2: {  	s0 =	sor.u32 s1, s0  }
0xc3: {  	s0 =	sadd.s32 $0x8F2B, s0  }
0xc4: {  	[sflag:s0] =	ssyncadd.remote.s32 $0x1  }
0xc5: {  	_ =	sfence.sel $0xFFFF  }
0xc6: {  	[dreg:$0x0] =	wrdreg $0xFFFFFFFF;
	(pc) =	sbr.abs _section_cstart, $3  }
0xc7: {  	[dreg:$0x1] =	wrdreg $0xFFFFFFFF  }
0xc8: {  	_ =	task.clear_ibuf [dreg:s7], $0x2FFFF;
	_ =	strace $0x9FFFFFFF  }
0xc9: {  	(tm) =	ssettm $0x7FFFFFFF  }
tec
execute0_lowered:
.L_overlay_start_1:
0x0: {  	(tag) =	ssettag $0x1  }
0x1: {  	s0 =	srdreg.scid;
	s31 =	stileid.u32  }
0x2: {  	s9 =	sand.u32 $0x1, s0;
	s16 =	sshll.u32 s31, $0x1  }
0x3: {  	s1 =	rddreg [dreg:$0x0];
	s0 =	sor.u32 s9, s16  }
0x4: {  	s11 =	rddreg [dreg:$0x1];
	s2 =	smul.u32 $0x3E80, s0  }
0x5: {  	s8 =	rddreg [dreg:$0x2];
	s3 =	simm.s32 $0x0;
	s0 =	smul.u32 $0x1F400, s0  }
0x6: {  	[smem:$0x7FF] =	sst s3;
	s3 =	sadd.s32 $0x800, s11;
	s4 =	sadd.s32 $0x10C9600, s11  }
0x7: {  	_ =	strace $0x80000047;
	s5 =	sadd.s32 s3, s2;
	s6 =	sshrl.u32 s0, $0x3  }
0x8: {  	s17 =	sadd.s32 s4, s2;
	[dreg:$0x4] =	wrdreg s5;
	s5 =	sadd.s32 $0x7D000, s6  }
0x9: {  	[dreg:$0x5] =	wrdreg s17;
	s18 =	sadd.s32 s3, s5  }
0xa: {  	s7 =	sadd.s32 $0xFA000, s6;
	s19 =	sadd.s32 s4, s5;
	[dreg:$0x6] =	wrdreg s18  }
0xb: {  	s20 =	sadd.s32 s3, s7;
	[dreg:$0x7] =	wrdreg s19  }
0xc: {  	s10 =	sadd.s32 $0x177000, s6;
	s21 =	sadd.s32 s4, s7;
	[dreg:$0x8] =	wrdreg s20  }
0xd: {  	s22 =	sadd.s32 s3, s10;
	[dreg:$0x9] =	wrdreg s21  }
0xe: {  	s12 =	sadd.s32 $0x1F4000, s6;
	s23 =	sadd.s32 s4, s10;
	[dreg:$0xa] =	wrdreg s22  }
0xf: {  	s24 =	sadd.s32 s3, s12;
	[dreg:$0xb] =	wrdreg s23  }
0x10: {  	s26 =	sadd.s32 $0x271000, s6;
	s25 =	sadd.s32 s4, s12;
	[dreg:$0xc] =	wrdreg s24  }
0x11: {  	s30 =	sadd.s32 s3, s26;
	[dreg:$0xd] =	wrdreg s25  }
0x12: {  	s14 =	sadd.s32 $0x2EE000, s6;
	s13 =	sadd.s32 s4, s26;
	[dreg:$0xe] =	wrdreg s30  }
0x13: {  	s15 =	sadd.s32 s3, s14;
	[dreg:$0xf] =	wrdreg s13  }
0x14: {  	s17 =	sadd.s32 $0x36B000, s6;
	s16 =	sadd.s32 s4, s14;
	[dreg:$0x10] =	wrdreg s15  }
0x15: {  	[dreg:$0x11] =	wrdreg s16;
	s18 =	sadd.s32 s3, s17  }
0x16: {  	s26 =	sadd.s32 $0x4E2000, s6;
	s19 =	sadd.s32 s4, s17;
	[dreg:$0x12] =	wrdreg s18  }
0x17: {  	s30 =	sadd.s32 s3, s26;
	[dreg:$0x13] =	wrdreg s19  }
0x18: {  	s14 =	sadd.s32 $0x55F000, s6;
	s13 =	sadd.s32 s4, s26;
	[dreg:$0x18] =	wrdreg s30  }
0x19: {  	s15 =	sadd.s32 s3, s14;
	[dreg:$0x19] =	wrdreg s13  }
0x1a: {  	s20 =	sadd.s32 $0x3E8000, s6;
	s16 =	sadd.s32 s4, s14;
	[dreg:$0x1a] =	wrdreg s15  }
0x1b: {  	s21 =	sadd.s32 s3, s20;
	[dreg:$0x1b] =	wrdreg s16  }
0x1c: {  	s23 =	sadd.s32 $0x465000, s6;
	s22 =	sadd.s32 s4, s20;
	[dreg:$0x14] =	wrdreg s21  }
0x1d: {  	s24 =	sadd.s32 s3, s23;
	[dreg:$0x15] =	wrdreg s22  }
0x1e: {  	s17 =	sadd.s32 $0x5DC000, s6;
	s25 =	sadd.s32 s4, s23;
	[dreg:$0x16] =	wrdreg s24  }
0x1f: {  	s18 =	sadd.s32 s3, s17;
	[dreg:$0x17] =	wrdreg s25  }
0x20: {  	s26 =	sadd.s32 $0x753000, s6;
	s19 =	sadd.s32 s4, s17;
	[dreg:$0x1c] =	wrdreg s18  }
0x21: {  	s30 =	sadd.s32 s3, s26;
	[dreg:$0x1d] =	wrdreg s19  }
0x22: {  	s14 =	sadd.s32 $0x7D0000, s6;
	s13 =	sadd.s32 s4, s26;
	[smem:$0x7EA] =	sst s30  }
0x23: {  	s15 =	sadd.s32 s3, s14;
	[smem:$0x7EB] =	sst s13  }
0x24: {  	s20 =	sadd.s32 $0x659000, s6;
	s16 =	sadd.s32 s4, s14;
	[smem:$0x7EC] =	sst s15  }
0x25: {  	s11 =	sadd.s32 $0xF42C00, s11;
	s21 =	sadd.s32 s3, s20;
	[smem:$0x7ED] =	sst s16  }
0x26: {  	s23 =	sadd.s32 $0x6D6000, s6;
	s22 =	sadd.s32 s4, s20;
	[dreg:$0x1e] =	wrdreg s21  }
0x27: {  	s9 =	ssub.s32 $0x2, s9;
	s24 =	sadd.s32 s3, s23;
	[dreg:$0x1f] =	wrdreg s22  }
0x28: {  	s17 =	sadd.s32 $0x84D000, s6;
	s25 =	sadd.s32 s4, s23;
	[smem:$0x7E8] =	sst s24  }
0x29: {  	s26 =	sadd.s32 $0x9C4000, s6;
	s18 =	sadd.s32 s3, s17;
	[smem:$0x7E9] =	sst s25  }
0x2a: {  	s14 =	sadd.s32 $0xA41000, s6;
	s19 =	sadd.s32 s4, s17;
	[smem:$0x7EE] =	sst s18  }
0x2b: {  	s20 =	sadd.s32 $0x8CA000, s6;
	s30 =	sadd.s32 s3, s26;
	[smem:$0x7EF] =	sst s19  }
0x2c: {  	s23 =	sadd.s32 $0x947000, s6;
	s12 =	sadd.s32 s4, s26;
	[smem:$0x7F4] =	sst s30  }
0x2d: {  	s13 =	sshrl.u32 s9, $0x1;
	s15 =	sadd.s32 s3, s14;
	[smem:$0x7F5] =	sst s12  }
0x2e: {  	s16 =	sadd.s32 s4, s14;
	s17 =	sadd.s32 $0xABE000, s6;
	[smem:$0x7F6] =	sst s15  }
0x2f: {  	s14 =	sadd.s32 $0xDAC000, s6;
	s21 =	sadd.s32 s3, s20;
	[smem:$0x7F7] =	sst s16  }
0x30: {  	s22 =	sadd.s32 s4, s20;
	s24 =	sadd.s32 s3, s23;
	[smem:$0x7F0] =	sst s21  }
0x31: {  	s25 =	sadd.s32 s4, s23;
	s18 =	smul.u32 $0x7D000, s31;
	[smem:$0x7F1] =	sst s22  }
0x32: {  	s19 =	sadd.s32 s3, s17;
	s20 =	sadd.s32 s4, s17;
	[smem:$0x7F2] =	sst s24  }
0x33: {  	s15 =	sadd.s32 $0xE29000, s6;
	s16 =	sadd.s32 $0xEA6000, s6;
	[smem:$0x7F3] =	sst s25  }
0x34: {  	s21 =	ssub.s32 s9, s13;
	[smem:$0x7F8] =	sst s19;
	s22 =	sadd.s32 $0xB3B000, s6  }
0x35: {  	[smem:$0x7F9] =	sst s20;
	s25 =	sadd.s32 $0xBB8000, s6;
	s9 =	sadd.s32 $0xC35000, s6  }
0x36: {  	s13 =	sadd.s32 $0xD2F000, s6;
	s20 =	sadd.s32 s4, s14;
	s19 =	sadd.s32 s3, s15  }
0x37: {  	s17 =	sadd.s32 s3, s16;
	s16 =	sadd.s32 s4, s16;
	s12 =	sshrl.u32 s18, $0x2  }
0x38: {  	s23 =	sadd.s32 s3, s22;
	s24 =	sadd.s32 s4, s22;
	s26 =	sadd.s32 s3, s25  }
0x39: {  	s29 =	sadd.s32 s3, s9;
	s28 =	sadd.s32 s4, s9;
	s22 =	sadd.s32 s3, s14  }
0x3a: {  	s18 =	sadd.s32 s4, s15;
	s9 =	sadd.s32 s1, s5;
	[smem:$0x7FA] =	sst s23  }
0x3b: {  	s30 =	sadd.s32 s12, s8;
	[smem:$0x7FB] =	sst s24;
	s8 =	sadd.s32 s4, s25  }
0x3c: {  	s12 =	sadd.s32 $0xCB2000, s6;
	s24 =	sadd.s32 s3, s13;
	s23 =	sadd.s32 s4, s13  }
0x3d: {  	s6 =	sadd.s32 $0xF23000, s6;
	s13 =	sadd.s32 s1, s2;
	[smem:$0x7FD] =	sst s8  }
0x3e: {  	s15 =	sadd.s32 s3, s6;
	s14 =	sadd.s32 s4, s6;
	s8 =	sadd.s32 s11, s5  }
0x3f: {  	s6 =	sadd.s32 s1, s7;
	s5 =	sadd.s32 s11, s7;
	s7 =	smax.u32 s21, $0x1  }
0x40: {  	s25 =	sadd.s32 s4, s12;
	s4 =	sadd.s32 s1, s10;
	s1 =	sadd.s32 $0xFFFFFFFF, s7  }
0x41: {  	p3 =	sne.s32 s1, $0x0  }
.Ltmp0:
0x42: {  	p2 =	por $0x0, $0x0;
	s0 =	rddreg [dreg:$0x4];
	(pc) =	sbr.rel @!p3 .LBB2_1-.Ltmp0, $4  }
0x43: {  	p1 =	sgt.u32 s31, $0x3;
	p0 =	sgt.u32 s31, $0x1;
	[smem:$0x7FC] =	sst s26  }
0x44: {  	s26 =	sadd.s32 s3, s12;
	s12 =	sadd.s32 s11, s2;
	s21 =	sshll.u32 s31, $0x6  }
0x45: {  	s2 =	sadd.s32 s11, s10;
	s11 =	sshrl.u32 s30, $0x3;
	s10 =	simm.s32 $0x1  }
0x46: {  	s3 =	sor.u32 $0x1C01, s21;
	s21 =	sshrl.u32 @!p1 s30, $0x3;
	s7 =	sshrl.u32 @!p0 s30, $0x3  }
0x47: {  	[spmem:s11], [sflag:s3] =	dma.local [hbm:s0], $0x3E80  }
0x48: {  	_ =	swait.ge [sflag:s10], $0x3E80  }
0x49: {  	[sflag:s10] =	ssyncset.done $0x0  }
0x4a: {  	s0 =	rddreg [dreg:$0x5];
	[sflag:s10] =	ssyncadd.s32 $0xFFFFC180  }
0x4b: {  	[hbm:s0], [sflag:s3] =	dma.local [spmem:s11], $0x3E80  }
0x4c: {  	_ =	swait.ge [sflag:s10], $0x3E80  }
0x4d: {  	[sflag:s10] =	ssyncset.done $0x0  }
0x4e: {  	s0 =	rddreg [dreg:$0x6];
	[sflag:s10] =	ssyncadd.s32 $0xFFFFC180  }
0x4f: {  	[spmem:s11], [sflag:s3] =	dma.local [hbm:s0], $0x3E80  }
0x50: {  	_ =	swait.ge [sflag:s10], $0x3E80  }
0x51: {  	[sflag:s10] =	ssyncset.done $0x0  }
0x52: {  	s0 =	rddreg [dreg:$0x7];
	[sflag:s10] =	ssyncadd.s32 $0xFFFFC180  }
0x53: {  	[hbm:s0], [sflag:s3] =	dma.local [spmem:s11], $0x3E80  }
0x54: {  	_ =	swait.ge [sflag:s10], $0x3E80  }
0x55: {  	[sflag:s10] =	ssyncset.done $0x0  }
0x56: {  	s0 =	rddreg [dreg:$0x8];
	[sflag:s10] =	ssyncadd.s32 $0xFFFFC180  }
0x57: {  	[spmem:s11], [sflag:s3] =	dma.local [hbm:s0], $0x3E80  }
0x58: {  	_ =	swait.ge [sflag:s10], $0x3E80  }
0x59: {  	[sflag:s10] =	ssyncset.done $0x0  }
0x5a: {  	s0 =	rddreg [dreg:$0x9];
	[sflag:s10] =	ssyncadd.s32 $0xFFFFC180  }
0x5b: {  	[hbm:s0], [sflag:s3] =	dma.local [spmem:s11], $0x3E80  }
0x5c: {  	_ =	swait.ge [sflag:s10], $0x3E80  }
0x5d: {  	[sflag:s10] =	ssyncset.done $0x0  }
0x5e: {  	s0 =	rddreg [dreg:$0xa];
	[sflag:s10] =	ssyncadd.s32 $0xFFFFC180  }
0x5f: {  	[spmem:s11], [sflag:s3] =	dma.local [hbm:s0], $0x3E80  }
0x60: {  	_ =	swait.ge [sflag:s10], $0x3E80  }
0x61: {  	[sflag:s10] =	ssyncset.done $0x0  }
0x62: {  	s0 =	rddreg [dreg:$0xb];
	[sflag:s10] =	ssyncadd.s32 $0xFFFFC180  }
0x63: {  	[hbm:s0], [sflag:s3] =	dma.local [spmem:s11], $0x3E80  }
0x64: {  	_ =	swait.ge [sflag:s10], $0x3E80  }
0x65: {  	[sflag:s10] =	ssyncset.done $0x0  }
0x66: {  	s0 =	rddreg [dreg:$0xc];
	[sflag:s10] =	ssyncadd.s32 $0xFFFFC180  }
0x67: {  	[spmem:s11], [sflag:s3] =	dma.local [hbm:s0], $0x3E80  }
0x68: {  	_ =	swait.ge [sflag:s10], $0x3E80  }
0x69: {  	[sflag:s10] =	ssyncset.done $0x0  }
0x6a: {  	s0 =	rddreg [dreg:$0xd];
	[sflag:s10] =	ssyncadd.s32 $0xFFFFC180  }
0x6b: {  	[hbm:s0], [sflag:s3] =	dma.local [spmem:s11], $0x3E80  }
0x6c: {  	_ =	swait.ge [sflag:s10], $0x3E80  }
0x6d: {  	[sflag:s10] =	ssyncset.done $0x0  }
0x6e: {  	s0 =	rddreg [dreg:$0xe];
	[sflag:s10] =	ssyncadd.s32 $0xFFFFC180  }
0x6f: {  	[spmem:s11], [sflag:s3] =	dma.local [hbm:s0], $0x3E80  }
0x70: {  	_ =	swait.ge [sflag:s10], $0x3E80  }
0x71: {  	[sflag:s10] =	ssyncset.done $0x0  }
0x72: {  	s0 =	rddreg [dreg:$0xf];
	[sflag:s10] =	ssyncadd.s32 $0xFFFFC180  }
0x73: {  	[hbm:s0], [sflag:s3] =	dma.local [spmem:s11], $0x3E80  }
0x74: {  	_ =	swait.ge [sflag:s10], $0x3E80  }
0x75: {  	[sflag:s10] =	ssyncset.done $0x0  }
0x76: {  	s0 =	rddreg [dreg:$0x10];
	[sflag:s10] =	ssyncadd.s32 $0xFFFFC180  }
0x77: {  	[spmem:s11], [sflag:s3] =	dma.local [hbm:s0], $0x3E80  }
0x78: {  	_ =	swait.ge [sflag:s10], $0x3E80  }
0x79: {  	[sflag:s10] =	ssyncset.done $0x0  }
0x7a: {  	s0 =	rddreg [dreg:$0x11];
	[sflag:s10] =	ssyncadd.s32 $0xFFFFC180  }
0x7b: {  	[hbm:s0], [sflag:s3] =	dma.local [spmem:s11], $0x3E80  }
0x7c: {  	_ =	swait.ge [sflag:s10], $0x3E80  }
0x7d: {  	[sflag:s10] =	ssyncset.done $0x0  }
0x7e: {  	s0 =	rddreg [dreg:$0x12];
	[sflag:s10] =	ssyncadd.s32 $0xFFFFC180  }
0x7f: {  	[spmem:s11], [sflag:s3] =	dma.local [hbm:s0], $0x3E80  }
0x80: {  	_ =	swait.ge [sflag:s10], $0x3E80  }
0x81: {  	[sflag:s10] =	ssyncset.done $0x0  }
0x82: {  	s0 =	rddreg [dreg:$0x13];
	[sflag:s10] =	ssyncadd.s32 $0xFFFFC180  }
0x83: {  	[hbm:s0], [sflag:s3] =	dma.local [spmem:s11], $0x3E80  }
0x84: {  	_ =	swait.ge [sflag:s10], $0x3E80  }
0x85: {  	[sflag:s10] =	ssyncset.done $0x0  }
0x86: {  	s0 =	rddreg [dreg:$0x14];
	[sflag:s10] =	ssyncadd.s32 $0xFFFFC180  }
0x87: {  	[spmem:s11], [sflag:s3] =	dma.local [hbm:s0], $0x3E80  }
0x88: {  	_ =	swait.ge [sflag:s10], $0x3E80  }
0x89: {  	[sflag:s10] =	ssyncset.done $0x0  }
0x8a: {  	s0 =	rddreg [dreg:$0x15];
	[sflag:s10] =	ssyncadd.s32 $0xFFFFC180  }
0x8b: {  	[hbm:s0], [sflag:s3] =	dma.local [spmem:s11], $0x3E80  }
0x8c: {  	_ =	swait.ge [sflag:s10], $0x3E80  }
0x8d: {  	[sflag:s10] =	ssyncset.done $0x0  }
0x8e: {  	s0 =	rddreg [dreg:$0x16];
	[sflag:s10] =	ssyncadd.s32 $0xFFFFC180  }
0x8f: {  	[spmem:s11], [sflag:s3] =	dma.local [hbm:s0], $0x3E80  }
0x90: {  	_ =	swait.ge [sflag:s10], $0x3E80  }
0x91: {  	[sflag:s10] =	ssyncset.done $0x0  }
0x92: {  	s0 =	rddreg [dreg:$0x17];
	[sflag:s10] =	ssyncadd.s32 $0xFFFFC180  }
0x93: {  	[hbm:s0], [sflag:s3] =	dma.local [spmem:s11], $0x3E80  }
0x94: {  	_ =	swait.ge [sflag:s10], $0x3E80  }
0x95: {  	[sflag:s10] =	ssyncset.done $0x0  }
0x96: {  	s0 =	rddreg [dreg:$0x18];
	[sflag:s10] =	ssyncadd.s32 $0xFFFFC180  }
0x97: {  	[spmem:s11], [sflag:s3] =	dma.local [hbm:s0], $0x3E80  }
0x98: {  	_ =	swait.ge [sflag:s10], $0x3E80  }
0x99: {  	[sflag:s10] =	ssyncset.done $0x0  }
0x9a: {  	s0 =	rddreg [dreg:$0x19];
	[sflag:s10] =	ssyncadd.s32 $0xFFFFC180  }
0x9b: {  	[hbm:s0], [sflag:s3] =	dma.local [spmem:s11], $0x3E80  }
0x9c: {  	_ =	swait.ge [sflag:s10], $0x3E80  }
0x9d: {  	[sflag:s10] =	ssyncset.done $0x0  }
0x9e: {  	s0 =	rddreg [dreg:$0x1a];
	[sflag:s10] =	ssyncadd.s32 $0xFFFFC180  }
0x9f: {  	[spmem:s11], [sflag:s3] =	dma.local [hbm:s0], $0x3E80  }
0xa0: {  	_ =	swait.ge [sflag:s10], $0x3E80  }
0xa1: {  	[sflag:s10] =	ssyncset.done $0x0  }
0xa2: {  	s0 =	rddreg [dreg:$0x1b];
	[sflag:s10] =	ssyncadd.s32 $0xFFFFC180  }
0xa3: {  	[hbm:s0], [sflag:s3] =	dma.local [spmem:s11], $0x3E80  }
0xa4: {  	_ =	swait.ge [sflag:s10], $0x3E80  }
0xa5: {  	[sflag:s10] =	ssyncset.done $0x0  }
0xa6: {  	s0 =	rddreg [dreg:$0x1c];
	[sflag:s10] =	ssyncadd.s32 $0xFFFFC180  }
0xa7: {  	[spmem:s11], [sflag:s3] =	dma.local [hbm:s0], $0x3E80  }
0xa8: {  	_ =	swait.ge [sflag:s10], $0x3E80  }
0xa9: {  	[sflag:s10] =	ssyncset.done $0x0  }
0xaa: {  	s0 =	rddreg [dreg:$0x1d];
	[sflag:s10] =	ssyncadd.s32 $0xFFFFC180  }
0xab: {  	[hbm:s0], [sflag:s3] =	dma.local [spmem:s11], $0x3E80  }
0xac: {  	_ =	swait.ge [sflag:s10], $0x3E80  }
0xad: {  	[sflag:s10] =	ssyncset.done $0x0  }
0xae: {  	s0 =	rddreg [dreg:$0x1e];
	[sflag:s10] =	ssyncadd.s32 $0xFFFFC180  }
0xaf: {  	[spmem:s11], [sflag:s3] =	dma.local [hbm:s0], $0x3E80  }
0xb0: {  	_ =	swait.ge [sflag:s10], $0x3E80  }
0xb1: {  	[sflag:s10] =	ssyncset.done $0x0  }
0xb2: {  	s0 =	rddreg [dreg:$0x1f];
	[sflag:s10] =	ssyncadd.s32 $0xFFFFC180  }
0xb3: {  	[hbm:s0], [sflag:s3] =	dma.local [spmem:s11], $0x3E80  }
0xb4: {  	_ =	swait.ge [sflag:s10], $0x3E80  }
0xb5: {  	s0 =	sld [smem:$0x7E8]  }
0xb6: {  	[sflag:s10] =	ssyncset.done $0x0  }
0xb7: {  	[sflag:s10] =	ssyncadd.s32 $0xFFFFC180  }
0xb8: {  	[spmem:s11], [sflag:s3] =	dma.local [hbm:s0], $0x3E80  }
0xb9: {  	_ =	swait.ge [sflag:s10], $0x3E80  }
0xba: {  	s0 =	sld [smem:$0x7E9]  }
0xbb: {  	[sflag:s10] =	ssyncset.done $0x0  }
0xbc: {  	[sflag:s10] =	ssyncadd.s32 $0xFFFFC180  }
0xbd: {  	[hbm:s0], [sflag:s3] =	dma.local [spmem:s11], $0x3E80  }
0xbe: {  	_ =	swait.ge [sflag:s10], $0x3E80  }
0xbf: {  	s0 =	sld [smem:$0x7EA]  }
0xc0: {  	[sflag:s10] =	ssyncset.done $0x0  }
0xc1: {  	[sflag:s10] =	ssyncadd.s32 $0xFFFFC180  }
0xc2: {  	[spmem:s11], [sflag:s3] =	dma.local [hbm:s0], $0x3E80  }
0xc3: {  	_ =	swait.ge [sflag:s10], $0x3E80  }
0xc4: {  	s0 =	sld [smem:$0x7EB]  }
0xc5: {  	[sflag:s10] =	ssyncset.done $0x0  }
0xc6: {  	[sflag:s10] =	ssyncadd.s32 $0xFFFFC180  }
0xc7: {  	[hbm:s0], [sflag:s3] =	dma.local [spmem:s11], $0x3E80  }
0xc8: {  	_ =	swait.ge [sflag:s10], $0x3E80  }
0xc9: {  	s0 =	sld [smem:$0x7EC]  }
0xca: {  	[sflag:s10] =	ssyncset.done $0x0  }
0xcb: {  	[sflag:s10] =	ssyncadd.s32 $0xFFFFC180  }
0xcc: {  	[spmem:s11], [sflag:s3] =	dma.local [hbm:s0], $0x3E80  }
0xcd: {  	_ =	swait.ge [sflag:s10], $0x3E80  }
0xce: {  	s0 =	sld [smem:$0x7ED]  }
0xcf: {  	[sflag:s10] =	ssyncset.done $0x0  }
0xd0: {  	[sflag:s10] =	ssyncadd.s32 $0xFFFFC180  }
0xd1: {  	[hbm:s0], [sflag:s3] =	dma.local [spmem:s11], $0x3E80  }
0xd2: {  	_ =	swait.ge [sflag:s10], $0x3E80  }
0xd3: {  	s0 =	sld [smem:$0x7EE]  }
0xd4: {  	[sflag:s10] =	ssyncset.done $0x0  }
0xd5: {  	[sflag:s10] =	ssyncadd.s32 $0xFFFFC180  }
0xd6: {  	[spmem:s11], [sflag:s3] =	dma.local [hbm:s0], $0x3E80  }
0xd7: {  	_ =	swait.ge [sflag:s10], $0x3E80  }
0xd8: {  	s0 =	sld [smem:$0x7EF]  }
0xd9: {  	[sflag:s10] =	ssyncset.done $0x0  }
0xda: {  	[sflag:s10] =	ssyncadd.s32 $0xFFFFC180  }
0xdb: {  	[hbm:s0], [sflag:s3] =	dma.local [spmem:s11], $0x3E80  }
0xdc: {  	_ =	swait.ge [sflag:s10], $0x3E80  }
0xdd: {  	s0 =	sld [smem:$0x7F0]  }
0xde: {  	[sflag:s10] =	ssyncset.done $0x0  }
0xdf: {  	[sflag:s10] =	ssyncadd.s32 $0xFFFFC180  }
0xe0: {  	[spmem:s11], [sflag:s3] =	dma.local [hbm:s0], $0x3E80  }
0xe1: {  	_ =	swait.ge [sflag:s10], $0x3E80  }
0xe2: {  	s0 =	sld [smem:$0x7F1]  }
0xe3: {  	[sflag:s10] =	ssyncset.done $0x0  }
0xe4: {  	[sflag:s10] =	ssyncadd.s32 $0xFFFFC180  }
0xe5: {  	[hbm:s0], [sflag:s3] =	dma.local [spmem:s11], $0x3E80  }
0xe6: {  	_ =	swait.ge [sflag:s10], $0x3E80  }
0xe7: {  	s0 =	sld [smem:$0x7F2]  }
0xe8: {  	[sflag:s10] =	ssyncset.done $0x0  }
0xe9: {  	[sflag:s10] =	ssyncadd.s32 $0xFFFFC180  }
0xea: {  	[spmem:s11], [sflag:s3] =	dma.local [hbm:s0], $0x3E80  }
0xeb: {  	_ =	swait.ge [sflag:s10], $0x3E80  }
0xec: {  	s0 =	sld [smem:$0x7F3]  }
0xed: {  	[sflag:s10] =	ssyncset.done $0x0  }
0xee: {  	[sflag:s10] =	ssyncadd.s32 $0xFFFFC180  }
0xef: {  	[hbm:s0], [sflag:s3] =	dma.local [spmem:s11], $0x3E80  }
0xf0: {  	_ =	swait.ge [sflag:s10], $0x3E80  }
0xf1: {  	s0 =	sld [smem:$0x7F4]  }
0xf2: {  	[sflag:s10] =	ssyncset.done $0x0  }
0xf3: {  	[sflag:s10] =	ssyncadd.s32 $0xFFFFC180  }
0xf4: {  	[spmem:s11], [sflag:s3] =	dma.local [hbm:s0], $0x3E80  }
0xf5: {  	_ =	swait.ge [sflag:s10], $0x3E80  }
0xf6: {  	s0 =	sld [smem:$0x7F5]  }
0xf7: {  	[sflag:s10] =	ssyncset.done $0x0  }
0xf8: {  	[sflag:s10] =	ssyncadd.s32 $0xFFFFC180  }
0xf9: {  	[hbm:s0], [sflag:s3] =	dma.local [spmem:s11], $0x3E80  }
0xfa: {  	_ =	swait.ge [sflag:s10], $0x3E80  }
0xfb: {  	s0 =	sld [smem:$0x7F6]  }
0xfc: {  	[sflag:s10] =	ssyncset.done $0x0  }
0xfd: {  	[sflag:s10] =	ssyncadd.s32 $0xFFFFC180  }
0xfe: {  	[spmem:s11], [sflag:s3] =	dma.local [hbm:s0], $0x3E80  }
0xff: {  	_ =	swait.ge [sflag:s10], $0x3E80  }
0x100: {  	s0 =	sld [smem:$0x7F7]  }
0x101: {  	[sflag:s10] =	ssyncset.done $0x0  }
0x102: {  	[sflag:s10] =	ssyncadd.s32 $0xFFFFC180  }
0x103: {  	[hbm:s0], [sflag:s3] =	dma.local [spmem:s11], $0x3E80  }
0x104: {  	_ =	swait.ge [sflag:s10], $0x3E80  }
0x105: {  	s0 =	sld [smem:$0x7F8]  }
0x106: {  	[sflag:s10] =	ssyncset.done $0x0  }
0x107: {  	[sflag:s10] =	ssyncadd.s32 $0xFFFFC180  }
0x108: {  	[spmem:s11], [sflag:s3] =	dma.local [hbm:s0], $0x3E80  }
0x109: {  	_ =	swait.ge [sflag:s10], $0x3E80  }
0x10a: {  	s0 =	sld [smem:$0x7F9]  }
0x10b: {  	[sflag:s10] =	ssyncset.done $0x0  }
0x10c: {  	[sflag:s10] =	ssyncadd.s32 $0xFFFFC180  }
0x10d: {  	[hbm:s0], [sflag:s3] =	dma.local [spmem:s11], $0x3E80  }
0x10e: {  	_ =	swait.ge [sflag:s10], $0x3E80  }
0x10f: {  	s0 =	sld [smem:$0x7FA]  }
0x110: {  	[sflag:s10] =	ssyncset.done $0x0  }
0x111: {  	[sflag:s10] =	ssyncadd.s32 $0xFFFFC180  }
0x112: {  	[spmem:s11], [sflag:s3] =	dma.local [hbm:s0], $0x3E80  }
0x113: {  	_ =	swait.ge [sflag:s10], $0x3E80  }
0x114: {  	s0 =	sld [smem:$0x7FB]  }
0x115: {  	[sflag:s10] =	ssyncset.done $0x0  }
0x116: {  	[sflag:s10] =	ssyncadd.s32 $0xFFFFC180  }
0x117: {  	[hbm:s0], [sflag:s3] =	dma.local [spmem:s11], $0x3E80  }
0x118: {  	_ =	swait.ge [sflag:s10], $0x3E80  }
0x119: {  	s0 =	sld [smem:$0x7FC]  }
0x11a: {  	[sflag:s10] =	ssyncset.done $0x0  }
0x11b: {  	[sflag:s10] =	ssyncadd.s32 $0xFFFFC180  }
0x11c: {  	[spmem:s11], [sflag:s3] =	dma.local [hbm:s0], $0x3E80  }
0x11d: {  	_ =	swait.ge [sflag:s10], $0x3E80  }
0x11e: {  	s0 =	sld [smem:$0x7FD]  }
0x11f: {  	[sflag:s10] =	ssyncset.done $0x0  }
0x120: {  	[sflag:s10] =	ssyncadd.s32 $0xFFFFC180  }
0x121: {  	[hbm:s0], [sflag:s3] =	dma.local [spmem:s11], $0x3E80  }
0x122: {  	_ =	swait.ge [sflag:s10], $0x3E80  }
0x123: {  	[sflag:s10] =	ssyncset.done $0x0  }
0x124: {  	[sflag:s10] =	ssyncadd.s32 $0xFFFFC180  }
0x125: {  	[spmem:s11], [sflag:s3] =	dma.local [hbm:s29], $0x3E80  }
0x126: {  	_ =	swait.ge [sflag:s10], $0x3E80  }
0x127: {  	[sflag:s10] =	ssyncset.done $0x0  }
0x128: {  	[sflag:s10] =	ssyncadd.s32 $0xFFFFC180  }
0x129: {  	[hbm:s28], [sflag:s3] =	dma.local [spmem:s11], $0x3E80  }
0x12a: {  	_ =	swait.ge [sflag:s10], $0x3E80  }
0x12b: {  	[sflag:s10] =	ssyncset.done $0x0  }
0x12c: {  	[sflag:s10] =	ssyncadd.s32 $0xFFFFC180  }
0x12d: {  	[spmem:s11], [sflag:s3] =	dma.local [hbm:s26], $0x3E80  }
0x12e: {  	_ =	swait.ge [sflag:s10], $0x3E80  }
0x12f: {  	[sflag:s10] =	ssyncset.done $0x0  }
0x130: {  	[sflag:s10] =	ssyncadd.s32 $0xFFFFC180  }
0x131: {  	[hbm:s25], [sflag:s3] =	dma.local [spmem:s11], $0x3E80  }
0x132: {  	_ =	swait.ge [sflag:s10], $0x3E80  }
0x133: {  	[sflag:s10] =	ssyncset.done $0x0  }
0x134: {  	[sflag:s10] =	ssyncadd.s32 $0xFFFFC180  }
0x135: {  	[spmem:s11], [sflag:s3] =	dma.local [hbm:s24], $0x3E80  }
0x136: {  	_ =	swait.ge [sflag:s10], $0x3E80  }
0x137: {  	[sflag:s10] =	ssyncset.done $0x0  }
0x138: {  	[sflag:s10] =	ssyncadd.s32 $0xFFFFC180  }
0x139: {  	[hbm:s23], [sflag:s3] =	dma.local [spmem:s11], $0x3E80  }
0x13a: {  	_ =	swait.ge [sflag:s10], $0x3E80  }
0x13b: {  	[sflag:s10] =	ssyncset.done $0x0  }
0x13c: {  	[sflag:s10] =	ssyncadd.s32 $0xFFFFC180  }
0x13d: {  	[spmem:s11], [sflag:s3] =	dma.local [hbm:s22], $0x3E80  }
0x13e: {  	_ =	swait.ge [sflag:s10], $0x3E80  }
0x13f: {  	[sflag:s10] =	ssyncset.done $0x0  }
0x140: {  	[sflag:s10] =	ssyncadd.s32 $0xFFFFC180  }
0x141: {  	[hbm:s20], [sflag:s3] =	dma.local [spmem:s11], $0x3E80  }
0x142: {  	_ =	swait.ge [sflag:s10], $0x3E80  }
0x143: {  	[sflag:s10] =	ssyncset.done $0x0  }
0x144: {  	[sflag:s10] =	ssyncadd.s32 $0xFFFFC180  }
0x145: {  	[spmem:s11], [sflag:s3] =	dma.local [hbm:s19], $0x3E80  }
0x146: {  	_ =	swait.ge [sflag:s10], $0x3E80  }
0x147: {  	[sflag:s10] =	ssyncset.done $0x0  }
0x148: {  	[sflag:s10] =	ssyncadd.s32 $0xFFFFC180  }
0x149: {  	[hbm:s18], [sflag:s3] =	dma.local [spmem:s11], $0x3E80  }
0x14a: {  	_ =	swait.ge [sflag:s10], $0x3E80  }
0x14b: {  	[sflag:s10] =	ssyncset.done $0x0  }
0x14c: {  	[sflag:s10] =	ssyncadd.s32 $0xFFFFC180  }
0x14d: {  	[spmem:s11], [sflag:s3] =	dma.local [hbm:s17], $0x3E80  }
0x14e: {  	_ =	swait.ge [sflag:s10], $0x3E80  }
0x14f: {  	[sflag:s10] =	ssyncset.done $0x0  }
0x150: {  	[sflag:s10] =	ssyncadd.s32 $0xFFFFC180  }
0x151: {  	[hbm:s16], [sflag:s3] =	dma.local [spmem:s11], $0x3E80  }
0x152: {  	_ =	swait.ge [sflag:s10], $0x3E80  }
0x153: {  	[sflag:s10] =	ssyncset.done $0x0  }
0x154: {  	s30 =	simm.s32 @!p1 $0x1;
	[sflag:s10] =	ssyncadd.s32 $0xFFFFC180  }
0x155: {  	[spmem:s21], [sflag:s3] =	dma.local @!p1 [hbm:s15], $0x3E80  }
0x156: {  	_ =	swait.ge @!p1 [sflag:s30], $0x3E80  }
0x157: {  	[sflag:s30] =	ssyncset.done @!p1 $0x0  }
0x158: {  	[sflag:s30] =	ssyncadd.s32 @!p1 $0xFFFFC180  }
0x159: {  	[hbm:s14], [sflag:s3] =	dma.local @!p1 [spmem:s21], $0x3E80  }
0x15a: {  	_ =	swait.ge @!p1 [sflag:s30], $0x3E80  }
0x15b: {  	[sflag:s30] =	ssyncset.done @!p1 $0x0  }
0x15c: {  	[sflag:s30] =	ssyncadd.s32 @!p1 $0xFFFFC180  }
0x15d: {  	[spmem:s11], [sflag:s3] =	dma.local [hbm:s13], $0x3E80  }
0x15e: {  	_ =	swait.ge [sflag:s10], $0x3E80  }
0x15f: {  	[sflag:s10] =	ssyncset.done $0x0  }
0x160: {  	[sflag:s10] =	ssyncadd.s32 $0xFFFFC180  }
0x161: {  	[hbm:s12], [sflag:s3] =	dma.local [spmem:s11], $0x3E80  }
0x162: {  	_ =	swait.ge [sflag:s10], $0x3E80  }
0x163: {  	[sflag:s10] =	ssyncset.done $0x0  }
0x164: {  	[sflag:s10] =	ssyncadd.s32 $0xFFFFC180  }
0x165: {  	[spmem:s11], [sflag:s3] =	dma.local [hbm:s9], $0x3E80  }
0x166: {  	_ =	swait.ge [sflag:s10], $0x3E80  }
0x167: {  	[sflag:s10] =	ssyncset.done $0x0  }
0x168: {  	[sflag:s10] =	ssyncadd.s32 $0xFFFFC180  }
0x169: {  	[hbm:s8], [sflag:s3] =	dma.local [spmem:s11], $0x3E80  }
0x16a: {  	_ =	swait.ge [sflag:s10], $0x3E80  }
0x16b: {  	[sflag:s10] =	ssyncset.done $0x0  }
0x16c: {  	[sflag:s10] =	ssyncadd.s32 $0xFFFFC180  }
0x16d: {  	[spmem:s11], [sflag:s3] =	dma.local [hbm:s6], $0x3E80  }
0x16e: {  	_ =	swait.ge [sflag:s10], $0x3E80  }
0x16f: {  	[sflag:s10] =	ssyncset.done $0x0  }
0x170: {  	[sflag:s10] =	ssyncadd.s32 $0xFFFFC180  }
0x171: {  	[hbm:s5], [sflag:s3] =	dma.local [spmem:s11], $0x3E80  }
0x172: {  	_ =	swait.ge [sflag:s10], $0x3E80  }
0x173: {  	[sflag:s10] =	ssyncset.done $0x0  }
0x174: {  	s31 =	simm.s32 @!p0 $0x1;
	s1 =	sadd.s32 $0xFFFFFFFF, s1;
	[sflag:s10] =	ssyncadd.s32 $0xFFFFC180  }
0x175: {  	[spmem:s7], [sflag:s3] =	dma.local @!p0 [hbm:s4], $0x3E80  }
0x176: {  	p3 =	sne.s32 s1, $0x0;
	_ =	swait.ge @!p0 [sflag:s31], $0x3E80  }
.Ltmp1:
0x177: {  	[sflag:s31] =	ssyncset.done @!p0 $0x0;
	(pc) =	sbr.rel @!p3 .LBB2_4-.Ltmp1, $4  }
0x178: {  	[sflag:s31] =	ssyncadd.s32 @!p0 $0xFFFFC180  }
0x179: {  	[hbm:s2], [sflag:s3] =	dma.local @!p0 [spmem:s7], $0x3E80  }
0x17a: {  	_ =	swait.ge @!p0 [sflag:s31], $0x3E80  }
0x17b: {  	p2 =	por $0x1, $0x1;
	s0 =	rddreg [dreg:$0x4];
	[sflag:s31] =	ssyncset.done @!p0 $0x0  }
.LBB2_3:
0x17c: {  	[sflag:s31] =	ssyncadd.s32 @!p0 $0xFFFFC180  }
0x17d: {  	[spmem:s11], [sflag:s3] =	dma.local [hbm:s0], $0x3E80  }
0x17e: {  	_ =	swait.ge [sflag:s10], $0x3E80  }
0x17f: {  	[sflag:s10] =	ssyncset.done $0x0  }
0x180: {  	s0 =	rddreg [dreg:$0x5];
	[sflag:s10] =	ssyncadd.s32 $0xFFFFC180  }
0x181: {  	[hbm:s0], [sflag:s3] =	dma.local [spmem:s11], $0x3E80  }
0x182: {  	_ =	swait.ge [sflag:s10], $0x3E80  }
0x183: {  	[sflag:s10] =	ssyncset.done $0x0  }
0x184: {  	s0 =	rddreg [dreg:$0x6];
	[sflag:s10] =	ssyncadd.s32 $0xFFFFC180  }
0x185: {  	[spmem:s11], [sflag:s3] =	dma.local [hbm:s0], $0x3E80  }
0x186: {  	_ =	swait.ge [sflag:s10], $0x3E80  }
0x187: {  	[sflag:s10] =	ssyncset.done $0x0  }
0x188: {  	s0 =	rddreg [dreg:$0x7];
	[sflag:s10] =	ssyncadd.s32 $0xFFFFC180  }
0x189: {  	[hbm:s0], [sflag:s3] =	dma.local [spmem:s11], $0x3E80  }
0x18a: {  	_ =	swait.ge [sflag:s10], $0x3E80  }
0x18b: {  	[sflag:s10] =	ssyncset.done $0x0  }
0x18c: {  	s0 =	rddreg [dreg:$0x8];
	[sflag:s10] =	ssyncadd.s32 $0xFFFFC180  }
0x18d: {  	[spmem:s11], [sflag:s3] =	dma.local [hbm:s0], $0x3E80  }
0x18e: {  	_ =	swait.ge [sflag:s10], $0x3E80  }
0x18f: {  	[sflag:s10] =	ssyncset.done $0x0  }
0x190: {  	s0 =	rddreg [dreg:$0x9];
	[sflag:s10] =	ssyncadd.s32 $0xFFFFC180  }
0x191: {  	[hbm:s0], [sflag:s3] =	dma.local [spmem:s11], $0x3E80  }
0x192: {  	_ =	swait.ge [sflag:s10], $0x3E80  }
0x193: {  	[sflag:s10] =	ssyncset.done $0x0  }
0x194: {  	s0 =	rddreg [dreg:$0xa];
	[sflag:s10] =	ssyncadd.s32 $0xFFFFC180  }
0x195: {  	[spmem:s11], [sflag:s3] =	dma.local [hbm:s0], $0x3E80  }
0x196: {  	_ =	swait.ge [sflag:s10], $0x3E80  }
0x197: {  	[sflag:s10] =	ssyncset.done $0x0  }
0x198: {  	s0 =	rddreg [dreg:$0xb];
	[sflag:s10] =	ssyncadd.s32 $0xFFFFC180  }
0x199: {  	[hbm:s0], [sflag:s3] =	dma.local [spmem:s11], $0x3E80  }
0x19a: {  	_ =	swait.ge [sflag:s10], $0x3E80  }
0x19b: {  	[sflag:s10] =	ssyncset.done $0x0  }
0x19c: {  	s0 =	rddreg [dreg:$0xc];
	[sflag:s10] =	ssyncadd.s32 $0xFFFFC180  }
0x19d: {  	[spmem:s11], [sflag:s3] =	dma.local [hbm:s0], $0x3E80  }
0x19e: {  	_ =	swait.ge [sflag:s10], $0x3E80  }
0x19f: {  	[sflag:s10] =	ssyncset.done $0x0  }
0x1a0: {  	s0 =	rddreg [dreg:$0xd];
	[sflag:s10] =	ssyncadd.s32 $0xFFFFC180  }
0x1a1: {  	[hbm:s0], [sflag:s3] =	dma.local [spmem:s11], $0x3E80  }
0x1a2: {  	_ =	swait.ge [sflag:s10], $0x3E80  }
0x1a3: {  	[sflag:s10] =	ssyncset.done $0x0  }
0x1a4: {  	s0 =	rddreg [dreg:$0xe];
	[sflag:s10] =	ssyncadd.s32 $0xFFFFC180  }
0x1a5: {  	[spmem:s11], [sflag:s3] =	dma.local [hbm:s0], $0x3E80  }
0x1a6: {  	_ =	swait.ge [sflag:s10], $0x3E80  }
0x1a7: {  	[sflag:s10] =	ssyncset.done $0x0  }
0x1a8: {  	s0 =	rddreg [dreg:$0xf];
	[sflag:s10] =	ssyncadd.s32 $0xFFFFC180  }
0x1a9: {  	[hbm:s0], [sflag:s3] =	dma.local [spmem:s11], $0x3E80  }
0x1aa: {  	_ =	swait.ge [sflag:s10], $0x3E80  }
0x1ab: {  	[sflag:s10] =	ssyncset.done $0x0  }
0x1ac: {  	s0 =	rddreg [dreg:$0x10];
	[sflag:s10] =	ssyncadd.s32 $0xFFFFC180  }
0x1ad: {  	[spmem:s11], [sflag:s3] =	dma.local [hbm:s0], $0x3E80  }
0x1ae: {  	_ =	swait.ge [sflag:s10], $0x3E80  }
0x1af: {  	[sflag:s10] =	ssyncset.done $0x0  }
0x1b0: {  	s0 =	rddreg [dreg:$0x11];
	[sflag:s10] =	ssyncadd.s32 $0xFFFFC180  }
0x1b1: {  	[hbm:s0], [sflag:s3] =	dma.local [spmem:s11], $0x3E80  }
0x1b2: {  	_ =	swait.ge [sflag:s10], $0x3E80  }
0x1b3: {  	[sflag:s10] =	ssyncset.done $0x0  }
0x1b4: {  	s0 =	rddreg [dreg:$0x12];
	[sflag:s10] =	ssyncadd.s32 $0xFFFFC180  }
0x1b5: {  	[spmem:s11], [sflag:s3] =	dma.local [hbm:s0], $0x3E80  }
0x1b6: {  	_ =	swait.ge [sflag:s10], $0x3E80  }
0x1b7: {  	[sflag:s10] =	ssyncset.done $0x0  }
0x1b8: {  	s0 =	rddreg [dreg:$0x13];
	[sflag:s10] =	ssyncadd.s32 $0xFFFFC180  }
0x1b9: {  	[hbm:s0], [sflag:s3] =	dma.local [spmem:s11], $0x3E80  }
0x1ba: {  	_ =	swait.ge [sflag:s10], $0x3E80  }
0x1bb: {  	[sflag:s10] =	ssyncset.done $0x0  }
0x1bc: {  	s0 =	rddreg [dreg:$0x14];
	[sflag:s10] =	ssyncadd.s32 $0xFFFFC180  }
0x1bd: {  	[spmem:s11], [sflag:s3] =	dma.local [hbm:s0], $0x3E80  }
0x1be: {  	_ =	swait.ge [sflag:s10], $0x3E80  }
0x1bf: {  	[sflag:s10] =	ssyncset.done $0x0  }
0x1c0: {  	s0 =	rddreg [dreg:$0x15];
	[sflag:s10] =	ssyncadd.s32 $0xFFFFC180  }
0x1c1: {  	[hbm:s0], [sflag:s3] =	dma.local [spmem:s11], $0x3E80  }
0x1c2: {  	_ =	swait.ge [sflag:s10], $0x3E80  }
0x1c3: {  	[sflag:s10] =	ssyncset.done $0x0  }
0x1c4: {  	s0 =	rddreg [dreg:$0x16];
	[sflag:s10] =	ssyncadd.s32 $0xFFFFC180  }
0x1c5: {  	[spmem:s11], [sflag:s3] =	dma.local [hbm:s0], $0x3E80  }
0x1c6: {  	_ =	swait.ge [sflag:s10], $0x3E80  }
0x1c7: {  	[sflag:s10] =	ssyncset.done $0x0  }
0x1c8: {  	s0 =	rddreg [dreg:$0x17];
	[sflag:s10] =	ssyncadd.s32 $0xFFFFC180  }
0x1c9: {  	[hbm:s0], [sflag:s3] =	dma.local [spmem:s11], $0x3E80  }
0x1ca: {  	_ =	swait.ge [sflag:s10], $0x3E80  }
0x1cb: {  	[sflag:s10] =	ssyncset.done $0x0  }
0x1cc: {  	s0 =	rddreg [dreg:$0x18];
	[sflag:s10] =	ssyncadd.s32 $0xFFFFC180  }
0x1cd: {  	[spmem:s11], [sflag:s3] =	dma.local [hbm:s0], $0x3E80  }
0x1ce: {  	_ =	swait.ge [sflag:s10], $0x3E80  }
0x1cf: {  	[sflag:s10] =	ssyncset.done $0x0  }
0x1d0: {  	s0 =	rddreg [dreg:$0x19];
	[sflag:s10] =	ssyncadd.s32 $0xFFFFC180  }
0x1d1: {  	[hbm:s0], [sflag:s3] =	dma.local [spmem:s11], $0x3E80  }
0x1d2: {  	_ =	swait.ge [sflag:s10], $0x3E80  }
0x1d3: {  	[sflag:s10] =	ssyncset.done $0x0  }
0x1d4: {  	s0 =	rddreg [dreg:$0x1a];
	[sflag:s10] =	ssyncadd.s32 $0xFFFFC180  }
0x1d5: {  	[spmem:s11], [sflag:s3] =	dma.local [hbm:s0], $0x3E80  }
0x1d6: {  	_ =	swait.ge [sflag:s10], $0x3E80  }
0x1d7: {  	[sflag:s10] =	ssyncset.done $0x0  }
0x1d8: {  	s0 =	rddreg [dreg:$0x1b];
	[sflag:s10] =	ssyncadd.s32 $0xFFFFC180  }
0x1d9: {  	[hbm:s0], [sflag:s3] =	dma.local [spmem:s11], $0x3E80  }
0x1da: {  	_ =	swait.ge [sflag:s10], $0x3E80  }
0x1db: {  	[sflag:s10] =	ssyncset.done $0x0  }
0x1dc: {  	s0 =	rddreg [dreg:$0x1c];
	[sflag:s10] =	ssyncadd.s32 $0xFFFFC180  }
0x1dd: {  	[spmem:s11], [sflag:s3] =	dma.local [hbm:s0], $0x3E80  }
0x1de: {  	_ =	swait.ge [sflag:s10], $0x3E80  }
0x1df: {  	[sflag:s10] =	ssyncset.done $0x0  }
0x1e0: {  	s0 =	rddreg [dreg:$0x1d];
	[sflag:s10] =	ssyncadd.s32 $0xFFFFC180  }
0x1e1: {  	[hbm:s0], [sflag:s3] =	dma.local [spmem:s11], $0x3E80  }
0x1e2: {  	_ =	swait.ge [sflag:s10], $0x3E80  }
0x1e3: {  	[sflag:s10] =	ssyncset.done $0x0  }
0x1e4: {  	s0 =	rddreg [dreg:$0x1e];
	[sflag:s10] =	ssyncadd.s32 $0xFFFFC180  }
0x1e5: {  	[spmem:s11], [sflag:s3] =	dma.local [hbm:s0], $0x3E80  }
0x1e6: {  	_ =	swait.ge [sflag:s10], $0x3E80  }
0x1e7: {  	[sflag:s10] =	ssyncset.done $0x0  }
0x1e8: {  	s0 =	rddreg [dreg:$0x1f];
	[sflag:s10] =	ssyncadd.s32 $0xFFFFC180  }
0x1e9: {  	[hbm:s0], [sflag:s3] =	dma.local [spmem:s11], $0x3E80  }
0x1ea: {  	_ =	swait.ge [sflag:s10], $0x3E80  }
0x1eb: {  	s0 =	sld [smem:$0x7E8]  }
0x1ec: {  	[sflag:s10] =	ssyncset.done $0x0  }
0x1ed: {  	[sflag:s10] =	ssyncadd.s32 $0xFFFFC180  }
0x1ee: {  	[spmem:s11], [sflag:s3] =	dma.local [hbm:s0], $0x3E80  }
0x1ef: {  	_ =	swait.ge [sflag:s10], $0x3E80  }
0x1f0: {  	s0 =	sld [smem:$0x7E9]  }
0x1f1: {  	[sflag:s10] =	ssyncset.done $0x0  }
0x1f2: {  	[sflag:s10] =	ssyncadd.s32 $0xFFFFC180  }
0x1f3: {  	[hbm:s0], [sflag:s3] =	dma.local [spmem:s11], $0x3E80  }
0x1f4: {  	_ =	swait.ge [sflag:s10], $0x3E80  }
0x1f5: {  	s0 =	sld [smem:$0x7EA]  }
0x1f6: {  	[sflag:s10] =	ssyncset.done $0x0  }
0x1f7: {  	[sflag:s10] =	ssyncadd.s32 $0xFFFFC180  }
0x1f8: {  	[spmem:s11], [sflag:s3] =	dma.local [hbm:s0], $0x3E80  }
0x1f9: {  	_ =	swait.ge [sflag:s10], $0x3E80  }
0x1fa: {  	s0 =	sld [smem:$0x7EB]  }
0x1fb: {  	[sflag:s10] =	ssyncset.done $0x0  }
0x1fc: {  	[sflag:s10] =	ssyncadd.s32 $0xFFFFC180  }
0x1fd: {  	[hbm:s0], [sflag:s3] =	dma.local [spmem:s11], $0x3E80  }
0x1fe: {  	_ =	swait.ge [sflag:s10], $0x3E80  }
0x1ff: {  	s0 =	sld [smem:$0x7EC]  }
0x200: {  	[sflag:s10] =	ssyncset.done $0x0  }
0x201: {  	[sflag:s10] =	ssyncadd.s32 $0xFFFFC180  }
0x202: {  	[spmem:s11], [sflag:s3] =	dma.local [hbm:s0], $0x3E80  }
0x203: {  	_ =	swait.ge [sflag:s10], $0x3E80  }
0x204: {  	s0 =	sld [smem:$0x7ED]  }
0x205: {  	[sflag:s10] =	ssyncset.done $0x0  }
0x206: {  	[sflag:s10] =	ssyncadd.s32 $0xFFFFC180  }
0x207: {  	[hbm:s0], [sflag:s3] =	dma.local [spmem:s11], $0x3E80  }
0x208: {  	_ =	swait.ge [sflag:s10], $0x3E80  }
0x209: {  	s0 =	sld [smem:$0x7EE]  }
0x20a: {  	[sflag:s10] =	ssyncset.done $0x0  }
0x20b: {  	[sflag:s10] =	ssyncadd.s32 $0xFFFFC180  }
0x20c: {  	[spmem:s11], [sflag:s3] =	dma.local [hbm:s0], $0x3E80  }
0x20d: {  	_ =	swait.ge [sflag:s10], $0x3E80  }
0x20e: {  	s0 =	sld [smem:$0x7EF]  }
0x20f: {  	[sflag:s10] =	ssyncset.done $0x0  }
0x210: {  	[sflag:s10] =	ssyncadd.s32 $0xFFFFC180  }
0x211: {  	[hbm:s0], [sflag:s3] =	dma.local [spmem:s11], $0x3E80  }
0x212: {  	_ =	swait.ge [sflag:s10], $0x3E80  }
0x213: {  	s0 =	sld [smem:$0x7F0]  }
0x214: {  	[sflag:s10] =	ssyncset.done $0x0  }
0x215: {  	[sflag:s10] =	ssyncadd.s32 $0xFFFFC180  }
0x216: {  	[spmem:s11], [sflag:s3] =	dma.local [hbm:s0], $0x3E80  }
0x217: {  	_ =	swait.ge [sflag:s10], $0x3E80  }
0x218: {  	s0 =	sld [smem:$0x7F1]  }
0x219: {  	[sflag:s10] =	ssyncset.done $0x0  }
0x21a: {  	[sflag:s10] =	ssyncadd.s32 $0xFFFFC180  }
0x21b: {  	[hbm:s0], [sflag:s3] =	dma.local [spmem:s11], $0x3E80  }
0x21c: {  	_ =	swait.ge [sflag:s10], $0x3E80  }
0x21d: {  	s0 =	sld [smem:$0x7F2]  }
0x21e: {  	[sflag:s10] =	ssyncset.done $0x0  }
0x21f: {  	[sflag:s10] =	ssyncadd.s32 $0xFFFFC180  }
0x220: {  	[spmem:s11], [sflag:s3] =	dma.local [hbm:s0], $0x3E80  }
0x221: {  	_ =	swait.ge [sflag:s10], $0x3E80  }
0x222: {  	s0 =	sld [smem:$0x7F3]  }
0x223: {  	[sflag:s10] =	ssyncset.done $0x0  }
0x224: {  	[sflag:s10] =	ssyncadd.s32 $0xFFFFC180  }
0x225: {  	[hbm:s0], [sflag:s3] =	dma.local [spmem:s11], $0x3E80  }
0x226: {  	_ =	swait.ge [sflag:s10], $0x3E80  }
0x227: {  	s0 =	sld [smem:$0x7F4]  }
0x228: {  	[sflag:s10] =	ssyncset.done $0x0  }
0x229: {  	[sflag:s10] =	ssyncadd.s32 $0xFFFFC180  }
0x22a: {  	[spmem:s11], [sflag:s3] =	dma.local [hbm:s0], $0x3E80  }
0x22b: {  	_ =	swait.ge [sflag:s10], $0x3E80  }
0x22c: {  	s0 =	sld [smem:$0x7F5]  }
0x22d: {  	[sflag:s10] =	ssyncset.done $0x0  }
0x22e: {  	[sflag:s10] =	ssyncadd.s32 $0xFFFFC180  }
0x22f: {  	[hbm:s0], [sflag:s3] =	dma.local [spmem:s11], $0x3E80  }
0x230: {  	_ =	swait.ge [sflag:s10], $0x3E80  }
0x231: {  	s0 =	sld [smem:$0x7F6]  }
0x232: {  	[sflag:s10] =	ssyncset.done $0x0  }
0x233: {  	[sflag:s10] =	ssyncadd.s32 $0xFFFFC180  }
0x234: {  	[spmem:s11], [sflag:s3] =	dma.local [hbm:s0], $0x3E80  }
0x235: {  	_ =	swait.ge [sflag:s10], $0x3E80  }
0x236: {  	s0 =	sld [smem:$0x7F7]  }
0x237: {  	[sflag:s10] =	ssyncset.done $0x0  }
0x238: {  	[sflag:s10] =	ssyncadd.s32 $0xFFFFC180  }
0x239: {  	[hbm:s0], [sflag:s3] =	dma.local [spmem:s11], $0x3E80  }
0x23a: {  	_ =	swait.ge [sflag:s10], $0x3E80  }
0x23b: {  	s0 =	sld [smem:$0x7F8]  }
0x23c: {  	[sflag:s10] =	ssyncset.done $0x0  }
0x23d: {  	[sflag:s10] =	ssyncadd.s32 $0xFFFFC180  }
0x23e: {  	[spmem:s11], [sflag:s3] =	dma.local [hbm:s0], $0x3E80  }
0x23f: {  	_ =	swait.ge [sflag:s10], $0x3E80  }
0x240: {  	s0 =	sld [smem:$0x7F9]  }
0x241: {  	[sflag:s10] =	ssyncset.done $0x0  }
0x242: {  	[sflag:s10] =	ssyncadd.s32 $0xFFFFC180  }
0x243: {  	[hbm:s0], [sflag:s3] =	dma.local [spmem:s11], $0x3E80  }
0x244: {  	_ =	swait.ge [sflag:s10], $0x3E80  }
0x245: {  	s0 =	sld [smem:$0x7FA]  }
0x246: {  	[sflag:s10] =	ssyncset.done $0x0  }
0x247: {  	[sflag:s10] =	ssyncadd.s32 $0xFFFFC180  }
0x248: {  	[spmem:s11], [sflag:s3] =	dma.local [hbm:s0], $0x3E80  }
0x249: {  	_ =	swait.ge [sflag:s10], $0x3E80  }
0x24a: {  	s0 =	sld [smem:$0x7FB]  }
0x24b: {  	[sflag:s10] =	ssyncset.done $0x0  }
0x24c: {  	[sflag:s10] =	ssyncadd.s32 $0xFFFFC180  }
0x24d: {  	[hbm:s0], [sflag:s3] =	dma.local [spmem:s11], $0x3E80  }
0x24e: {  	_ =	swait.ge [sflag:s10], $0x3E80  }
0x24f: {  	s0 =	sld [smem:$0x7FC]  }
0x250: {  	[sflag:s10] =	ssyncset.done $0x0  }
0x251: {  	[sflag:s10] =	ssyncadd.s32 $0xFFFFC180  }
0x252: {  	[spmem:s11], [sflag:s3] =	dma.local [hbm:s0], $0x3E80  }
0x253: {  	_ =	swait.ge [sflag:s10], $0x3E80  }
0x254: {  	s0 =	sld [smem:$0x7FD]  }
0x255: {  	[sflag:s10] =	ssyncset.done $0x0  }
0x256: {  	[sflag:s10] =	ssyncadd.s32 $0xFFFFC180  }
0x257: {  	[hbm:s0], [sflag:s3] =	dma.local [spmem:s11], $0x3E80  }
0x258: {  	_ =	swait.ge [sflag:s10], $0x3E80  }
0x259: {  	[sflag:s10] =	ssyncset.done $0x0  }
0x25a: {  	[sflag:s10] =	ssyncadd.s32 $0xFFFFC180  }
0x25b: {  	[spmem:s11], [sflag:s3] =	dma.local [hbm:s29], $0x3E80  }
0x25c: {  	_ =	swait.ge [sflag:s10], $0x3E80  }
0x25d: {  	[sflag:s10] =	ssyncset.done $0x0  }
0x25e: {  	[sflag:s10] =	ssyncadd.s32 $0xFFFFC180  }
0x25f: {  	[hbm:s28], [sflag:s3] =	dma.local [spmem:s11], $0x3E80  }
0x260: {  	_ =	swait.ge [sflag:s10], $0x3E80  }
0x261: {  	[sflag:s10] =	ssyncset.done $0x0  }
0x262: {  	[sflag:s10] =	ssyncadd.s32 $0xFFFFC180  }
0x263: {  	[spmem:s11], [sflag:s3] =	dma.local [hbm:s26], $0x3E80  }
0x264: {  	_ =	swait.ge [sflag:s10], $0x3E80  }
0x265: {  	[sflag:s10] =	ssyncset.done $0x0  }
0x266: {  	[sflag:s10] =	ssyncadd.s32 $0xFFFFC180  }
0x267: {  	[hbm:s25], [sflag:s3] =	dma.local [spmem:s11], $0x3E80  }
0x268: {  	_ =	swait.ge [sflag:s10], $0x3E80  }
0x269: {  	[sflag:s10] =	ssyncset.done $0x0  }
0x26a: {  	[sflag:s10] =	ssyncadd.s32 $0xFFFFC180  }
0x26b: {  	[spmem:s11], [sflag:s3] =	dma.local [hbm:s24], $0x3E80  }
0x26c: {  	_ =	swait.ge [sflag:s10], $0x3E80  }
0x26d: {  	[sflag:s10] =	ssyncset.done $0x0  }
0x26e: {  	[sflag:s10] =	ssyncadd.s32 $0xFFFFC180  }
0x26f: {  	[hbm:s23], [sflag:s3] =	dma.local [spmem:s11], $0x3E80  }
0x270: {  	_ =	swait.ge [sflag:s10], $0x3E80  }
0x271: {  	[sflag:s10] =	ssyncset.done $0x0  }
0x272: {  	[sflag:s10] =	ssyncadd.s32 $0xFFFFC180  }
0x273: {  	[spmem:s11], [sflag:s3] =	dma.local [hbm:s22], $0x3E80  }
0x274: {  	_ =	swait.ge [sflag:s10], $0x3E80  }
0x275: {  	[sflag:s10] =	ssyncset.done $0x0  }
0x276: {  	[sflag:s10] =	ssyncadd.s32 $0xFFFFC180  }
0x277: {  	[hbm:s20], [sflag:s3] =	dma.local [spmem:s11], $0x3E80  }
0x278: {  	_ =	swait.ge [sflag:s10], $0x3E80  }
0x279: {  	[sflag:s10] =	ssyncset.done $0x0  }
0x27a: {  	[sflag:s10] =	ssyncadd.s32 $0xFFFFC180  }
0x27b: {  	[spmem:s11], [sflag:s3] =	dma.local [hbm:s19], $0x3E80  }
0x27c: {  	_ =	swait.ge [sflag:s10], $0x3E80  }
0x27d: {  	[sflag:s10] =	ssyncset.done $0x0  }
0x27e: {  	[sflag:s10] =	ssyncadd.s32 $0xFFFFC180  }
0x27f: {  	[hbm:s18], [sflag:s3] =	dma.local [spmem:s11], $0x3E80  }
0x280: {  	_ =	swait.ge [sflag:s10], $0x3E80  }
0x281: {  	[sflag:s10] =	ssyncset.done $0x0  }
0x282: {  	[sflag:s10] =	ssyncadd.s32 $0xFFFFC180  }
0x283: {  	[spmem:s11], [sflag:s3] =	dma.local [hbm:s17], $0x3E80  }
0x284: {  	_ =	swait.ge [sflag:s10], $0x3E80  }
0x285: {  	[sflag:s10] =	ssyncset.done $0x0  }
0x286: {  	[sflag:s10] =	ssyncadd.s32 $0xFFFFC180  }
0x287: {  	[hbm:s16], [sflag:s3] =	dma.local [spmem:s11], $0x3E80  }
0x288: {  	_ =	swait.ge [sflag:s10], $0x3E80  }
0x289: {  	[sflag:s10] =	ssyncset.done $0x0  }
0x28a: {  	[sflag:s10] =	ssyncadd.s32 $0xFFFFC180  }
0x28b: {  	[spmem:s21], [sflag:s3] =	dma.local @!p1 [hbm:s15], $0x3E80  }
0x28c: {  	_ =	swait.ge @!p1 [sflag:s30], $0x3E80  }
0x28d: {  	[sflag:s30] =	ssyncset.done @!p1 $0x0  }
0x28e: {  	[sflag:s30] =	ssyncadd.s32 @!p1 $0xFFFFC180  }
0x28f: {  	[hbm:s14], [sflag:s3] =	dma.local @!p1 [spmem:s21], $0x3E80  }
0x290: {  	_ =	swait.ge @!p1 [sflag:s30], $0x3E80  }
0x291: {  	[sflag:s30] =	ssyncset.done @!p1 $0x0  }
0x292: {  	[sflag:s30] =	ssyncadd.s32 @!p1 $0xFFFFC180  }
0x293: {  	[spmem:s11], [sflag:s3] =	dma.local [hbm:s13], $0x3E80  }
0x294: {  	_ =	swait.ge [sflag:s10], $0x3E80  }
0x295: {  	[sflag:s10] =	ssyncset.done $0x0  }
0x296: {  	[sflag:s10] =	ssyncadd.s32 $0xFFFFC180  }
0x297: {  	[hbm:s12], [sflag:s3] =	dma.local [spmem:s11], $0x3E80  }
0x298: {  	_ =	swait.ge [sflag:s10], $0x3E80  }
0x299: {  	[sflag:s10] =	ssyncset.done $0x0  }
0x29a: {  	[sflag:s10] =	ssyncadd.s32 $0xFFFFC180  }
0x29b: {  	[spmem:s11], [sflag:s3] =	dma.local [hbm:s9], $0x3E80  }
0x29c: {  	_ =	swait.ge [sflag:s10], $0x3E80  }
0x29d: {  	[sflag:s10] =	ssyncset.done $0x0  }
0x29e: {  	[sflag:s10] =	ssyncadd.s32 $0xFFFFC180  }
0x29f: {  	[hbm:s8], [sflag:s3] =	dma.local [spmem:s11], $0x3E80  }
0x2a0: {  	_ =	swait.ge [sflag:s10], $0x3E80  }
0x2a1: {  	[sflag:s10] =	ssyncset.done $0x0  }
0x2a2: {  	[sflag:s10] =	ssyncadd.s32 $0xFFFFC180  }
0x2a3: {  	[spmem:s11], [sflag:s3] =	dma.local [hbm:s6], $0x3E80  }
0x2a4: {  	_ =	swait.ge [sflag:s10], $0x3E80  }
0x2a5: {  	[sflag:s10] =	ssyncset.done $0x0  }
0x2a6: {  	[sflag:s10] =	ssyncadd.s32 $0xFFFFC180  }
0x2a7: {  	[hbm:s5], [sflag:s3] =	dma.local [spmem:s11], $0x3E80  }
0x2a8: {  	_ =	swait.ge [sflag:s10], $0x3E80  }
0x2a9: {  	[sflag:s10] =	ssyncset.done $0x0  }
0x2aa: {  	s1 =	sadd.s32 $0xFFFFFFFF, s1;
	[sflag:s10] =	ssyncadd.s32 $0xFFFFC180  }
0x2ab: {  	[spmem:s7], [sflag:s3] =	dma.local @!p0 [hbm:s4], $0x3E80  }
0x2ac: {  	p3 =	sne.s32 s1, $0x0;
	_ =	swait.ge @!p0 [sflag:s31], $0x3E80  }
.Ltmp2:
0x2ad: {  	[sflag:s31] =	ssyncset.done @!p0 $0x0;
	(pc) =	sbr.rel @p3 .LBB2_3-.Ltmp2, $4  }
0x2ae: {  	[sflag:s31] =	ssyncadd.s32 @!p0 $0xFFFFC180  }
0x2af: {  	[hbm:s2], [sflag:s3] =	dma.local @!p0 [spmem:s7], $0x3E80  }
0x2b0: {  	_ =	swait.ge @!p0 [sflag:s31], $0x3E80  }
0x2b1: {  	s0 =	rddreg [dreg:$0x4];
	[sflag:s31] =	ssyncset.done @!p0 $0x0  }
.LBB2_4:
0x2b2: {  	p2 =	por p0, !p2  }
0x2b3: {  	[sflag:s31] =	ssyncadd.s32 @!p2 $0xFFFFC180  }
0x2b4: {  	[spmem:s11], [sflag:s3] =	dma.local [hbm:s0], $0x3E80  }
0x2b5: {  	_ =	swait.ge [sflag:s10], $0x3E80  }
0x2b6: {  	[sflag:s10] =	ssyncset.done $0x0  }
0x2b7: {  	s30 =	rddreg [dreg:$0x5];
	[sflag:s10] =	ssyncadd.s32 $0xFFFFC180  }
0x2b8: {  	[hbm:s30], [sflag:s3] =	dma.local [spmem:s11], $0x3E80  }
0x2b9: {  	_ =	swait.ge [sflag:s10], $0x3E80  }
0x2ba: {  	[sflag:s10] =	ssyncset.done $0x0  }
0x2bb: {  	s31 =	rddreg [dreg:$0x6];
	[sflag:s10] =	ssyncadd.s32 $0xFFFFC180  }
0x2bc: {  	[spmem:s11], [sflag:s3] =	dma.local [hbm:s31], $0x3E80  }
0x2bd: {  	_ =	swait.ge [sflag:s10], $0x3E80  }
0x2be: {  	[sflag:s10] =	ssyncset.done $0x0  }
0x2bf: {  	s1 =	rddreg [dreg:$0x7];
	[sflag:s10] =	ssyncadd.s32 $0xFFFFC180  }
0x2c0: {  	[hbm:s1], [sflag:s3] =	dma.local [spmem:s11], $0x3E80  }
0x2c1: {  	_ =	swait.ge [sflag:s10], $0x3E80  }
0x2c2: {  	[sflag:s10] =	ssyncset.done $0x0  }
0x2c3: {  	s30 =	rddreg [dreg:$0x8];
	[sflag:s10] =	ssyncadd.s32 $0xFFFFC180  }
0x2c4: {  	[spmem:s11], [sflag:s3] =	dma.local [hbm:s30], $0x3E80  }
0x2c5: {  	_ =	swait.ge [sflag:s10], $0x3E80  }
0x2c6: {  	[sflag:s10] =	ssyncset.done $0x0  }
0x2c7: {  	s31 =	rddreg [dreg:$0x9];
	[sflag:s10] =	ssyncadd.s32 $0xFFFFC180  }
0x2c8: {  	[hbm:s31], [sflag:s3] =	dma.local [spmem:s11], $0x3E80  }
0x2c9: {  	_ =	swait.ge [sflag:s10], $0x3E80  }
0x2ca: {  	[sflag:s10] =	ssyncset.done $0x0  }
0x2cb: {  	s1 =	rddreg [dreg:$0xa];
	[sflag:s10] =	ssyncadd.s32 $0xFFFFC180  }
0x2cc: {  	[spmem:s11], [sflag:s3] =	dma.local [hbm:s1], $0x3E80  }
0x2cd: {  	_ =	swait.ge [sflag:s10], $0x3E80  }
0x2ce: {  	[sflag:s10] =	ssyncset.done $0x0  }
0x2cf: {  	s30 =	rddreg [dreg:$0xb];
	[sflag:s10] =	ssyncadd.s32 $0xFFFFC180  }
0x2d0: {  	[hbm:s30], [sflag:s3] =	dma.local [spmem:s11], $0x3E80  }
0x2d1: {  	_ =	swait.ge [sflag:s10], $0x3E80  }
0x2d2: {  	[sflag:s10] =	ssyncset.done $0x0  }
0x2d3: {  	s31 =	rddreg [dreg:$0xc];
	[sflag:s10] =	ssyncadd.s32 $0xFFFFC180  }
0x2d4: {  	[spmem:s11], [sflag:s3] =	dma.local [hbm:s31], $0x3E80  }
0x2d5: {  	_ =	swait.ge [sflag:s10], $0x3E80  }
0x2d6: {  	[sflag:s10] =	ssyncset.done $0x0  }
0x2d7: {  	s1 =	rddreg [dreg:$0xd];
	[sflag:s10] =	ssyncadd.s32 $0xFFFFC180  }
0x2d8: {  	[hbm:s1], [sflag:s3] =	dma.local [spmem:s11], $0x3E80  }
0x2d9: {  	_ =	swait.ge [sflag:s10], $0x3E80  }
0x2da: {  	[sflag:s10] =	ssyncset.done $0x0  }
0x2db: {  	s30 =	rddreg [dreg:$0xe];
	[sflag:s10] =	ssyncadd.s32 $0xFFFFC180  }
0x2dc: {  	[spmem:s11], [sflag:s3] =	dma.local [hbm:s30], $0x3E80  }
0x2dd: {  	_ =	swait.ge [sflag:s10], $0x3E80  }
0x2de: {  	[sflag:s10] =	ssyncset.done $0x0  }
0x2df: {  	s31 =	rddreg [dreg:$0xf];
	[sflag:s10] =	ssyncadd.s32 $0xFFFFC180  }
0x2e0: {  	[hbm:s31], [sflag:s3] =	dma.local [spmem:s11], $0x3E80  }
0x2e1: {  	_ =	swait.ge [sflag:s10], $0x3E80  }
0x2e2: {  	[sflag:s10] =	ssyncset.done $0x0  }
0x2e3: {  	s1 =	rddreg [dreg:$0x10];
	[sflag:s10] =	ssyncadd.s32 $0xFFFFC180  }
0x2e4: {  	[spmem:s11], [sflag:s3] =	dma.local [hbm:s1], $0x3E80  }
0x2e5: {  	_ =	swait.ge [sflag:s10], $0x3E80  }
0x2e6: {  	[sflag:s10] =	ssyncset.done $0x0  }
0x2e7: {  	s30 =	rddreg [dreg:$0x11];
	[sflag:s10] =	ssyncadd.s32 $0xFFFFC180  }
0x2e8: {  	[hbm:s30], [sflag:s3] =	dma.local [spmem:s11], $0x3E80  }
0x2e9: {  	_ =	swait.ge [sflag:s10], $0x3E80  }
0x2ea: {  	[sflag:s10] =	ssyncset.done $0x0  }
0x2eb: {  	s31 =	rddreg [dreg:$0x12];
	[sflag:s10] =	ssyncadd.s32 $0xFFFFC180  }
0x2ec: {  	[spmem:s11], [sflag:s3] =	dma.local [hbm:s31], $0x3E80  }
0x2ed: {  	_ =	swait.ge [sflag:s10], $0x3E80  }
0x2ee: {  	[sflag:s10] =	ssyncset.done $0x0  }
0x2ef: {  	s1 =	rddreg [dreg:$0x13];
	[sflag:s10] =	ssyncadd.s32 $0xFFFFC180  }
0x2f0: {  	[hbm:s1], [sflag:s3] =	dma.local [spmem:s11], $0x3E80  }
0x2f1: {  	_ =	swait.ge [sflag:s10], $0x3E80  }
0x2f2: {  	[sflag:s10] =	ssyncset.done $0x0  }
0x2f3: {  	s30 =	rddreg [dreg:$0x14];
	[sflag:s10] =	ssyncadd.s32 $0xFFFFC180  }
0x2f4: {  	[spmem:s11], [sflag:s3] =	dma.local [hbm:s30], $0x3E80  }
0x2f5: {  	_ =	swait.ge [sflag:s10], $0x3E80  }
0x2f6: {  	[sflag:s10] =	ssyncset.done $0x0  }
0x2f7: {  	s31 =	rddreg [dreg:$0x15];
	[sflag:s10] =	ssyncadd.s32 $0xFFFFC180  }
0x2f8: {  	[hbm:s31], [sflag:s3] =	dma.local [spmem:s11], $0x3E80  }
0x2f9: {  	_ =	swait.ge [sflag:s10], $0x3E80  }
0x2fa: {  	[sflag:s10] =	ssyncset.done $0x0  }
0x2fb: {  	s1 =	rddreg [dreg:$0x16];
	[sflag:s10] =	ssyncadd.s32 $0xFFFFC180  }
0x2fc: {  	[spmem:s11], [sflag:s3] =	dma.local [hbm:s1], $0x3E80  }
0x2fd: {  	_ =	swait.ge [sflag:s10], $0x3E80  }
0x2fe: {  	[sflag:s10] =	ssyncset.done $0x0  }
0x2ff: {  	s30 =	rddreg [dreg:$0x17];
	[sflag:s10] =	ssyncadd.s32 $0xFFFFC180  }
0x300: {  	[hbm:s30], [sflag:s3] =	dma.local [spmem:s11], $0x3E80  }
0x301: {  	_ =	swait.ge [sflag:s10], $0x3E80  }
0x302: {  	[sflag:s10] =	ssyncset.done $0x0  }
0x303: {  	s31 =	rddreg [dreg:$0x18];
	[sflag:s10] =	ssyncadd.s32 $0xFFFFC180  }
0x304: {  	[spmem:s11], [sflag:s3] =	dma.local [hbm:s31], $0x3E80  }
0x305: {  	_ =	swait.ge [sflag:s10], $0x3E80  }
0x306: {  	[sflag:s10] =	ssyncset.done $0x0  }
0x307: {  	s1 =	rddreg [dreg:$0x19];
	[sflag:s10] =	ssyncadd.s32 $0xFFFFC180  }
0x308: {  	[hbm:s1], [sflag:s3] =	dma.local [spmem:s11], $0x3E80  }
0x309: {  	_ =	swait.ge [sflag:s10], $0x3E80  }
0x30a: {  	[sflag:s10] =	ssyncset.done $0x0  }
0x30b: {  	s30 =	rddreg [dreg:$0x1a];
	[sflag:s10] =	ssyncadd.s32 $0xFFFFC180  }
0x30c: {  	[spmem:s11], [sflag:s3] =	dma.local [hbm:s30], $0x3E80  }
0x30d: {  	_ =	swait.ge [sflag:s10], $0x3E80  }
0x30e: {  	[sflag:s10] =	ssyncset.done $0x0  }
0x30f: {  	s31 =	rddreg [dreg:$0x1b];
	[sflag:s10] =	ssyncadd.s32 $0xFFFFC180  }
0x310: {  	[hbm:s31], [sflag:s3] =	dma.local [spmem:s11], $0x3E80  }
0x311: {  	_ =	swait.ge [sflag:s10], $0x3E80  }
0x312: {  	[sflag:s10] =	ssyncset.done $0x0  }
0x313: {  	s1 =	rddreg [dreg:$0x1c];
	[sflag:s10] =	ssyncadd.s32 $0xFFFFC180  }
0x314: {  	[spmem:s11], [sflag:s3] =	dma.local [hbm:s1], $0x3E80  }
0x315: {  	_ =	swait.ge [sflag:s10], $0x3E80  }
0x316: {  	[sflag:s10] =	ssyncset.done $0x0  }
0x317: {  	s30 =	rddreg [dreg:$0x1d];
	[sflag:s10] =	ssyncadd.s32 $0xFFFFC180  }
0x318: {  	[hbm:s30], [sflag:s3] =	dma.local [spmem:s11], $0x3E80  }
0x319: {  	_ =	swait.ge [sflag:s10], $0x3E80  }
0x31a: {  	[sflag:s10] =	ssyncset.done $0x0  }
0x31b: {  	s31 =	rddreg [dreg:$0x1e];
	[sflag:s10] =	ssyncadd.s32 $0xFFFFC180  }
0x31c: {  	[spmem:s11], [sflag:s3] =	dma.local [hbm:s31], $0x3E80  }
0x31d: {  	_ =	swait.ge [sflag:s10], $0x3E80  }
0x31e: {  	[sflag:s10] =	ssyncset.done $0x0  }
0x31f: {  	s1 =	rddreg [dreg:$0x1f];
	[sflag:s10] =	ssyncadd.s32 $0xFFFFC180  }
0x320: {  	[hbm:s1], [sflag:s3] =	dma.local [spmem:s11], $0x3E80  }
0x321: {  	_ =	swait.ge [sflag:s10], $0x3E80  }
0x322: {  	s30 =	sld [smem:$0x7E8]  }
0x323: {  	[sflag:s10] =	ssyncset.done $0x0  }
0x324: {  	[sflag:s10] =	ssyncadd.s32 $0xFFFFC180  }
0x325: {  	[spmem:s11], [sflag:s3] =	dma.local [hbm:s30], $0x3E80  }
0x326: {  	_ =	swait.ge [sflag:s10], $0x3E80  }
0x327: {  	s31 =	sld [smem:$0x7E9]  }
0x328: {  	[sflag:s10] =	ssyncset.done $0x0  }
0x329: {  	[sflag:s10] =	ssyncadd.s32 $0xFFFFC180  }
0x32a: {  	[hbm:s31], [sflag:s3] =	dma.local [spmem:s11], $0x3E80  }
0x32b: {  	_ =	swait.ge [sflag:s10], $0x3E80  }
0x32c: {  	s1 =	sld [smem:$0x7EA]  }
0x32d: {  	[sflag:s10] =	ssyncset.done $0x0  }
0x32e: {  	[sflag:s10] =	ssyncadd.s32 $0xFFFFC180  }
0x32f: {  	[spmem:s11], [sflag:s3] =	dma.local [hbm:s1], $0x3E80  }
0x330: {  	_ =	swait.ge [sflag:s10], $0x3E80  }
0x331: {  	s30 =	sld [smem:$0x7EB]  }
0x332: {  	[sflag:s10] =	ssyncset.done $0x0  }
0x333: {  	[sflag:s10] =	ssyncadd.s32 $0xFFFFC180  }
0x334: {  	[hbm:s30], [sflag:s3] =	dma.local [spmem:s11], $0x3E80  }
0x335: {  	_ =	swait.ge [sflag:s10], $0x3E80  }
0x336: {  	s31 =	sld [smem:$0x7EC]  }
0x337: {  	[sflag:s10] =	ssyncset.done $0x0  }
0x338: {  	[sflag:s10] =	ssyncadd.s32 $0xFFFFC180  }
0x339: {  	[spmem:s11], [sflag:s3] =	dma.local [hbm:s31], $0x3E80  }
0x33a: {  	_ =	swait.ge [sflag:s10], $0x3E80  }
0x33b: {  	s1 =	sld [smem:$0x7ED]  }
0x33c: {  	[sflag:s10] =	ssyncset.done $0x0  }
0x33d: {  	[sflag:s10] =	ssyncadd.s32 $0xFFFFC180  }
0x33e: {  	[hbm:s1], [sflag:s3] =	dma.local [spmem:s11], $0x3E80  }
0x33f: {  	_ =	swait.ge [sflag:s10], $0x3E80  }
0x340: {  	s30 =	sld [smem:$0x7EE]  }
0x341: {  	[sflag:s10] =	ssyncset.done $0x0  }
0x342: {  	[sflag:s10] =	ssyncadd.s32 $0xFFFFC180  }
0x343: {  	[spmem:s11], [sflag:s3] =	dma.local [hbm:s30], $0x3E80  }
0x344: {  	_ =	swait.ge [sflag:s10], $0x3E80  }
0x345: {  	s31 =	sld [smem:$0x7EF]  }
0x346: {  	[sflag:s10] =	ssyncset.done $0x0  }
0x347: {  	[sflag:s10] =	ssyncadd.s32 $0xFFFFC180  }
0x348: {  	[hbm:s31], [sflag:s3] =	dma.local [spmem:s11], $0x3E80  }
0x349: {  	_ =	swait.ge [sflag:s10], $0x3E80  }
0x34a: {  	s1 =	sld [smem:$0x7F0]  }
0x34b: {  	[sflag:s10] =	ssyncset.done $0x0  }
0x34c: {  	[sflag:s10] =	ssyncadd.s32 $0xFFFFC180  }
0x34d: {  	[spmem:s11], [sflag:s3] =	dma.local [hbm:s1], $0x3E80  }
0x34e: {  	_ =	swait.ge [sflag:s10], $0x3E80  }
0x34f: {  	s30 =	sld [smem:$0x7F1]  }
0x350: {  	[sflag:s10] =	ssyncset.done $0x0  }
0x351: {  	[sflag:s10] =	ssyncadd.s32 $0xFFFFC180  }
0x352: {  	[hbm:s30], [sflag:s3] =	dma.local [spmem:s11], $0x3E80  }
0x353: {  	_ =	swait.ge [sflag:s10], $0x3E80  }
0x354: {  	s31 =	sld [smem:$0x7F2]  }
0x355: {  	[sflag:s10] =	ssyncset.done $0x0  }
0x356: {  	[sflag:s10] =	ssyncadd.s32 $0xFFFFC180  }
0x357: {  	[spmem:s11], [sflag:s3] =	dma.local [hbm:s31], $0x3E80  }
0x358: {  	_ =	swait.ge [sflag:s10], $0x3E80  }
0x359: {  	s1 =	sld [smem:$0x7F3]  }
0x35a: {  	[sflag:s10] =	ssyncset.done $0x0  }
0x35b: {  	[sflag:s10] =	ssyncadd.s32 $0xFFFFC180  }
0x35c: {  	[hbm:s1], [sflag:s3] =	dma.local [spmem:s11], $0x3E80  }
0x35d: {  	_ =	swait.ge [sflag:s10], $0x3E80  }
0x35e: {  	s30 =	sld [smem:$0x7F4]  }
0x35f: {  	[sflag:s10] =	ssyncset.done $0x0  }
0x360: {  	[sflag:s10] =	ssyncadd.s32 $0xFFFFC180  }
0x361: {  	[spmem:s11], [sflag:s3] =	dma.local [hbm:s30], $0x3E80  }
0x362: {  	_ =	swait.ge [sflag:s10], $0x3E80  }
0x363: {  	s31 =	sld [smem:$0x7F5]  }
0x364: {  	[sflag:s10] =	ssyncset.done $0x0  }
0x365: {  	[sflag:s10] =	ssyncadd.s32 $0xFFFFC180  }
0x366: {  	[hbm:s31], [sflag:s3] =	dma.local [spmem:s11], $0x3E80  }
0x367: {  	_ =	swait.ge [sflag:s10], $0x3E80  }
0x368: {  	s1 =	sld [smem:$0x7F6]  }
0x369: {  	[sflag:s10] =	ssyncset.done $0x0  }
0x36a: {  	[sflag:s10] =	ssyncadd.s32 $0xFFFFC180  }
0x36b: {  	[spmem:s11], [sflag:s3] =	dma.local [hbm:s1], $0x3E80  }
0x36c: {  	_ =	swait.ge [sflag:s10], $0x3E80  }
0x36d: {  	s30 =	sld [smem:$0x7F7]  }
0x36e: {  	[sflag:s10] =	ssyncset.done $0x0  }
0x36f: {  	[sflag:s10] =	ssyncadd.s32 $0xFFFFC180  }
0x370: {  	[hbm:s30], [sflag:s3] =	dma.local [spmem:s11], $0x3E80  }
0x371: {  	_ =	swait.ge [sflag:s10], $0x3E80  }
0x372: {  	s31 =	sld [smem:$0x7F8]  }
0x373: {  	[sflag:s10] =	ssyncset.done $0x0  }
0x374: {  	[sflag:s10] =	ssyncadd.s32 $0xFFFFC180  }
0x375: {  	[spmem:s11], [sflag:s3] =	dma.local [hbm:s31], $0x3E80  }
0x376: {  	_ =	swait.ge [sflag:s10], $0x3E80  }
0x377: {  	s1 =	sld [smem:$0x7F9]  }
0x378: {  	[sflag:s10] =	ssyncset.done $0x0  }
0x379: {  	[sflag:s10] =	ssyncadd.s32 $0xFFFFC180  }
0x37a: {  	[hbm:s1], [sflag:s3] =	dma.local [spmem:s11], $0x3E80  }
0x37b: {  	_ =	swait.ge [sflag:s10], $0x3E80  }
0x37c: {  	s30 =	sld [smem:$0x7FA]  }
0x37d: {  	[sflag:s10] =	ssyncset.done $0x0  }
0x37e: {  	[sflag:s10] =	ssyncadd.s32 $0xFFFFC180  }
0x37f: {  	[spmem:s11], [sflag:s3] =	dma.local [hbm:s30], $0x3E80  }
0x380: {  	_ =	swait.ge [sflag:s10], $0x3E80  }
0x381: {  	s31 =	sld [smem:$0x7FB]  }
0x382: {  	[sflag:s10] =	ssyncset.done $0x0  }
0x383: {  	[sflag:s10] =	ssyncadd.s32 $0xFFFFC180  }
0x384: {  	[hbm:s31], [sflag:s3] =	dma.local [spmem:s11], $0x3E80  }
0x385: {  	_ =	swait.ge [sflag:s10], $0x3E80  }
0x386: {  	s1 =	sld [smem:$0x7FC]  }
0x387: {  	[sflag:s10] =	ssyncset.done $0x0  }
0x388: {  	[sflag:s10] =	ssyncadd.s32 $0xFFFFC180  }
0x389: {  	[spmem:s11], [sflag:s3] =	dma.local [hbm:s1], $0x3E80  }
0x38a: {  	_ =	swait.ge [sflag:s10], $0x3E80  }
0x38b: {  	s30 =	sld [smem:$0x7FD]  }
0x38c: {  	[sflag:s10] =	ssyncset.done $0x0  }
0x38d: {  	[sflag:s10] =	ssyncadd.s32 $0xFFFFC180  }
0x38e: {  	[hbm:s30], [sflag:s3] =	dma.local [spmem:s11], $0x3E80  }
0x38f: {  	_ =	swait.ge [sflag:s10], $0x3E80  }
0x390: {  	[sflag:s10] =	ssyncset.done $0x0  }
0x391: {  	[sflag:s10] =	ssyncadd.s32 $0xFFFFC180  }
0x392: {  	[spmem:s11], [sflag:s3] =	dma.local [hbm:s29], $0x3E80  }
0x393: {  	_ =	swait.ge [sflag:s10], $0x3E80  }
0x394: {  	[sflag:s10] =	ssyncset.done $0x0  }
0x395: {  	[sflag:s10] =	ssyncadd.s32 $0xFFFFC180  }
0x396: {  	[hbm:s28], [sflag:s3] =	dma.local [spmem:s11], $0x3E80  }
0x397: {  	_ =	swait.ge [sflag:s10], $0x3E80  }
0x398: {  	[sflag:s10] =	ssyncset.done $0x0  }
0x399: {  	[sflag:s10] =	ssyncadd.s32 $0xFFFFC180  }
0x39a: {  	[spmem:s11], [sflag:s3] =	dma.local [hbm:s26], $0x3E80  }
0x39b: {  	_ =	swait.ge [sflag:s10], $0x3E80  }
0x39c: {  	[sflag:s10] =	ssyncset.done $0x0  }
0x39d: {  	[sflag:s10] =	ssyncadd.s32 $0xFFFFC180  }
0x39e: {  	[hbm:s25], [sflag:s3] =	dma.local [spmem:s11], $0x3E80  }
0x39f: {  	_ =	swait.ge [sflag:s10], $0x3E80  }
0x3a0: {  	[sflag:s10] =	ssyncset.done $0x0  }
0x3a1: {  	[sflag:s10] =	ssyncadd.s32 $0xFFFFC180  }
0x3a2: {  	[spmem:s11], [sflag:s3] =	dma.local [hbm:s24], $0x3E80  }
0x3a3: {  	_ =	swait.ge [sflag:s10], $0x3E80  }
0x3a4: {  	[sflag:s10] =	ssyncset.done $0x0  }
0x3a5: {  	[sflag:s10] =	ssyncadd.s32 $0xFFFFC180  }
0x3a6: {  	[hbm:s23], [sflag:s3] =	dma.local [spmem:s11], $0x3E80  }
0x3a7: {  	_ =	swait.ge [sflag:s10], $0x3E80  }
0x3a8: {  	[sflag:s10] =	ssyncset.done $0x0  }
0x3a9: {  	[sflag:s10] =	ssyncadd.s32 $0xFFFFC180  }
0x3aa: {  	[spmem:s11], [sflag:s3] =	dma.local [hbm:s22], $0x3E80  }
0x3ab: {  	_ =	swait.ge [sflag:s10], $0x3E80  }
0x3ac: {  	[sflag:s10] =	ssyncset.done $0x0  }
0x3ad: {  	[sflag:s10] =	ssyncadd.s32 $0xFFFFC180  }
0x3ae: {  	[hbm:s20], [sflag:s3] =	dma.local [spmem:s11], $0x3E80  }
0x3af: {  	_ =	swait.ge [sflag:s10], $0x3E80  }
0x3b0: {  	[sflag:s10] =	ssyncset.done $0x0  }
0x3b1: {  	[sflag:s10] =	ssyncadd.s32 $0xFFFFC180  }
0x3b2: {  	[spmem:s11], [sflag:s3] =	dma.local [hbm:s19], $0x3E80  }
0x3b3: {  	_ =	swait.ge [sflag:s10], $0x3E80  }
0x3b4: {  	[sflag:s10] =	ssyncset.done $0x0  }
0x3b5: {  	[sflag:s10] =	ssyncadd.s32 $0xFFFFC180  }
0x3b6: {  	[hbm:s18], [sflag:s3] =	dma.local [spmem:s11], $0x3E80  }
0x3b7: {  	_ =	swait.ge [sflag:s10], $0x3E80  }
0x3b8: {  	[sflag:s10] =	ssyncset.done $0x0  }
0x3b9: {  	[sflag:s10] =	ssyncadd.s32 $0xFFFFC180  }
0x3ba: {  	[spmem:s11], [sflag:s3] =	dma.local [hbm:s17], $0x3E80  }
0x3bb: {  	_ =	swait.ge [sflag:s10], $0x3E80  }
0x3bc: {  	[sflag:s10] =	ssyncset.done $0x0  }
0x3bd: {  	[sflag:s10] =	ssyncadd.s32 $0xFFFFC180  }
0x3be: {  	[hbm:s16], [sflag:s3] =	dma.local [spmem:s11], $0x3E80  }
0x3bf: {  	_ =	swait.ge [sflag:s10], $0x3E80  }
0x3c0: {  	[sflag:s10] =	ssyncset.done $0x0  }
0x3c1: {  	s0 =	simm.s32 @!p1 $0x1;
	[sflag:s10] =	ssyncadd.s32 $0xFFFFC180  }
0x3c2: {  	[spmem:s21], [sflag:s3] =	dma.local @!p1 [hbm:s15], $0x3E80  }
0x3c3: {  	_ =	swait.ge @!p1 [sflag:s0], $0x3E80  }
0x3c4: {  	[sflag:s0] =	ssyncset.done @!p1 $0x0  }
0x3c5: {  	[sflag:s0] =	ssyncadd.s32 @!p1 $0xFFFFC180  }
0x3c6: {  	[hbm:s14], [sflag:s3] =	dma.local @!p1 [spmem:s21], $0x3E80  }
0x3c7: {  	_ =	swait.ge @!p1 [sflag:s0], $0x3E80  }
0x3c8: {  	[sflag:s0] =	ssyncset.done @!p1 $0x0  }
0x3c9: {  	[sflag:s0] =	ssyncadd.s32 @!p1 $0xFFFFC180  }
0x3ca: {  	[spmem:s11], [sflag:s3] =	dma.local [hbm:s13], $0x3E80  }
0x3cb: {  	_ =	swait.ge [sflag:s10], $0x3E80  }
0x3cc: {  	[sflag:s10] =	ssyncset.done $0x0  }
0x3cd: {  	[sflag:s10] =	ssyncadd.s32 $0xFFFFC180  }
0x3ce: {  	[hbm:s12], [sflag:s3] =	dma.local [spmem:s11], $0x3E80  }
0x3cf: {  	_ =	swait.ge [sflag:s10], $0x3E80  }
0x3d0: {  	[sflag:s10] =	ssyncset.done $0x0  }
0x3d1: {  	[sflag:s10] =	ssyncadd.s32 $0xFFFFC180  }
0x3d2: {  	[spmem:s11], [sflag:s3] =	dma.local [hbm:s9], $0x3E80  }
0x3d3: {  	_ =	swait.ge [sflag:s10], $0x3E80  }
0x3d4: {  	[sflag:s10] =	ssyncset.done $0x0  }
0x3d5: {  	[sflag:s10] =	ssyncadd.s32 $0xFFFFC180  }
0x3d6: {  	[hbm:s8], [sflag:s3] =	dma.local [spmem:s11], $0x3E80  }
0x3d7: {  	_ =	swait.ge [sflag:s10], $0x3E80  }
0x3d8: {  	[sflag:s10] =	ssyncset.done $0x0  }
0x3d9: {  	[sflag:s10] =	ssyncadd.s32 $0xFFFFC180  }
0x3da: {  	[spmem:s11], [sflag:s3] =	dma.local [hbm:s6], $0x3E80  }
0x3db: {  	_ =	swait.ge [sflag:s10], $0x3E80  }
0x3dc: {  	[sflag:s10] =	ssyncset.done $0x0  }
0x3dd: {  	[sflag:s10] =	ssyncadd.s32 $0xFFFFC180  }
0x3de: {  	[hbm:s5], [sflag:s3] =	dma.local [spmem:s11], $0x3E80  }
0x3df: {  	_ =	swait.ge [sflag:s10], $0x3E80  }
0x3e0: {  	[sflag:s10] =	ssyncset.done $0x0  }
0x3e1: {  	s0 =	simm.s32 @!p0 $0x1;
	[sflag:s10] =	ssyncadd.s32 $0xFFFFC180  }
0x3e2: {  	[spmem:s7], [sflag:s3] =	dma.local @!p0 [hbm:s4], $0x3E80  }
0x3e3: {  	_ =	swait.ge @!p0 [sflag:s0], $0x3E80  }
0x3e4: {  	[sflag:s0] =	ssyncset.done @!p0 $0x0  }
0x3e5: {  	[sflag:s0] =	ssyncadd.s32 @!p0 $0xFFFFC180  }
0x3e6: {  	[hbm:s2], [sflag:s3] =	dma.local @!p0 [spmem:s7], $0x3E80  }
0x3e7: {  	_ =	swait.ge @!p0 [sflag:s0], $0x3E80  }
0x3e8: {  	[sflag:s0] =	ssyncset.done @!p0 $0x0  }
0x3e9: {  	[sflag:s0] =	ssyncadd.s32 @!p0 $0xFFFFC180  }
0x3ea: {  	_ =	sfence.sel $0x180000  }
0x3eb: {  	[bflag:$0x0] =	sbarrier.arrive $0xFFFF  }
0x3ec: {  	_ =	strace $0x90000047  }
0x3ed: {  	s31 =	stileid.u32;
	[bflag:$0x2] =	sbarrier.arrive $0xFFFF  }
0x3ee: {  	p0 =	sne.s32 s31, $0x0;
	s0 =	rddreg [dreg:$0x3]  }
0x3ef: {  	s0 =	sadd.s32 @!p0 $0x100000, s0  }
0x3f0: {  	[sflag:s0] =	ssyncadd.tile.s32 @!p0 $0x1;
	_ =	shalt  }
.LBB2_1:
.Ltmp3:
0x3f1: {  	(pc) =	sbr.rel .LBB2_4-.Ltmp3, $2  }
0x3f2: {  	_ =	sdelay $0x2  }
0x3f3: {  	_ = 	snop  }
.Lfunc_end2:
_tile_overlayer_lowered:
.L_overlay_start_2:
0x3f4: {  	(tag) =	ssettag $0x2  }
0x3f5: {  	s0 =	rddreg [dreg:$0x0];
	s2 =	stileid.u32  }
0x3f6: {  	s1 =	rddreg [dreg:$0x1];
	p0 =	sne.s32 s2, $0x0  }
0x3f7: {  	s3 =	rddreg [dreg:$0x2];
	[bflag:$0x3] =	sbarrier.arrive $0xFFFF;
	s2 =	simm.s32 @!p0 $0x1C01  }
0x3f8: {  	[timem:s3], [sflag:s2] =	dma.local @!p0 [hbm:s0], s1  }
0x3f9: {  	s0 =	simm.s32 @!p0 $0x1  }
0x3fa: {  	_ =	swait.ge @!p0 [sflag:s0], s1  }
0x3fb: {  	s1 =	ssub.s32 @!p0 $0x0, s1;
	[sflag:s0] =	ssyncset.done @!p0 $0x0  }
0x3fc: {  	[sflag:s0] =	ssyncadd.s32 @!p0 s1  }
0x3fd: {  	[bflag:$0x3] =	sbarrier.arrive $0xFFFF  }
0x3fe: {  	_ =	shalt  }

</sc_bundles>
